<compile_context>
chip_gen: v7x
topology: tpu7x:2x2x1
jax: 0.10.2.dev20260603
libtpu: 0.0.44.dev20260713+nightly
codegen_flags: <defaults>
</compile_context>

<pallas_src>
import functools

import jax
import jax.numpy as jnp
from jax import lax
from jax.experimental import pallas as pl
from jax.experimental.pallas import tpu as pltpu
from jax.experimental.pallas import tpu_sc as plsc

B = 16384
D = 64
H = D // 2
AUDIO_SCALE = 1.0
METADATA_SCALE = 1.0

_info = plsc.get_sparse_core_info()
NC, NS = _info.num_cores, _info.num_subcores
NW = NC * NS
BPW = B // NW
NQ = BPW // 128
CH = 256
NCHK = BPW // CH
QC = CH // 128

CB = 16384
LB = 14
CBQ = CB // 4
LQ = 12
MQ = CBQ - 1


def _tp_pack(tableT, w):
    n = tableT.shape[1]
    grid = (n + CB - 1) // CB

    def body(t_ref, w_ref, o_ref):
        y = lax.dot_general(t_ref[...].astype(jnp.bfloat16),
                            w_ref[...].astype(jnp.bfloat16),
                            (((0,), (0,)), ((), ())),
                            preferred_element_type=jnp.float32)
        for qi in range(4):
            qs = y[qi * CBQ:(qi + 1) * CBQ]
            lo = lax.bitcast_convert_type(
                qs[:, :H].astype(jnp.bfloat16), jnp.uint16).astype(jnp.uint32)
            hi = lax.bitcast_convert_type(
                qs[:, H:].astype(jnp.bfloat16), jnp.uint16).astype(jnp.uint32)
            o_ref[:, qi * H:(qi + 1) * H] = lo | (hi << 16)

    return pl.pallas_call(
        body,
        grid=(grid,),
        in_specs=[
            pl.BlockSpec((D, CB), lambda i: (0, i)),
            pl.BlockSpec((D, D), lambda i: (0, 0)),
        ],
        out_specs=pl.BlockSpec((CBQ, 128), lambda i: (i, 0)),
        out_shape=jax.ShapeDtypeStruct((grid * CBQ, 128), jnp.uint32),
    )(tableT, w)


def _sc_meta_gather(nodes3, aid_tab, bid_tab, art_p, alb_p):
    mesh = plsc.VectorSubcoreMesh(core_axis_name="c", subcore_axis_name="s")

    @functools.partial(
        pl.kernel,
        mesh=mesh,
        out_type=(
            jax.ShapeDtypeStruct((B, 128), jnp.float32),
            jax.ShapeDtypeStruct((B, 128), jnp.float32),
            jax.ShapeDtypeStruct((NW, NQ, 128), jnp.int32),
            jax.ShapeDtypeStruct((NW, NQ, 128), jnp.int32),
        ),
        scratch_types=[
            pltpu.VMEM((NQ, 128), jnp.int32),
            pltpu.VMEM((NQ, 128), jnp.int32),
            pltpu.VMEM((NQ, 128), jnp.int32),
            pltpu.VMEM((NQ, 128), jnp.int32),
            pltpu.VMEM((NQ, 128), jnp.int32),
            pltpu.VMEM((CH, 128), jnp.float32),
            pltpu.VMEM((CH, 128), jnp.float32),
            pltpu.SemaphoreType.DMA,
            pltpu.SemaphoreType.DMA,
        ],
    )
    def k(nodes_hbm, aid_hbm, bid_hbm, atab_hbm, btab_hbm,
          art_out, alb_out, aid_out, bid_out,
          idx_v, aid_v, bid_v, aidr_v, bidr_v,
          art_v, alb_v, sem_ids, sem_tab):
        wid = lax.axis_index("s") * NC + lax.axis_index("c")
        pltpu.sync_copy(nodes_hbm.at[wid], idx_v)
        id_cps = []
        for q in range(NQ):
            id_cps.append(pltpu.async_copy(
                aid_hbm.at[idx_v.at[q]], aid_v.at[q], sem_ids))
            id_cps.append(pltpu.async_copy(
                bid_hbm.at[idx_v.at[q]], bid_v.at[q], sem_ids))
        for c in id_cps:
            c.wait()
        for q in range(NQ):
            for j in range(8):
                s = pl.ds(j * 16, 16)
                aidr_v[q, s] = lax.shift_right_logical(aid_v[q, s], 1)
                bidr_v[q, s] = lax.shift_right_logical(bid_v[q, s], 1)
        pltpu.sync_copy(aid_v, aid_out.at[wid])
        pltpu.sync_copy(bid_v, bid_out.at[wid])
        for h in range(NCHK):
            cbase = wid * BPW + h * CH
            tab_cps = []
            for qc in range(QC):
                q = h * QC + qc
                tab_cps.append(pltpu.async_copy(
                    atab_hbm.at[aidr_v.at[q]],
                    art_v.at[pl.ds(qc * 128, 128)], sem_tab))
                tab_cps.append(pltpu.async_copy(
                    btab_hbm.at[bidr_v.at[q]],
                    alb_v.at[pl.ds(qc * 128, 128)], sem_tab))
            for c in tab_cps:
                c.wait()
            pltpu.sync_copy(art_v, art_out.at[pl.ds(cbase, CH)])
            pltpu.sync_copy(alb_v, alb_out.at[pl.ds(cbase, CH)])

    return k(nodes3, aid_tab, bid_tab, art_p, alb_p)


def _sc_audio_gather(nodesr3, audio_p):
    mesh = plsc.VectorSubcoreMesh(core_axis_name="c", subcore_axis_name="s")

    @functools.partial(
        pl.kernel,
        mesh=mesh,
        out_type=jax.ShapeDtypeStruct((B, 128), jnp.uint32),
        scratch_types=[
            pltpu.VMEM((NQ, 128), jnp.int32),
            pltpu.VMEM((BPW, 128), jnp.uint32),
            pltpu.SemaphoreType.DMA,
        ],
    )
    def k(nodesr_hbm, audio_hbm, audio_out, idxr_v, audio_v, sem):
        wid = lax.axis_index("s") * NC + lax.axis_index("c")
        pltpu.sync_copy(nodesr_hbm.at[wid], idxr_v)
        cps = []
        for q in range(NQ):
            cps.append(pltpu.async_copy(
                audio_hbm.at[idxr_v.at[q]],
                audio_v.at[pl.ds(q * 128, 128)], sem))
        for c in cps:
            c.wait()
        pltpu.sync_copy(audio_v, audio_out.at[pl.ds(wid * BPW, BPW)])

    return k(nodesr3, audio_p)


BLK = 4096


def _unpack_select(g, idv):
    b0 = ((idv >> LQ) & 1) == 1
    b1 = ((idv >> (LQ + 1)) & 1) == 1
    q01 = jnp.where(b0, g[:, H:2 * H], g[:, :H])
    q23 = jnp.where(b0, g[:, 3 * H:], g[:, 2 * H:3 * H])
    q = jnp.where(b1, q23, q01)
    e = lax.bitcast_convert_type(q << 16, jnp.float32)
    o = lax.bitcast_convert_type(q & jnp.uint32(0xFFFF0000), jnp.float32)
    return jnp.concatenate([e, o], axis=1)


def _tc_combine(audioG, artG, albG, nid, aid1, bid1, wm, b2):
    def body(a_ref, r_ref, l_ref, ni_ref, ai_ref, bi_ref, w_ref, b_ref, o_ref):
        pa = _unpack_select(a_ref[...], ni_ref[...])
        r2 = r_ref[...]
        l2 = l_ref[...]
        pf = (ai_ref[...] & 1).astype(jnp.float32)
        lf = (bi_ref[...] & 1).astype(jnp.float32)
        r = r2[:, :D] + pf * (r2[:, D:] - r2[:, :D])
        l = l2[:, :D] + lf * (l2[:, D:] - l2[:, :D])
        m = (r + l).astype(jnp.bfloat16)
        mp = lax.dot_general(m, w_ref[...].astype(jnp.bfloat16),
                             (((1,), (0,)), ((), ())),
                             preferred_element_type=jnp.float32)
        y = pa + mp + b_ref[...]
        s = jnp.sum(y * y, axis=-1, keepdims=True)
        n = jnp.sqrt(s)
        o_ref[...] = y / jnp.maximum(n, 1e-12)

    return pl.pallas_call(
        body,
        grid=(B // BLK,),
        in_specs=[
            pl.BlockSpec((BLK, 128), lambda i: (i, 0)),
            pl.BlockSpec((BLK, 128), lambda i: (i, 0)),
            pl.BlockSpec((BLK, 128), lambda i: (i, 0)),
            pl.BlockSpec((BLK, 1), lambda i: (i, 0)),
            pl.BlockSpec((BLK, 1), lambda i: (i, 0)),
            pl.BlockSpec((BLK, 1), lambda i: (i, 0)),
            pl.BlockSpec((D, D), lambda i: (0, 0)),
            pl.BlockSpec((1, D), lambda i: (0, 0)),
        ],
        out_specs=pl.BlockSpec((BLK, D), lambda i: (i, 0)),
        out_shape=jax.ShapeDtypeStruct((B, D), jnp.float32),
    )(audioG, artG, albG, nid, aid1, bid1, wm, b2)


def _packed_row(r):
    return ((r >> LB) << LQ) | (r & MQ)


def kernel(item_nodes, item_audio_emb, artist_ids, album_ids,
           artist_table, album_table, W, b):
    nodes = item_nodes.astype(jnp.int32)
    wa = W[:D] * jnp.float32(AUDIO_SCALE)
    wm = W[D:] * jnp.float32(METADATA_SCALE)
    art2 = artist_table.reshape(artist_table.shape[0] // 2, 128)
    alb2 = album_table.reshape(album_table.shape[0] // 2, 128)
    nodes3 = nodes.reshape(NW, NQ, 128)
    nodesr3 = _packed_row(nodes).reshape(NW, NQ, 128)
    artG, albG, aidO, bidO = _sc_meta_gather(
        nodes3, artist_ids.astype(jnp.int32), album_ids.astype(jnp.int32),
        art2, alb2)
    audP = _tp_pack(item_audio_emb.T, wa)
    audioG = _sc_audio_gather(nodesr3, audP)
    nid = nodes.reshape(B, 1)
    aid1 = aidO.reshape(B, 1)
    bid1 = bidO.reshape(B, 1)
    return _tc_combine(audioG, artG, albG, nid, aid1, bid1, wm,
                       b.reshape(1, D))

# --- scband reference (transcript-rebuilt; emitter-appended) ---
"""Pipeline reference for scband-embedding-layer-82489141887089 (READ-ONLY COPY).

The authoritative reference and input builder live on the scoring server;
editing this copy changes nothing except your own understanding.
"""

import jax, jax.numpy as jnp
import numpy as np

NUM_ITEMS = 1000000
NUM_ARTISTS = 100000
NUM_ALBUMS = 100000
EMBED_DIM = 64
BATCH = 16384
AUDIO_SCALE = 1.0
METADATA_SCALE = 1.0


def setup_inputs(seed: int = 0) -> dict:
    key = jax.random.key(seed)
    ks = jax.random.split(key, 9)
    item_nodes = jax.random.randint(ks[0], (BATCH,), 0, NUM_ITEMS)
    item_audio_emb = jax.random.normal(ks[1], (NUM_ITEMS, EMBED_DIM), dtype=jnp.float32)
    artist_ids = jax.random.randint(ks[2], (NUM_ITEMS,), 0, NUM_ARTISTS)
    album_ids = jax.random.randint(ks[3], (NUM_ITEMS,), 0, NUM_ALBUMS)
    lim_artist = float(np.sqrt(6.0 / (NUM_ARTISTS + EMBED_DIM)))
    lim_album = float(np.sqrt(6.0 / (NUM_ALBUMS + EMBED_DIM)))
    artist_table = jax.random.uniform(ks[4], (NUM_ARTISTS, EMBED_DIM), minval=-lim_artist, maxval=lim_artist, dtype=jnp.float32)
    album_table = jax.random.uniform(ks[5], (NUM_ALBUMS, EMBED_DIM), minval=-lim_album, maxval=lim_album, dtype=jnp.float32)
    lim_w = float(np.sqrt(1.0 / (2 * EMBED_DIM)))
    W = jax.random.uniform(ks[6], (2 * EMBED_DIM, EMBED_DIM), minval=-lim_w, maxval=lim_w, dtype=jnp.float32)
    b = jax.random.uniform(ks[7], (EMBED_DIM,), minval=-lim_w, maxval=lim_w, dtype=jnp.float32)
    return {
        "item_nodes": item_nodes,
        "item_audio_emb": item_audio_emb,
        "artist_ids": artist_ids,
        "album_ids": album_ids,
        "artist_table": artist_table,
        "album_table": album_table,
        "W": W,
        "b": b,
    }


def reference(item_nodes, item_audio_emb, artist_ids, album_ids, artist_table, album_table, W, b):
    # get_item_embeddings path
    item_audio = jnp.take(item_audio_emb, item_nodes, axis=0)
    artist_ids_batch = jnp.take(artist_ids, item_nodes, axis=0)
    album_ids_batch = jnp.take(album_ids, item_nodes, axis=0)
    artist_emb = jnp.take(artist_table, artist_ids_batch, axis=0)
    album_emb = jnp.take(album_table, album_ids_batch, axis=0)
    audio_part = item_audio * AUDIO_SCALE
    metadata_part = (artist_emb + album_emb) * METADATA_SCALE
    item_embed = jnp.concatenate([audio_part, metadata_part], axis=-1)
    item_embed = item_embed @ W + b
    norm = jnp.linalg.norm(item_embed, ord=2, axis=-1, keepdims=True)
    item_embed = item_embed / jnp.maximum(norm, 1e-12)
    return item_embed

if __name__ == "__main__":
    import jax
    _d = setup_inputs()
    print(jax.jit(kernel)(*tuple(_d.values())))

</pallas_src>

<mosaic_0001>
#map = affine_map<(d0, d1) -> (0, 0, 0)>
#map1 = affine_map<(d0, d1) -> (0)>
#map2 = affine_map<(d0, d1) -> (0, 0)>
module attributes {stable_mosaic.version = 14 : i64} {
  func.func @k(%arg0: i32, %arg1: i32, %arg2: memref<32x4x128xi32, #tpu.memory_space<hbm>>, %arg3: memref<1000000xi32, #tpu.memory_space<hbm>>, %arg4: memref<1000000xi32, #tpu.memory_space<hbm>>, %arg5: memref<50000x128xf32, #tpu.memory_space<hbm>>, %arg6: memref<50000x128xf32, #tpu.memory_space<hbm>>, %arg7: memref<16384x128xf32, #tpu.memory_space<hbm>>, %arg8: memref<16384x128xf32, #tpu.memory_space<hbm>>, %arg9: memref<32x4x128xi32, #tpu.memory_space<hbm>>, %arg10: memref<32x4x128xi32, #tpu.memory_space<hbm>>, %arg11: memref<4x128xi32, #tpu.memory_space<vmem>>, %arg12: memref<4x128xi32, #tpu.memory_space<vmem>>, %arg13: memref<4x128xi32, #tpu.memory_space<vmem>>, %arg14: memref<4x128xi32, #tpu.memory_space<vmem>>, %arg15: memref<4x128xi32, #tpu.memory_space<vmem>>, %arg16: memref<256x128xf32, #tpu.memory_space<vmem>>, %arg17: memref<256x128xf32, #tpu.memory_space<vmem>>, %arg18: memref<!tpu.dma_semaphore, #tpu.memory_space<semaphore_mem>>, %arg19: memref<!tpu.dma_semaphore, #tpu.memory_space<semaphore_mem>>) attributes {dimension_semantics = [#tpu.dimension_semantics<core_parallel>, #tpu.dimension_semantics<subcore_parallel>], iteration_bounds = array<i64: 2, 16>, scalar_prefetch = 0 : i64, scratch_operands = 9 : i64, tpu.core_type = #tpu.core_type<sc_vector_subcore>, window_params = [{transform_indices = #map}, {transform_indices = #map1}, {transform_indices = #map1}, {transform_indices = #map2}, {transform_indices = #map2}, {transform_indices = #map2}, {transform_indices = #map2}, {transform_indices = #map}, {transform_indices = #map}]} {
    %mul3A = arith.constant 2 : i32
    %mul3A_0 = arith.muli %arg1, %mul3A : i32
    %add3A = arith.addi %mul3A_0, %arg0 : i32
    "tpu.region"() ({
      %run_scoped3A = tpu.sem_alloc : memref<!tpu.dma_semaphore, #tpu.memory_space<semaphore_mem>>
      %dma_start3A_1220 = arith.constant 0 : i32
      %dma_start3A_1221 = arith.constant 0 : i32
      %dma_start3A_1222 = tpu.memref_slice %arg2[%add3A, %dma_start3A_1220, %dma_start3A_1221] : memref<32x4x128xi32, #tpu.memory_space<hbm>> -> memref<1x4x128xi32, #tpu.memory_space<hbm>>
      %dma_start3A_1223 = tpu.memref_squeeze %dma_start3A_1222 : memref<1x4x128xi32, #tpu.memory_space<hbm>> -> memref<4x128xi32, #tpu.memory_space<hbm>>
      %dma_start3A_1224 = arith.constant 0 : i32
      %dma_start3A_1225 = arith.constant 0 : i32
      %dma_start3A_1226 = tpu.memref_slice %arg2[%add3A, %dma_start3A_1224, %dma_start3A_1225] : memref<32x4x128xi32, #tpu.memory_space<hbm>> -> memref<1x4x128xi32, #tpu.memory_space<hbm>>
      %dma_start3A_1227 = tpu.memref_squeeze %dma_start3A_1226 : memref<1x4x128xi32, #tpu.memory_space<hbm>> -> memref<4x128xi32, #tpu.memory_space<hbm>>
      tpu.enqueue_dma source(%dma_start3A_1227 : memref<4x128xi32, #tpu.memory_space<hbm>>) target(%arg11 : memref<4x128xi32, #tpu.memory_space<vmem>>) target_semaphore(%run_scoped3A : memref<!tpu.dma_semaphore, #tpu.memory_space<semaphore_mem>>)
      %dma_wait3A_1228 = arith.constant 0 : i32
      %dma_wait3A_1229 = arith.constant 0 : i32
      %dma_wait3A_1230 = tpu.memref_slice %arg2[%add3A, %dma_wait3A_1228, %dma_wait3A_1229] : memref<32x4x128xi32, #tpu.memory_space<hbm>> -> memref<1x4x128xi32, #tpu.memory_space<hbm>>
      %dma_wait3A_1231 = tpu.memref_squeeze %dma_wait3A_1230 : memref<1x4x128xi32, #tpu.memory_space<hbm>> -> memref<4x128xi32, #tpu.memory_space<hbm>>
      %dma_wait3A_1232 = arith.constant 0 : i32
      %dma_wait3A_1233 = arith.constant 0 : i32
      %dma_wait3A_1234 = tpu.memref_slice %arg2[%add3A, %dma_wait3A_1232, %dma_wait3A_1233] : memref<32x4x128xi32, #tpu.memory_space<hbm>> -> memref<1x4x128xi32, #tpu.memory_space<hbm>>
      %dma_wait3A_1235 = tpu.memref_squeeze %dma_wait3A_1234 : memref<1x4x128xi32, #tpu.memory_space<hbm>> -> memref<4x128xi32, #tpu.memory_space<hbm>>
      tpu.wait_dma2 semaphore(%run_scoped3A : memref<!tpu.dma_semaphore, #tpu.memory_space<semaphore_mem>>) src(%dma_wait3A_1235 : memref<4x128xi32, #tpu.memory_space<hbm>>) dst(%arg11 : memref<4x128xi32, #tpu.memory_space<vmem>>)
      tpu.yield
    }) : () -> ()
    %dma_start3A = arith.constant 0 : i32
    %dma_start3A_1 = arith.constant 0 : i32
    %dma_start3A_2 = arith.constant 0 : i32
    %dma_start3A_3 = tpu.memref_slice %arg12[%dma_start3A_1, %dma_start3A_2] : memref<4x128xi32, #tpu.memory_space<vmem>> -> memref<1x128xi32, #tpu.memory_space<vmem>>
    %dma_start3A_4 = tpu.memref_squeeze %dma_start3A_3 : memref<1x128xi32, #tpu.memory_space<vmem>> -> memref<128xi32, #tpu.memory_space<vmem>>
    %dma_start3A_5 = arith.constant 0 : i32
    %dma_start3A_6 = tpu.memref_slice %arg11[%dma_start3A, %dma_start3A_5] : memref<4x128xi32, #tpu.memory_space<vmem>> -> memref<1x128xi32, #tpu.memory_space<vmem>>
    %dma_start3A_7 = tpu.memref_squeeze %dma_start3A_6 : memref<1x128xi32, #tpu.memory_space<vmem>> -> memref<128xi32, #tpu.memory_space<vmem>>
    %dma_start3A_8 = arith.constant 0 : i32
    %dma_start3A_9 = tpu.memref_slice %arg3[%dma_start3A_8] : memref<1000000xi32, #tpu.memory_space<hbm>> -> memref<1000000xi32, #tpu.memory_space<hbm>>
    tpu.enqueue_indirect_dma source(%dma_start3A_9 : memref<1000000xi32, #tpu.memory_space<hbm>>) target(%dma_start3A_4 : memref<128xi32, #tpu.memory_space<vmem>>) offsets(%dma_start3A_7 : memref<128xi32, #tpu.memory_space<vmem>>) semaphore(%arg18 : memref<!tpu.dma_semaphore, #tpu.memory_space<semaphore_mem>>)
    %dma_start3A_10 = arith.constant 0 : i32
    %dma_start3A_11 = arith.constant 0 : i32
    %dma_start3A_12 = arith.constant 0 : i32
    %dma_start3A_13 = tpu.memref_slice %arg13[%dma_start3A_11, %dma_start3A_12] : memref<4x128xi32, #tpu.memory_space<vmem>> -> memref<1x128xi32, #tpu.memory_space<vmem>>
    %dma_start3A_14 = tpu.memref_squeeze %dma_start3A_13 : memref<1x128xi32, #tpu.memory_space<vmem>> -> memref<128xi32, #tpu.memory_space<vmem>>
    %dma_start3A_15 = arith.constant 0 : i32
    %dma_start3A_16 = tpu.memref_slice %arg11[%dma_start3A_10, %dma_start3A_15] : memref<4x128xi32, #tpu.memory_space<vmem>> -> memref<1x128xi32, #tpu.memory_space<vmem>>
    %dma_start3A_17 = tpu.memref_squeeze %dma_start3A_16 : memref<1x128xi32, #tpu.memory_space<vmem>> -> memref<128xi32, #tpu.memory_space<vmem>>
    %dma_start3A_18 = arith.constant 0 : i32
    %dma_start3A_19 = tpu.memref_slice %arg4[%dma_start3A_18] : memref<1000000xi32, #tpu.memory_space<hbm>> -> memref<1000000xi32, #tpu.memory_space<hbm>>
    tpu.enqueue_indirect_dma source(%dma_start3A_19 : memref<1000000xi32, #tpu.memory_space<hbm>>) target(%dma_start3A_14 : memref<128xi32, #tpu.memory_space<vmem>>) offsets(%dma_start3A_17 : memref<128xi32, #tpu.memory_space<vmem>>) semaphore(%arg18 : memref<!tpu.dma_semaphore, #tpu.memory_space<semaphore_mem>>)
    %dma_start3A_20 = arith.constant 1 : i32
    %dma_start3A_21 = arith.constant 1 : i32
    %dma_start3A_22 = arith.constant 0 : i32
    %dma_start3A_23 = tpu.memref_slice %arg12[%dma_start3A_21, %dma_start3A_22] : memref<4x128xi32, #tpu.memory_space<vmem>> -> memref<1x128xi32, #tpu.memory_space<vmem>>
    %dma_start3A_24 = tpu.memref_squeeze %dma_start3A_23 : memref<1x128xi32, #tpu.memory_space<vmem>> -> memref<128xi32, #tpu.memory_space<vmem>>
    %dma_start3A_25 = arith.constant 0 : i32
    %dma_start3A_26 = tpu.memref_slice %arg11[%dma_start3A_20, %dma_start3A_25] : memref<4x128xi32, #tpu.memory_space<vmem>> -> memref<1x128xi32, #tpu.memory_space<vmem>>
    %dma_start3A_27 = tpu.memref_squeeze %dma_start3A_26 : memref<1x128xi32, #tpu.memory_space<vmem>> -> memref<128xi32, #tpu.memory_space<vmem>>
    %dma_start3A_28 = arith.constant 0 : i32
    %dma_start3A_29 = tpu.memref_slice %arg3[%dma_start3A_28] : memref<1000000xi32, #tpu.memory_space<hbm>> -> memref<1000000xi32, #tpu.memory_space<hbm>>
    tpu.enqueue_indirect_dma source(%dma_start3A_29 : memref<1000000xi32, #tpu.memory_space<hbm>>) target(%dma_start3A_24 : memref<128xi32, #tpu.memory_space<vmem>>) offsets(%dma_start3A_27 : memref<128xi32, #tpu.memory_space<vmem>>) semaphore(%arg18 : memref<!tpu.dma_semaphore, #tpu.memory_space<semaphore_mem>>)
    %dma_start3A_30 = arith.constant 1 : i32
    %dma_start3A_31 = arith.constant 1 : i32
    %dma_start3A_32 = arith.constant 0 : i32
    %dma_start3A_33 = tpu.memref_slice %arg13[%dma_start3A_31, %dma_start3A_32] : memref<4x128xi32, #tpu.memory_space<vmem>> -> memref<1x128xi32, #tpu.memory_space<vmem>>
    %dma_start3A_34 = tpu.memref_squeeze %dma_start3A_33 : memref<1x128xi32, #tpu.memory_space<vmem>> -> memref<128xi32, #tpu.memory_space<vmem>>
    %dma_start3A_35 = arith.constant 0 : i32
    %dma_start3A_36 = tpu.memref_slice %arg11[%dma_start3A_30, %dma_start3A_35] : memref<4x128xi32, #tpu.memory_space<vmem>> -> memref<1x128xi32, #tpu.memory_space<vmem>>
    %dma_start3A_37 = tpu.memref_squeeze %dma_start3A_36 : memref<1x128xi32, #tpu.memory_space<vmem>> -> memref<128xi32, #tpu.memory_space<vmem>>
    %dma_start3A_38 = arith.constant 0 : i32
    %dma_start3A_39 = tpu.memref_slice %arg4[%dma_start3A_38] : memref<1000000xi32, #tpu.memory_space<hbm>> -> memref<1000000xi32, #tpu.memory_space<hbm>>
    tpu.enqueue_indirect_dma source(%dma_start3A_39 : memref<1000000xi32, #tpu.memory_space<hbm>>) target(%dma_start3A_34 : memref<128xi32, #tpu.memory_space<vmem>>) offsets(%dma_start3A_37 : memref<128xi32, #tpu.memory_space<vmem>>) semaphore(%arg18 : memref<!tpu.dma_semaphore, #tpu.memory_space<semaphore_mem>>)
    %dma_start3A_40 = arith.constant 2 : i32
    %dma_start3A_41 = arith.constant 2 : i32
    %dma_start3A_42 = arith.constant 0 : i32
    %dma_start3A_43 = tpu.memref_slice %arg12[%dma_start3A_41, %dma_start3A_42] : memref<4x128xi32, #tpu.memory_space<vmem>> -> memref<1x128xi32, #tpu.memory_space<vmem>>
    %dma_start3A_44 = tpu.memref_squeeze %dma_start3A_43 : memref<1x128xi32, #tpu.memory_space<vmem>> -> memref<128xi32, #tpu.memory_space<vmem>>
    %dma_start3A_45 = arith.constant 0 : i32
    %dma_start3A_46 = tpu.memref_slice %arg11[%dma_start3A_40, %dma_start3A_45] : memref<4x128xi32, #tpu.memory_space<vmem>> -> memref<1x128xi32, #tpu.memory_space<vmem>>
    %dma_start3A_47 = tpu.memref_squeeze %dma_start3A_46 : memref<1x128xi32, #tpu.memory_space<vmem>> -> memref<128xi32, #tpu.memory_space<vmem>>
    %dma_start3A_48 = arith.constant 0 : i32
    %dma_start3A_49 = tpu.memref_slice %arg3[%dma_start3A_48] : memref<1000000xi32, #tpu.memory_space<hbm>> -> memref<1000000xi32, #tpu.memory_space<hbm>>
    tpu.enqueue_indirect_dma source(%dma_start3A_49 : memref<1000000xi32, #tpu.memory_space<hbm>>) target(%dma_start3A_44 : memref<128xi32, #tpu.memory_space<vmem>>) offsets(%dma_start3A_47 : memref<128xi32, #tpu.memory_space<vmem>>) semaphore(%arg18 : memref<!tpu.dma_semaphore, #tpu.memory_space<semaphore_mem>>)
    %dma_start3A_50 = arith.constant 2 : i32
    %dma_start3A_51 = arith.constant 2 : i32
    %dma_start3A_52 = arith.constant 0 : i32
    %dma_start3A_53 = tpu.memref_slice %arg13[%dma_start3A_51, %dma_start3A_52] : memref<4x128xi32, #tpu.memory_space<vmem>> -> memref<1x128xi32, #tpu.memory_space<vmem>>
    %dma_start3A_54 = tpu.memref_squeeze %dma_start3A_53 : memref<1x128xi32, #tpu.memory_space<vmem>> -> memref<128xi32, #tpu.memory_space<vmem>>
    %dma_start3A_55 = arith.constant 0 : i32
    %dma_start3A_56 = tpu.memref_slice %arg11[%dma_start3A_50, %dma_start3A_55] : memref<4x128xi32, #tpu.memory_space<vmem>> -> memref<1x128xi32, #tpu.memory_space<vmem>>
    %dma_start3A_57 = tpu.memref_squeeze %dma_start3A_56 : memref<1x128xi32, #tpu.memory_space<vmem>> -> memref<128xi32, #tpu.memory_space<vmem>>
    %dma_start3A_58 = arith.constant 0 : i32
    %dma_start3A_59 = tpu.memref_slice %arg4[%dma_start3A_58] : memref<1000000xi32, #tpu.memory_space<hbm>> -> memref<1000000xi32, #tpu.memory_space<hbm>>
    tpu.enqueue_indirect_dma source(%dma_start3A_59 : memref<1000000xi32, #tpu.memory_space<hbm>>) target(%dma_start3A_54 : memref<128xi32, #tpu.memory_space<vmem>>) offsets(%dma_start3A_57 : memref<128xi32, #tpu.memory_space<vmem>>) semaphore(%arg18 : memref<!tpu.dma_semaphore, #tpu.memory_space<semaphore_mem>>)
    %dma_start3A_60 = arith.constant 3 : i32
    %dma_start3A_61 = arith.constant 3 : i32
    %dma_start3A_62 = arith.constant 0 : i32
    %dma_start3A_63 = tpu.memref_slice %arg12[%dma_start3A_61, %dma_start3A_62] : memref<4x128xi32, #tpu.memory_space<vmem>> -> memref<1x128xi32, #tpu.memory_space<vmem>>
    %dma_start3A_64 = tpu.memref_squeeze %dma_start3A_63 : memref<1x128xi32, #tpu.memory_space<vmem>> -> memref<128xi32, #tpu.memory_space<vmem>>
    %dma_start3A_65 = arith.constant 0 : i32
    %dma_start3A_66 = tpu.memref_slice %arg11[%dma_start3A_60, %dma_start3A_65] : memref<4x128xi32, #tpu.memory_space<vmem>> -> memref<1x128xi32, #tpu.memory_space<vmem>>
    %dma_start3A_67 = tpu.memref_squeeze %dma_start3A_66 : memref<1x128xi32, #tpu.memory_space<vmem>> -> memref<128xi32, #tpu.memory_space<vmem>>
    %dma_start3A_68 = arith.constant 0 : i32
    %dma_start3A_69 = tpu.memref_slice %arg3[%dma_start3A_68] : memref<1000000xi32, #tpu.memory_space<hbm>> -> memref<1000000xi32, #tpu.memory_space<hbm>>
    tpu.enqueue_indirect_dma source(%dma_start3A_69 : memref<1000000xi32, #tpu.memory_space<hbm>>) target(%dma_start3A_64 : memref<128xi32, #tpu.memory_space<vmem>>) offsets(%dma_start3A_67 : memref<128xi32, #tpu.memory_space<vmem>>) semaphore(%arg18 : memref<!tpu.dma_semaphore, #tpu.memory_space<semaphore_mem>>)
    %dma_start3A_70 = arith.constant 3 : i32
    %dma_start3A_71 = arith.constant 3 : i32
    %dma_start3A_72 = arith.constant 0 : i32
    %dma_start3A_73 = tpu.memref_slice %arg13[%dma_start3A_71, %dma_start3A_72] : memref<4x128xi32, #tpu.memory_space<vmem>> -> memref<1x128xi32, #tpu.memory_space<vmem>>
    %dma_start3A_74 = tpu.memref_squeeze %dma_start3A_73 : memref<1x128xi32, #tpu.memory_space<vmem>> -> memref<128xi32, #tpu.memory_space<vmem>>
    %dma_start3A_75 = arith.constant 0 : i32
    %dma_start3A_76 = tpu.memref_slice %arg11[%dma_start3A_70, %dma_start3A_75] : memref<4x128xi32, #tpu.memory_space<vmem>> -> memref<1x128xi32, #tpu.memory_space<vmem>>
    %dma_start3A_77 = tpu.memref_squeeze %dma_start3A_76 : memref<1x128xi32, #tpu.memory_space<vmem>> -> memref<128xi32, #tpu.memory_space<vmem>>
    %dma_start3A_78 = arith.constant 0 : i32
    %dma_start3A_79 = tpu.memref_slice %arg4[%dma_start3A_78] : memref<1000000xi32, #tpu.memory_space<hbm>> -> memref<1000000xi32, #tpu.memory_space<hbm>>
    tpu.enqueue_indirect_dma source(%dma_start3A_79 : memref<1000000xi32, #tpu.memory_space<hbm>>) target(%dma_start3A_74 : memref<128xi32, #tpu.memory_space<vmem>>) offsets(%dma_start3A_77 : memref<128xi32, #tpu.memory_space<vmem>>) semaphore(%arg18 : memref<!tpu.dma_semaphore, #tpu.memory_space<semaphore_mem>>)
    %dma_wait3A = arith.constant 0 : i32
    %dma_wait3A_80 = arith.constant 0 : i32
    %dma_wait3A_81 = arith.constant 0 : i32
    %dma_wait3A_82 = tpu.memref_slice %arg12[%dma_wait3A_80, %dma_wait3A_81] : memref<4x128xi32, #tpu.memory_space<vmem>> -> memref<1x128xi32, #tpu.memory_space<vmem>>
    %dma_wait3A_83 = tpu.memref_squeeze %dma_wait3A_82 : memref<1x128xi32, #tpu.memory_space<vmem>> -> memref<128xi32, #tpu.memory_space<vmem>>
    %dma_wait3A_84 = arith.constant 0 : i32
    %dma_wait3A_85 = tpu.memref_slice %arg11[%dma_wait3A, %dma_wait3A_84] : memref<4x128xi32, #tpu.memory_space<vmem>> -> memref<1x128xi32, #tpu.memory_space<vmem>>
    %dma_wait3A_86 = tpu.memref_squeeze %dma_wait3A_85 : memref<1x128xi32, #tpu.memory_space<vmem>> -> memref<128xi32, #tpu.memory_space<vmem>>
    %dma_wait3A_87 = arith.constant 0 : i32
    %dma_wait3A_88 = tpu.memref_slice %arg3[%dma_wait3A_87] : memref<1000000xi32, #tpu.memory_space<hbm>> -> memref<1000000xi32, #tpu.memory_space<hbm>>
    tpu.wait_indirect_dma semaphore(%arg18 : memref<!tpu.dma_semaphore, #tpu.memory_space<semaphore_mem>>) src(%dma_wait3A_88 : memref<1000000xi32, #tpu.memory_space<hbm>>) dst(%dma_wait3A_83 : memref<128xi32, #tpu.memory_space<vmem>>)
    %dma_wait3A_89 = arith.constant 0 : i32
    %dma_wait3A_90 = arith.constant 0 : i32
    %dma_wait3A_91 = arith.constant 0 : i32
    %dma_wait3A_92 = tpu.memref_slice %arg13[%dma_wait3A_90, %dma_wait3A_91] : memref<4x128xi32, #tpu.memory_space<vmem>> -> memref<1x128xi32, #tpu.memory_space<vmem>>
    %dma_wait3A_93 = tpu.memref_squeeze %dma_wait3A_92 : memref<1x128xi32, #tpu.memory_space<vmem>> -> memref<128xi32, #tpu.memory_space<vmem>>
    %dma_wait3A_94 = arith.constant 0 : i32
    %dma_wait3A_95 = tpu.memref_slice %arg11[%dma_wait3A_89, %dma_wait3A_94] : memref<4x128xi32, #tpu.memory_space<vmem>> -> memref<1x128xi32, #tpu.memory_space<vmem>>
    %dma_wait3A_96 = tpu.memref_squeeze %dma_wait3A_95 : memref<1x128xi32, #tpu.memory_space<vmem>> -> memref<128xi32, #tpu.memory_space<vmem>>
    %dma_wait3A_97 = arith.constant 0 : i32
    %dma_wait3A_98 = tpu.memref_slice %arg4[%dma_wait3A_97] : memref<1000000xi32, #tpu.memory_space<hbm>> -> memref<1000000xi32, #tpu.memory_space<hbm>>
    tpu.wait_indirect_dma semaphore(%arg18 : memref<!tpu.dma_semaphore, #tpu.memory_space<semaphore_mem>>) src(%dma_wait3A_98 : memref<1000000xi32, #tpu.memory_space<hbm>>) dst(%dma_wait3A_93 : memref<128xi32, #tpu.memory_space<vmem>>)
    %dma_wait3A_99 = arith.constant 1 : i32
    %dma_wait3A_100 = arith.constant 1 : i32
    %dma_wait3A_101 = arith.constant 0 : i32
    %dma_wait3A_102 = tpu.memref_slice %arg12[%dma_wait3A_100, %dma_wait3A_101] : memref<4x128xi32, #tpu.memory_space<vmem>> -> memref<1x128xi32, #tpu.memory_space<vmem>>
    %dma_wait3A_103 = tpu.memref_squeeze %dma_wait3A_102 : memref<1x128xi32, #tpu.memory_space<vmem>> -> memref<128xi32, #tpu.memory_space<vmem>>
    %dma_wait3A_104 = arith.constant 0 : i32
    %dma_wait3A_105 = tpu.memref_slice %arg11[%dma_wait3A_99, %dma_wait3A_104] : memref<4x128xi32, #tpu.memory_space<vmem>> -> memref<1x128xi32, #tpu.memory_space<vmem>>
    %dma_wait3A_106 = tpu.memref_squeeze %dma_wait3A_105 : memref<1x128xi32, #tpu.memory_space<vmem>> -> memref<128xi32, #tpu.memory_space<vmem>>
    %dma_wait3A_107 = arith.constant 0 : i32
    %dma_wait3A_108 = tpu.memref_slice %arg3[%dma_wait3A_107] : memref<1000000xi32, #tpu.memory_space<hbm>> -> memref<1000000xi32, #tpu.memory_space<hbm>>
    tpu.wait_indirect_dma semaphore(%arg18 : memref<!tpu.dma_semaphore, #tpu.memory_space<semaphore_mem>>) src(%dma_wait3A_108 : memref<1000000xi32, #tpu.memory_space<hbm>>) dst(%dma_wait3A_103 : memref<128xi32, #tpu.memory_space<vmem>>)
    %dma_wait3A_109 = arith.constant 1 : i32
    %dma_wait3A_110 = arith.constant 1 : i32
    %dma_wait3A_111 = arith.constant 0 : i32
    %dma_wait3A_112 = tpu.memref_slice %arg13[%dma_wait3A_110, %dma_wait3A_111] : memref<4x128xi32, #tpu.memory_space<vmem>> -> memref<1x128xi32, #tpu.memory_space<vmem>>
    %dma_wait3A_113 = tpu.memref_squeeze %dma_wait3A_112 : memref<1x128xi32, #tpu.memory_space<vmem>> -> memref<128xi32, #tpu.memory_space<vmem>>
    %dma_wait3A_114 = arith.constant 0 : i32
    %dma_wait3A_115 = tpu.memref_slice %arg11[%dma_wait3A_109, %dma_wait3A_114] : memref<4x128xi32, #tpu.memory_space<vmem>> -> memref<1x128xi32, #tpu.memory_space<vmem>>
    %dma_wait3A_116 = tpu.memref_squeeze %dma_wait3A_115 : memref<1x128xi32, #tpu.memory_space<vmem>> -> memref<128xi32, #tpu.memory_space<vmem>>
    %dma_wait3A_117 = arith.constant 0 : i32
    %dma_wait3A_118 = tpu.memref_slice %arg4[%dma_wait3A_117] : memref<1000000xi32, #tpu.memory_space<hbm>> -> memref<1000000xi32, #tpu.memory_space<hbm>>
    tpu.wait_indirect_dma semaphore(%arg18 : memref<!tpu.dma_semaphore, #tpu.memory_space<semaphore_mem>>) src(%dma_wait3A_118 : memref<1000000xi32, #tpu.memory_space<hbm>>) dst(%dma_wait3A_113 : memref<128xi32, #tpu.memory_space<vmem>>)
    %dma_wait3A_119 = arith.constant 2 : i32
    %dma_wait3A_120 = arith.constant 2 : i32
    %dma_wait3A_121 = arith.constant 0 : i32
    %dma_wait3A_122 = tpu.memref_slice %arg12[%dma_wait3A_120, %dma_wait3A_121] : memref<4x128xi32, #tpu.memory_space<vmem>> -> memref<1x128xi32, #tpu.memory_space<vmem>>
    %dma_wait3A_123 = tpu.memref_squeeze %dma_wait3A_122 : memref<1x128xi32, #tpu.memory_space<vmem>> -> memref<128xi32, #tpu.memory_space<vmem>>
    %dma_wait3A_124 = arith.constant 0 : i32
    %dma_wait3A_125 = tpu.memref_slice %arg11[%dma_wait3A_119, %dma_wait3A_124] : memref<4x128xi32, #tpu.memory_space<vmem>> -> memref<1x128xi32, #tpu.memory_space<vmem>>
    %dma_wait3A_126 = tpu.memref_squeeze %dma_wait3A_125 : memref<1x128xi32, #tpu.memory_space<vmem>> -> memref<128xi32, #tpu.memory_space<vmem>>
    %dma_wait3A_127 = arith.constant 0 : i32
    %dma_wait3A_128 = tpu.memref_slice %arg3[%dma_wait3A_127] : memref<1000000xi32, #tpu.memory_space<hbm>> -> memref<1000000xi32, #tpu.memory_space<hbm>>
    tpu.wait_indirect_dma semaphore(%arg18 : memref<!tpu.dma_semaphore, #tpu.memory_space<semaphore_mem>>) src(%dma_wait3A_128 : memref<1000000xi32, #tpu.memory_space<hbm>>) dst(%dma_wait3A_123 : memref<128xi32, #tpu.memory_space<vmem>>)
    %dma_wait3A_129 = arith.constant 2 : i32
    %dma_wait3A_130 = arith.constant 2 : i32
    %dma_wait3A_131 = arith.constant 0 : i32
    %dma_wait3A_132 = tpu.memref_slice %arg13[%dma_wait3A_130, %dma_wait3A_131] : memref<4x128xi32, #tpu.memory_space<vmem>> -> memref<1x128xi32, #tpu.memory_space<vmem>>
    %dma_wait3A_133 = tpu.memref_squeeze %dma_wait3A_132 : memref<1x128xi32, #tpu.memory_space<vmem>> -> memref<128xi32, #tpu.memory_space<vmem>>
    %dma_wait3A_134 = arith.constant 0 : i32
    %dma_wait3A_135 = tpu.memref_slice %arg11[%dma_wait3A_129, %dma_wait3A_134] : memref<4x128xi32, #tpu.memory_space<vmem>> -> memref<1x128xi32, #tpu.memory_space<vmem>>
    %dma_wait3A_136 = tpu.memref_squeeze %dma_wait3A_135 : memref<1x128xi32, #tpu.memory_space<vmem>> -> memref<128xi32, #tpu.memory_space<vmem>>
    %dma_wait3A_137 = arith.constant 0 : i32
    %dma_wait3A_138 = tpu.memref_slice %arg4[%dma_wait3A_137] : memref<1000000xi32, #tpu.memory_space<hbm>> -> memref<1000000xi32, #tpu.memory_space<hbm>>
    tpu.wait_indirect_dma semaphore(%arg18 : memref<!tpu.dma_semaphore, #tpu.memory_space<semaphore_mem>>) src(%dma_wait3A_138 : memref<1000000xi32, #tpu.memory_space<hbm>>) dst(%dma_wait3A_133 : memref<128xi32, #tpu.memory_space<vmem>>)
    %dma_wait3A_139 = arith.constant 3 : i32
    %dma_wait3A_140 = arith.constant 3 : i32
    %dma_wait3A_141 = arith.constant 0 : i32
    %dma_wait3A_142 = tpu.memref_slice %arg12[%dma_wait3A_140, %dma_wait3A_141] : memref<4x128xi32, #tpu.memory_space<vmem>> -> memref<1x128xi32, #tpu.memory_space<vmem>>
    %dma_wait3A_143 = tpu.memref_squeeze %dma_wait3A_142 : memref<1x128xi32, #tpu.memory_space<vmem>> -> memref<128xi32, #tpu.memory_space<vmem>>
    %dma_wait3A_144 = arith.constant 0 : i32
    %dma_wait3A_145 = tpu.memref_slice %arg11[%dma_wait3A_139, %dma_wait3A_144] : memref<4x128xi32, #tpu.memory_space<vmem>> -> memref<1x128xi32, #tpu.memory_space<vmem>>
    %dma_wait3A_146 = tpu.memref_squeeze %dma_wait3A_145 : memref<1x128xi32, #tpu.memory_space<vmem>> -> memref<128xi32, #tpu.memory_space<vmem>>
    %dma_wait3A_147 = arith.constant 0 : i32
    %dma_wait3A_148 = tpu.memref_slice %arg3[%dma_wait3A_147] : memref<1000000xi32, #tpu.memory_space<hbm>> -> memref<1000000xi32, #tpu.memory_space<hbm>>
    tpu.wait_indirect_dma semaphore(%arg18 : memref<!tpu.dma_semaphore, #tpu.memory_space<semaphore_mem>>) src(%dma_wait3A_148 : memref<1000000xi32, #tpu.memory_space<hbm>>) dst(%dma_wait3A_143 : memref<128xi32, #tpu.memory_space<vmem>>)
    %dma_wait3A_149 = arith.constant 3 : i32
    %dma_wait3A_150 = arith.constant 3 : i32
    %dma_wait3A_151 = arith.constant 0 : i32
    %dma_wait3A_152 = tpu.memref_slice %arg13[%dma_wait3A_150, %dma_wait3A_151] : memref<4x128xi32, #tpu.memory_space<vmem>> -> memref<1x128xi32, #tpu.memory_space<vmem>>
    %dma_wait3A_153 = tpu.memref_squeeze %dma_wait3A_152 : memref<1x128xi32, #tpu.memory_space<vmem>> -> memref<128xi32, #tpu.memory_space<vmem>>
    %dma_wait3A_154 = arith.constant 0 : i32
    %dma_wait3A_155 = tpu.memref_slice %arg11[%dma_wait3A_149, %dma_wait3A_154] : memref<4x128xi32, #tpu.memory_space<vmem>> -> memref<1x128xi32, #tpu.memory_space<vmem>>
    %dma_wait3A_156 = tpu.memref_squeeze %dma_wait3A_155 : memref<1x128xi32, #tpu.memory_space<vmem>> -> memref<128xi32, #tpu.memory_space<vmem>>
    %dma_wait3A_157 = arith.constant 0 : i32
    %dma_wait3A_158 = tpu.memref_slice %arg4[%dma_wait3A_157] : memref<1000000xi32, #tpu.memory_space<hbm>> -> memref<1000000xi32, #tpu.memory_space<hbm>>
    tpu.wait_indirect_dma semaphore(%arg18 : memref<!tpu.dma_semaphore, #tpu.memory_space<semaphore_mem>>) src(%dma_wait3A_158 : memref<1000000xi32, #tpu.memory_space<hbm>>) dst(%dma_wait3A_153 : memref<128xi32, #tpu.memory_space<vmem>>)
    %get3A = arith.constant 0 : i32
    %get3A_159 = arith.index_cast %get3A : i32 to index
    %get3A_160 = arith.constant 0 : index
    %get3A_161 = tpu.vector_load %arg12[%get3A_159, %get3A_160] {strides = array<i32>} : memref<4x128xi32, #tpu.memory_space<vmem>>, vector<1x16xi32>,
    %get3A_162 = vector.shape_cast %get3A_161 : vector<1x16xi32> to vector<16xi32>
    %shift_right_logical3A = arith.constant 1 : i32
    %shift_right_logical3A_163 = vector.broadcast %shift_right_logical3A : i32 to vector<16xi32>
    %shift_right_logical3A_164 = arith.shrui %get3A_162, %shift_right_logical3A_163 : vector<16xi32>
    %swap3A = arith.constant 0 : i32
    %swap3A_165 = arith.index_cast %swap3A : i32 to index
    %swap3A_166 = arith.constant 0 : index
    %swap3A_167 = tpu.vector_load %arg14[%swap3A_165, %swap3A_166] {strides = array<i32>} : memref<4x128xi32, #tpu.memory_space<vmem>>, vector<1x16xi32>,
    %swap3A_168 = vector.shape_cast %swap3A_167 : vector<1x16xi32> to vector<16xi32>
    %swap3A_169 = vector.shape_cast %shift_right_logical3A_164 : vector<16xi32> to vector<1x16xi32>
    tpu.vector_store %arg14[%swap3A_165, %swap3A_166], %swap3A_169 {strides = array<i32>} : memref<4x128xi32, #tpu.memory_space<vmem>>, vector<1x16xi32>,
    %get3A_170 = arith.constant 0 : i32
    %get3A_171 = arith.index_cast %get3A_170 : i32 to index
    %get3A_172 = arith.constant 0 : index
    %get3A_173 = tpu.vector_load %arg13[%get3A_171, %get3A_172] {strides = array<i32>} : memref<4x128xi32, #tpu.memory_space<vmem>>, vector<1x16xi32>,
    %get3A_174 = vector.shape_cast %get3A_173 : vector<1x16xi32> to vector<16xi32>
    %shift_right_logical3A_175 = arith.constant 1 : i32
    %shift_right_logical3A_176 = vector.broadcast %shift_right_logical3A_175 : i32 to vector<16xi32>
    %shift_right_logical3A_177 = arith.shrui %get3A_174, %shift_right_logical3A_176 : vector<16xi32>
    %swap3A_178 = arith.constant 0 : i32
    %swap3A_179 = arith.index_cast %swap3A_178 : i32 to index
    %swap3A_180 = arith.constant 0 : index
    %swap3A_181 = tpu.vector_load %arg15[%swap3A_179, %swap3A_180] {strides = array<i32>} : memref<4x128xi32, #tpu.memory_space<vmem>>, vector<1x16xi32>,
    %swap3A_182 = vector.shape_cast %swap3A_181 : vector<1x16xi32> to vector<16xi32>
    %swap3A_183 = vector.shape_cast %shift_right_logical3A_177 : vector<16xi32> to vector<1x16xi32>
    tpu.vector_store %arg15[%swap3A_179, %swap3A_180], %swap3A_183 {strides = array<i32>} : memref<4x128xi32, #tpu.memory_space<vmem>>, vector<1x16xi32>,
    %get3A_184 = arith.constant 0 : i32
    %get3A_185 = arith.index_cast %get3A_184 : i32 to index
    %get3A_186 = arith.constant 16 : index
    %get3A_187 = tpu.vector_load %arg12[%get3A_185, %get3A_186] {strides = array<i32>} : memref<4x128xi32, #tpu.memory_space<vmem>>, vector<1x16xi32>,
    %get3A_188 = vector.shape_cast %get3A_187 : vector<1x16xi32> to vector<16xi32>
    %shift_right_logical3A_189 = arith.constant 1 : i32
    %shift_right_logical3A_190 = vector.broadcast %shift_right_logical3A_189 : i32 to vector<16xi32>
    %shift_right_logical3A_191 = arith.shrui %get3A_188, %shift_right_logical3A_190 : vector<16xi32>
    %swap3A_192 = arith.constant 0 : i32
    %swap3A_193 = arith.index_cast %swap3A_192 : i32 to index
    %swap3A_194 = arith.constant 16 : index
    %swap3A_195 = tpu.vector_load %arg14[%swap3A_193, %swap3A_194] {strides = array<i32>} : memref<4x128xi32, #tpu.memory_space<vmem>>, vector<1x16xi32>,
    %swap3A_196 = vector.shape_cast %swap3A_195 : vector<1x16xi32> to vector<16xi32>
    %swap3A_197 = vector.shape_cast %shift_right_logical3A_191 : vector<16xi32> to vector<1x16xi32>
    tpu.vector_store %arg14[%swap3A_193, %swap3A_194], %swap3A_197 {strides = array<i32>} : memref<4x128xi32, #tpu.memory_space<vmem>>, vector<1x16xi32>,
    %get3A_198 = arith.constant 0 : i32
    %get3A_199 = arith.index_cast %get3A_198 : i32 to index
    %get3A_200 = arith.constant 16 : index
    %get3A_201 = tpu.vector_load %arg13[%get3A_199, %get3A_200] {strides = array<i32>} : memref<4x128xi32, #tpu.memory_space<vmem>>, vector<1x16xi32>,
    %get3A_202 = vector.shape_cast %get3A_201 : vector<1x16xi32> to vector<16xi32>
    %shift_right_logical3A_203 = arith.constant 1 : i32
    %shift_right_logical3A_204 = vector.broadcast %shift_right_logical3A_203 : i32 to vector<16xi32>
    %shift_right_logical3A_205 = arith.shrui %get3A_202, %shift_right_logical3A_204 : vector<16xi32>
    %swap3A_206 = arith.constant 0 : i32
    %swap3A_207 = arith.index_cast %swap3A_206 : i32 to index
    %swap3A_208 = arith.constant 16 : index
    %swap3A_209 = tpu.vector_load %arg15[%swap3A_207, %swap3A_208] {strides = array<i32>} : memref<4x128xi32, #tpu.memory_space<vmem>>, vector<1x16xi32>,
    %swap3A_210 = vector.shape_cast %swap3A_209 : vector<1x16xi32> to vector<16xi32>
    %swap3A_211 = vector.shape_cast %shift_right_logical3A_205 : vector<16xi32> to vector<1x16xi32>
    tpu.vector_store %arg15[%swap3A_207, %swap3A_208], %swap3A_211 {strides = array<i32>} : memref<4x128xi32, #tpu.memory_space<vmem>>, vector<1x16xi32>,
    %get3A_212 = arith.constant 0 : i32
    %get3A_213 = arith.index_cast %get3A_212 : i32 to index
    %get3A_214 = arith.constant 32 : index
    %get3A_215 = tpu.vector_load %arg12[%get3A_213, %get3A_214] {strides = array<i32>} : memref<4x128xi32, #tpu.memory_space<vmem>>, vector<1x16xi32>,
    %get3A_216 = vector.shape_cast %get3A_215 : vector<1x16xi32> to vector<16xi32>
    %shift_right_logical3A_217 = arith.constant 1 : i32
    %shift_right_logical3A_218 = vector.broadcast %shift_right_logical3A_217 : i32 to vector<16xi32>
    %shift_right_logical3A_219 = arith.shrui %get3A_216, %shift_right_logical3A_218 : vector<16xi32>
    %swap3A_220 = arith.constant 0 : i32
    %swap3A_221 = arith.index_cast %swap3A_220 : i32 to index
    %swap3A_222 = arith.constant 32 : index
    %swap3A_223 = tpu.vector_load %arg14[%swap3A_221, %swap3A_222] {strides = array<i32>} : memref<4x128xi32, #tpu.memory_space<vmem>>, vector<1x16xi32>,
    %swap3A_224 = vector.shape_cast %swap3A_223 : vector<1x16xi32> to vector<16xi32>
    %swap3A_225 = vector.shape_cast %shift_right_logical3A_219 : vector<16xi32> to vector<1x16xi32>
    tpu.vector_store %arg14[%swap3A_221, %swap3A_222], %swap3A_225 {strides = array<i32>} : memref<4x128xi32, #tpu.memory_space<vmem>>, vector<1x16xi32>,
    %get3A_226 = arith.constant 0 : i32
    %get3A_227 = arith.index_cast %get3A_226 : i32 to index
    %get3A_228 = arith.constant 32 : index
    %get3A_229 = tpu.vector_load %arg13[%get3A_227, %get3A_228] {strides = array<i32>} : memref<4x128xi32, #tpu.memory_space<vmem>>, vector<1x16xi32>,
    %get3A_230 = vector.shape_cast %get3A_229 : vector<1x16xi32> to vector<16xi32>
    %shift_right_logical3A_231 = arith.constant 1 : i32
    %shift_right_logical3A_232 = vector.broadcast %shift_right_logical3A_231 : i32 to vector<16xi32>
    %shift_right_logical3A_233 = arith.shrui %get3A_230, %shift_right_logical3A_232 : vector<16xi32>
    %swap3A_234 = arith.constant 0 : i32
    %swap3A_235 = arith.index_cast %swap3A_234 : i32 to index
    %swap3A_236 = arith.constant 32 : index
    %swap3A_237 = tpu.vector_load %arg15[%swap3A_235, %swap3A_236] {strides = array<i32>} : memref<4x128xi32, #tpu.memory_space<vmem>>, vector<1x16xi32>,
    %swap3A_238 = vector.shape_cast %swap3A_237 : vector<1x16xi32> to vector<16xi32>
    %swap3A_239 = vector.shape_cast %shift_right_logical3A_233 : vector<16xi32> to vector<1x16xi32>
    tpu.vector_store %arg15[%swap3A_235, %swap3A_236], %swap3A_239 {strides = array<i32>} : memref<4x128xi32, #tpu.memory_space<vmem>>, vector<1x16xi32>,
    %get3A_240 = arith.constant 0 : i32
    %get3A_241 = arith.index_cast %get3A_240 : i32 to index
    %get3A_242 = arith.constant 48 : index
    %get3A_243 = tpu.vector_load %arg12[%get3A_241, %get3A_242] {strides = array<i32>} : memref<4x128xi32, #tpu.memory_space<vmem>>, vector<1x16xi32>,
    %get3A_244 = vector.shape_cast %get3A_243 : vector<1x16xi32> to vector<16xi32>
    %shift_right_logical3A_245 = arith.constant 1 : i32
    %shift_right_logical3A_246 = vector.broadcast %shift_right_logical3A_245 : i32 to vector<16xi32>
    %shift_right_logical3A_247 = arith.shrui %get3A_244, %shift_right_logical3A_246 : vector<16xi32>
    %swap3A_248 = arith.constant 0 : i32
    %swap3A_249 = arith.index_cast %swap3A_248 : i32 to index
    %swap3A_250 = arith.constant 48 : index
    %swap3A_251 = tpu.vector_load %arg14[%swap3A_249, %swap3A_250] {strides = array<i32>} : memref<4x128xi32, #tpu.memory_space<vmem>>, vector<1x16xi32>,
    %swap3A_252 = vector.shape_cast %swap3A_251 : vector<1x16xi32> to vector<16xi32>
    %swap3A_253 = vector.shape_cast %shift_right_logical3A_247 : vector<16xi32> to vector<1x16xi32>
    tpu.vector_store %arg14[%swap3A_249, %swap3A_250], %swap3A_253 {strides = array<i32>} : memref<4x128xi32, #tpu.memory_space<vmem>>, vector<1x16xi32>,
    %get3A_254 = arith.constant 0 : i32
    %get3A_255 = arith.index_cast %get3A_254 : i32 to index
    %get3A_256 = arith.constant 48 : index
    %get3A_257 = tpu.vector_load %arg13[%get3A_255, %get3A_256] {strides = array<i32>} : memref<4x128xi32, #tpu.memory_space<vmem>>, vector<1x16xi32>,
    %get3A_258 = vector.shape_cast %get3A_257 : vector<1x16xi32> to vector<16xi32>
    %shift_right_logical3A_259 = arith.constant 1 : i32
    %shift_right_logical3A_260 = vector.broadcast %shift_right_logical3A_259 : i32 to vector<16xi32>
    %shift_right_logical3A_261 = arith.shrui %get3A_258, %shift_right_logical3A_260 : vector<16xi32>
    %swap3A_262 = arith.constant 0 : i32
    %swap3A_263 = arith.index_cast %swap3A_262 : i32 to index
    %swap3A_264 = arith.constant 48 : index
    %swap3A_265 = tpu.vector_load %arg15[%swap3A_263, %swap3A_264] {strides = array<i32>} : memref<4x128xi32, #tpu.memory_space<vmem>>, vector<1x16xi32>,
    %swap3A_266 = vector.shape_cast %swap3A_265 : vector<1x16xi32> to vector<16xi32>
    %swap3A_267 = vector.shape_cast %shift_right_logical3A_261 : vector<16xi32> to vector<1x16xi32>
    tpu.vector_store %arg15[%swap3A_263, %swap3A_264], %swap3A_267 {strides = array<i32>} : memref<4x128xi32, #tpu.memory_space<vmem>>, vector<1x16xi32>,
    %get3A_268 = arith.constant 0 : i32
    %get3A_269 = arith.index_cast %get3A_268 : i32 to index
    %get3A_270 = arith.constant 64 : index
    %get3A_271 = tpu.vector_load %arg12[%get3A_269, %get3A_270] {strides = array<i32>} : memref<4x128xi32, #tpu.memory_space<vmem>>, vector<1x16xi32>,
    %get3A_272 = vector.shape_cast %get3A_271 : vector<1x16xi32> to vector<16xi32>
    %shift_right_logical3A_273 = arith.constant 1 : i32
    %shift_right_logical3A_274 = vector.broadcast %shift_right_logical3A_273 : i32 to vector<16xi32>
    %shift_right_logical3A_275 = arith.shrui %get3A_272, %shift_right_logical3A_274 : vector<16xi32>
    %swap3A_276 = arith.constant 0 : i32
    %swap3A_277 = arith.index_cast %swap3A_276 : i32 to index
    %swap3A_278 = arith.constant 64 : index
    %swap3A_279 = tpu.vector_load %arg14[%swap3A_277, %swap3A_278] {strides = array<i32>} : memref<4x128xi32, #tpu.memory_space<vmem>>, vector<1x16xi32>,
    %swap3A_280 = vector.shape_cast %swap3A_279 : vector<1x16xi32> to vector<16xi32>
    %swap3A_281 = vector.shape_cast %shift_right_logical3A_275 : vector<16xi32> to vector<1x16xi32>
    tpu.vector_store %arg14[%swap3A_277, %swap3A_278], %swap3A_281 {strides = array<i32>} : memref<4x128xi32, #tpu.memory_space<vmem>>, vector<1x16xi32>,
    %get3A_282 = arith.constant 0 : i32
    %get3A_283 = arith.index_cast %get3A_282 : i32 to index
    %get3A_284 = arith.constant 64 : index
    %get3A_285 = tpu.vector_load %arg13[%get3A_283, %get3A_284] {strides = array<i32>} : memref<4x128xi32, #tpu.memory_space<vmem>>, vector<1x16xi32>,
    %get3A_286 = vector.shape_cast %get3A_285 : vector<1x16xi32> to vector<16xi32>
    %shift_right_logical3A_287 = arith.constant 1 : i32
    %shift_right_logical3A_288 = vector.broadcast %shift_right_logical3A_287 : i32 to vector<16xi32>
    %shift_right_logical3A_289 = arith.shrui %get3A_286, %shift_right_logical3A_288 : vector<16xi32>
    %swap3A_290 = arith.constant 0 : i32
    %swap3A_291 = arith.index_cast %swap3A_290 : i32 to index
    %swap3A_292 = arith.constant 64 : index
    %swap3A_293 = tpu.vector_load %arg15[%swap3A_291, %swap3A_292] {strides = array<i32>} : memref<4x128xi32, #tpu.memory_space<vmem>>, vector<1x16xi32>,
    %swap3A_294 = vector.shape_cast %swap3A_293 : vector<1x16xi32> to vector<16xi32>
    %swap3A_295 = vector.shape_cast %shift_right_logical3A_289 : vector<16xi32> to vector<1x16xi32>
    tpu.vector_store %arg15[%swap3A_291, %swap3A_292], %swap3A_295 {strides = array<i32>} : memref<4x128xi32, #tpu.memory_space<vmem>>, vector<1x16xi32>,
    %get3A_296 = arith.constant 0 : i32
    %get3A_297 = arith.index_cast %get3A_296 : i32 to index
    %get3A_298 = arith.constant 80 : index
    %get3A_299 = tpu.vector_load %arg12[%get3A_297, %get3A_298] {strides = array<i32>} : memref<4x128xi32, #tpu.memory_space<vmem>>, vector<1x16xi32>,
    %get3A_300 = vector.shape_cast %get3A_299 : vector<1x16xi32> to vector<16xi32>
    %shift_right_logical3A_301 = arith.constant 1 : i32
    %shift_right_logical3A_302 = vector.broadcast %shift_right_logical3A_301 : i32 to vector<16xi32>
    %shift_right_logical3A_303 = arith.shrui %get3A_300, %shift_right_logical3A_302 : vector<16xi32>
    %swap3A_304 = arith.constant 0 : i32
    %swap3A_305 = arith.index_cast %swap3A_304 : i32 to index
    %swap3A_306 = arith.constant 80 : index
    %swap3A_307 = tpu.vector_load %arg14[%swap3A_305, %swap3A_306] {strides = array<i32>} : memref<4x128xi32, #tpu.memory_space<vmem>>, vector<1x16xi32>,
    %swap3A_308 = vector.shape_cast %swap3A_307 : vector<1x16xi32> to vector<16xi32>
    %swap3A_309 = vector.shape_cast %shift_right_logical3A_303 : vector<16xi32> to vector<1x16xi32>
    tpu.vector_store %arg14[%swap3A_305, %swap3A_306], %swap3A_309 {strides = array<i32>} : memref<4x128xi32, #tpu.memory_space<vmem>>, vector<1x16xi32>,
    %get3A_310 = arith.constant 0 : i32
    %get3A_311 = arith.index_cast %get3A_310 : i32 to index
    %get3A_312 = arith.constant 80 : index
    %get3A_313 = tpu.vector_load %arg13[%get3A_311, %get3A_312] {strides = array<i32>} : memref<4x128xi32, #tpu.memory_space<vmem>>, vector<1x16xi32>,
    %get3A_314 = vector.shape_cast %get3A_313 : vector<1x16xi32> to vector<16xi32>
    %shift_right_logical3A_315 = arith.constant 1 : i32
    %shift_right_logical3A_316 = vector.broadcast %shift_right_logical3A_315 : i32 to vector<16xi32>
    %shift_right_logical3A_317 = arith.shrui %get3A_314, %shift_right_logical3A_316 : vector<16xi32>
    %swap3A_318 = arith.constant 0 : i32
    %swap3A_319 = arith.index_cast %swap3A_318 : i32 to index
    %swap3A_320 = arith.constant 80 : index
    %swap3A_321 = tpu.vector_load %arg15[%swap3A_319, %swap3A_320] {strides = array<i32>} : memref<4x128xi32, #tpu.memory_space<vmem>>, vector<1x16xi32>,
    %swap3A_322 = vector.shape_cast %swap3A_321 : vector<1x16xi32> to vector<16xi32>
    %swap3A_323 = vector.shape_cast %shift_right_logical3A_317 : vector<16xi32> to vector<1x16xi32>
    tpu.vector_store %arg15[%swap3A_319, %swap3A_320], %swap3A_323 {strides = array<i32>} : memref<4x128xi32, #tpu.memory_space<vmem>>, vector<1x16xi32>,
    %get3A_324 = arith.constant 0 : i32
    %get3A_325 = arith.index_cast %get3A_324 : i32 to index
    %get3A_326 = arith.constant 96 : index
    %get3A_327 = tpu.vector_load %arg12[%get3A_325, %get3A_326] {strides = array<i32>} : memref<4x128xi32, #tpu.memory_space<vmem>>, vector<1x16xi32>,
    %get3A_328 = vector.shape_cast %get3A_327 : vector<1x16xi32> to vector<16xi32>
    %shift_right_logical3A_329 = arith.constant 1 : i32
    %shift_right_logical3A_330 = vector.broadcast %shift_right_logical3A_329 : i32 to vector<16xi32>
    %shift_right_logical3A_331 = arith.shrui %get3A_328, %shift_right_logical3A_330 : vector<16xi32>
    %swap3A_332 = arith.constant 0 : i32
    %swap3A_333 = arith.index_cast %swap3A_332 : i32 to index
    %swap3A_334 = arith.constant 96 : index
    %swap3A_335 = tpu.vector_load %arg14[%swap3A_333, %swap3A_334] {strides = array<i32>} : memref<4x128xi32, #tpu.memory_space<vmem>>, vector<1x16xi32>,
    %swap3A_336 = vector.shape_cast %swap3A_335 : vector<1x16xi32> to vector<16xi32>
    %swap3A_337 = vector.shape_cast %shift_right_logical3A_331 : vector<16xi32> to vector<1x16xi32>
    tpu.vector_store %arg14[%swap3A_333, %swap3A_334], %swap3A_337 {strides = array<i32>} : memref<4x128xi32, #tpu.memory_space<vmem>>, vector<1x16xi32>,
    %get3A_338 = arith.constant 0 : i32
    %get3A_339 = arith.index_cast %get3A_338 : i32 to index
    %get3A_340 = arith.constant 96 : index
    %get3A_341 = tpu.vector_load %arg13[%get3A_339, %get3A_340] {strides = array<i32>} : memref<4x128xi32, #tpu.memory_space<vmem>>, vector<1x16xi32>,
    %get3A_342 = vector.shape_cast %get3A_341 : vector<1x16xi32> to vector<16xi32>
    %shift_right_logical3A_343 = arith.constant 1 : i32
    %shift_right_logical3A_344 = vector.broadcast %shift_right_logical3A_343 : i32 to vector<16xi32>
    %shift_right_logical3A_345 = arith.shrui %get3A_342, %shift_right_logical3A_344 : vector<16xi32>
    %swap3A_346 = arith.constant 0 : i32
    %swap3A_347 = arith.index_cast %swap3A_346 : i32 to index
    %swap3A_348 = arith.constant 96 : index
    %swap3A_349 = tpu.vector_load %arg15[%swap3A_347, %swap3A_348] {strides = array<i32>} : memref<4x128xi32, #tpu.memory_space<vmem>>, vector<1x16xi32>,
    %swap3A_350 = vector.shape_cast %swap3A_349 : vector<1x16xi32> to vector<16xi32>
    %swap3A_351 = vector.shape_cast %shift_right_logical3A_345 : vector<16xi32> to vector<1x16xi32>
    tpu.vector_store %arg15[%swap3A_347, %swap3A_348], %swap3A_351 {strides = array<i32>} : memref<4x128xi32, #tpu.memory_space<vmem>>, vector<1x16xi32>,
    %get3A_352 = arith.constant 0 : i32
    %get3A_353 = arith.index_cast %get3A_352 : i32 to index
    %get3A_354 = arith.constant 112 : index
    %get3A_355 = tpu.vector_load %arg12[%get3A_353, %get3A_354] {strides = array<i32>} : memref<4x128xi32, #tpu.memory_space<vmem>>, vector<1x16xi32>,
    %get3A_356 = vector.shape_cast %get3A_355 : vector<1x16xi32> to vector<16xi32>
    %shift_right_logical3A_357 = arith.constant 1 : i32
    %shift_right_logical3A_358 = vector.broadcast %shift_right_logical3A_357 : i32 to vector<16xi32>
    %shift_right_logical3A_359 = arith.shrui %get3A_356, %shift_right_logical3A_358 : vector<16xi32>
    %swap3A_360 = arith.constant 0 : i32
    %swap3A_361 = arith.index_cast %swap3A_360 : i32 to index
    %swap3A_362 = arith.constant 112 : index
    %swap3A_363 = tpu.vector_load %arg14[%swap3A_361, %swap3A_362] {strides = array<i32>} : memref<4x128xi32, #tpu.memory_space<vmem>>, vector<1x16xi32>,
    %swap3A_364 = vector.shape_cast %swap3A_363 : vector<1x16xi32> to vector<16xi32>
    %swap3A_365 = vector.shape_cast %shift_right_logical3A_359 : vector<16xi32> to vector<1x16xi32>
    tpu.vector_store %arg14[%swap3A_361, %swap3A_362], %swap3A_365 {strides = array<i32>} : memref<4x128xi32, #tpu.memory_space<vmem>>, vector<1x16xi32>,
    %get3A_366 = arith.constant 0 : i32
    %get3A_367 = arith.index_cast %get3A_366 : i32 to index
    %get3A_368 = arith.constant 112 : index
    %get3A_369 = tpu.vector_load %arg13[%get3A_367, %get3A_368] {strides = array<i32>} : memref<4x128xi32, #tpu.memory_space<vmem>>, vector<1x16xi32>,
    %get3A_370 = vector.shape_cast %get3A_369 : vector<1x16xi32> to vector<16xi32>
    %shift_right_logical3A_371 = arith.constant 1 : i32
    %shift_right_logical3A_372 = vector.broadcast %shift_right_logical3A_371 : i32 to vector<16xi32>
    %shift_right_logical3A_373 = arith.shrui %get3A_370, %shift_right_logical3A_372 : vector<16xi32>
    %swap3A_374 = arith.constant 0 : i32
    %swap3A_375 = arith.index_cast %swap3A_374 : i32 to index
    %swap3A_376 = arith.constant 112 : index
    %swap3A_377 = tpu.vector_load %arg15[%swap3A_375, %swap3A_376] {strides = array<i32>} : memref<4x128xi32, #tpu.memory_space<vmem>>, vector<1x16xi32>,
    %swap3A_378 = vector.shape_cast %swap3A_377 : vector<1x16xi32> to vector<16xi32>
    %swap3A_379 = vector.shape_cast %shift_right_logical3A_373 : vector<16xi32> to vector<1x16xi32>
    tpu.vector_store %arg15[%swap3A_375, %swap3A_376], %swap3A_379 {strides = array<i32>} : memref<4x128xi32, #tpu.memory_space<vmem>>, vector<1x16xi32>,
    %get3A_380 = arith.constant 1 : i32
    %get3A_381 = arith.index_cast %get3A_380 : i32 to index
    %get3A_382 = arith.constant 0 : index
    %get3A_383 = tpu.vector_load %arg12[%get3A_381, %get3A_382] {strides = array<i32>} : memref<4x128xi32, #tpu.memory_space<vmem>>, vector<1x16xi32>,
    %get3A_384 = vector.shape_cast %get3A_383 : vector<1x16xi32> to vector<16xi32>
    %shift_right_logical3A_385 = arith.constant 1 : i32
    %shift_right_logical3A_386 = vector.broadcast %shift_right_logical3A_385 : i32 to vector<16xi32>
    %shift_right_logical3A_387 = arith.shrui %get3A_384, %shift_right_logical3A_386 : vector<16xi32>
    %swap3A_388 = arith.constant 1 : i32
    %swap3A_389 = arith.index_cast %swap3A_388 : i32 to index
    %swap3A_390 = arith.constant 0 : index
    %swap3A_391 = tpu.vector_load %arg14[%swap3A_389, %swap3A_390] {strides = array<i32>} : memref<4x128xi32, #tpu.memory_space<vmem>>, vector<1x16xi32>,
    %swap3A_392 = vector.shape_cast %swap3A_391 : vector<1x16xi32> to vector<16xi32>
    %swap3A_393 = vector.shape_cast %shift_right_logical3A_387 : vector<16xi32> to vector<1x16xi32>
    tpu.vector_store %arg14[%swap3A_389, %swap3A_390], %swap3A_393 {strides = array<i32>} : memref<4x128xi32, #tpu.memory_space<vmem>>, vector<1x16xi32>,
    %get3A_394 = arith.constant 1 : i32
    %get3A_395 = arith.index_cast %get3A_394 : i32 to index
    %get3A_396 = arith.constant 0 : index
    %get3A_397 = tpu.vector_load %arg13[%get3A_395, %get3A_396] {strides = array<i32>} : memref<4x128xi32, #tpu.memory_space<vmem>>, vector<1x16xi32>,
    %get3A_398 = vector.shape_cast %get3A_397 : vector<1x16xi32> to vector<16xi32>
    %shift_right_logical3A_399 = arith.constant 1 : i32
    %shift_right_logical3A_400 = vector.broadcast %shift_right_logical3A_399 : i32 to vector<16xi32>
    %shift_right_logical3A_401 = arith.shrui %get3A_398, %shift_right_logical3A_400 : vector<16xi32>
    %swap3A_402 = arith.constant 1 : i32
    %swap3A_403 = arith.index_cast %swap3A_402 : i32 to index
    %swap3A_404 = arith.constant 0 : index
    %swap3A_405 = tpu.vector_load %arg15[%swap3A_403, %swap3A_404] {strides = array<i32>} : memref<4x128xi32, #tpu.memory_space<vmem>>, vector<1x16xi32>,
    %swap3A_406 = vector.shape_cast %swap3A_405 : vector<1x16xi32> to vector<16xi32>
    %swap3A_407 = vector.shape_cast %shift_right_logical3A_401 : vector<16xi32> to vector<1x16xi32>
    tpu.vector_store %arg15[%swap3A_403, %swap3A_404], %swap3A_407 {strides = array<i32>} : memref<4x128xi32, #tpu.memory_space<vmem>>, vector<1x16xi32>,
    %get3A_408 = arith.constant 1 : i32
    %get3A_409 = arith.index_cast %get3A_408 : i32 to index
    %get3A_410 = arith.constant 16 : index
    %get3A_411 = tpu.vector_load %arg12[%get3A_409, %get3A_410] {strides = array<i32>} : memref<4x128xi32, #tpu.memory_space<vmem>>, vector<1x16xi32>,
    %get3A_412 = vector.shape_cast %get3A_411 : vector<1x16xi32> to vector<16xi32>
    %shift_right_logical3A_413 = arith.constant 1 : i32
    %shift_right_logical3A_414 = vector.broadcast %shift_right_logical3A_413 : i32 to vector<16xi32>
    %shift_right_logical3A_415 = arith.shrui %get3A_412, %shift_right_logical3A_414 : vector<16xi32>
    %swap3A_416 = arith.constant 1 : i32
    %swap3A_417 = arith.index_cast %swap3A_416 : i32 to index
    %swap3A_418 = arith.constant 16 : index
    %swap3A_419 = tpu.vector_load %arg14[%swap3A_417, %swap3A_418] {strides = array<i32>} : memref<4x128xi32, #tpu.memory_space<vmem>>, vector<1x16xi32>,
    %swap3A_420 = vector.shape_cast %swap3A_419 : vector<1x16xi32> to vector<16xi32>
    %swap3A_421 = vector.shape_cast %shift_right_logical3A_415 : vector<16xi32> to vector<1x16xi32>
    tpu.vector_store %arg14[%swap3A_417, %swap3A_418], %swap3A_421 {strides = array<i32>} : memref<4x128xi32, #tpu.memory_space<vmem>>, vector<1x16xi32>,
    %get3A_422 = arith.constant 1 : i32
    %get3A_423 = arith.index_cast %get3A_422 : i32 to index
    %get3A_424 = arith.constant 16 : index
    %get3A_425 = tpu.vector_load %arg13[%get3A_423, %get3A_424] {strides = array<i32>} : memref<4x128xi32, #tpu.memory_space<vmem>>, vector<1x16xi32>,
    %get3A_426 = vector.shape_cast %get3A_425 : vector<1x16xi32> to vector<16xi32>
    %shift_right_logical3A_427 = arith.constant 1 : i32
    %shift_right_logical3A_428 = vector.broadcast %shift_right_logical3A_427 : i32 to vector<16xi32>
    %shift_right_logical3A_429 = arith.shrui %get3A_426, %shift_right_logical3A_428 : vector<16xi32>
    %swap3A_430 = arith.constant 1 : i32
    %swap3A_431 = arith.index_cast %swap3A_430 : i32 to index
    %swap3A_432 = arith.constant 16 : index
    %swap3A_433 = tpu.vector_load %arg15[%swap3A_431, %swap3A_432] {strides = array<i32>} : memref<4x128xi32, #tpu.memory_space<vmem>>, vector<1x16xi32>,
    %swap3A_434 = vector.shape_cast %swap3A_433 : vector<1x16xi32> to vector<16xi32>
    %swap3A_435 = vector.shape_cast %shift_right_logical3A_429 : vector<16xi32> to vector<1x16xi32>
    tpu.vector_store %arg15[%swap3A_431, %swap3A_432], %swap3A_435 {strides = array<i32>} : memref<4x128xi32, #tpu.memory_space<vmem>>, vector<1x16xi32>,
    %get3A_436 = arith.constant 1 : i32
    %get3A_437 = arith.index_cast %get3A_436 : i32 to index
    %get3A_438 = arith.constant 32 : index
    %get3A_439 = tpu.vector_load %arg12[%get3A_437, %get3A_438] {strides = array<i32>} : memref<4x128xi32, #tpu.memory_space<vmem>>, vector<1x16xi32>,
    %get3A_440 = vector.shape_cast %get3A_439 : vector<1x16xi32> to vector<16xi32>
    %shift_right_logical3A_441 = arith.constant 1 : i32
    %shift_right_logical3A_442 = vector.broadcast %shift_right_logical3A_441 : i32 to vector<16xi32>
    %shift_right_logical3A_443 = arith.shrui %get3A_440, %shift_right_logical3A_442 : vector<16xi32>
    %swap3A_444 = arith.constant 1 : i32
    %swap3A_445 = arith.index_cast %swap3A_444 : i32 to index
    %swap3A_446 = arith.constant 32 : index
    %swap3A_447 = tpu.vector_load %arg14[%swap3A_445, %swap3A_446] {strides = array<i32>} : memref<4x128xi32, #tpu.memory_space<vmem>>, vector<1x16xi32>,
    %swap3A_448 = vector.shape_cast %swap3A_447 : vector<1x16xi32> to vector<16xi32>
    %swap3A_449 = vector.shape_cast %shift_right_logical3A_443 : vector<16xi32> to vector<1x16xi32>
    tpu.vector_store %arg14[%swap3A_445, %swap3A_446], %swap3A_449 {strides = array<i32>} : memref<4x128xi32, #tpu.memory_space<vmem>>, vector<1x16xi32>,
    %get3A_450 = arith.constant 1 : i32
    %get3A_451 = arith.index_cast %get3A_450 : i32 to index
    %get3A_452 = arith.constant 32 : index
    %get3A_453 = tpu.vector_load %arg13[%get3A_451, %get3A_452] {strides = array<i32>} : memref<4x128xi32, #tpu.memory_space<vmem>>, vector<1x16xi32>,
    %get3A_454 = vector.shape_cast %get3A_453 : vector<1x16xi32> to vector<16xi32>
    %shift_right_logical3A_455 = arith.constant 1 : i32
    %shift_right_logical3A_456 = vector.broadcast %shift_right_logical3A_455 : i32 to vector<16xi32>
    %shift_right_logical3A_457 = arith.shrui %get3A_454, %shift_right_logical3A_456 : vector<16xi32>
    %swap3A_458 = arith.constant 1 : i32
    %swap3A_459 = arith.index_cast %swap3A_458 : i32 to index
    %swap3A_460 = arith.constant 32 : index
    %swap3A_461 = tpu.vector_load %arg15[%swap3A_459, %swap3A_460] {strides = array<i32>} : memref<4x128xi32, #tpu.memory_space<vmem>>, vector<1x16xi32>,
    %swap3A_462 = vector.shape_cast %swap3A_461 : vector<1x16xi32> to vector<16xi32>
    %swap3A_463 = vector.shape_cast %shift_right_logical3A_457 : vector<16xi32> to vector<1x16xi32>
    tpu.vector_store %arg15[%swap3A_459, %swap3A_460], %swap3A_463 {strides = array<i32>} : memref<4x128xi32, #tpu.memory_space<vmem>>, vector<1x16xi32>,
    %get3A_464 = arith.constant 1 : i32
    %get3A_465 = arith.index_cast %get3A_464 : i32 to index
    %get3A_466 = arith.constant 48 : index
    %get3A_467 = tpu.vector_load %arg12[%get3A_465, %get3A_466] {strides = array<i32>} : memref<4x128xi32, #tpu.memory_space<vmem>>, vector<1x16xi32>,
    %get3A_468 = vector.shape_cast %get3A_467 : vector<1x16xi32> to vector<16xi32>
    %shift_right_logical3A_469 = arith.constant 1 : i32
    %shift_right_logical3A_470 = vector.broadcast %shift_right_logical3A_469 : i32 to vector<16xi32>
    %shift_right_logical3A_471 = arith.shrui %get3A_468, %shift_right_logical3A_470 : vector<16xi32>
    %swap3A_472 = arith.constant 1 : i32
    %swap3A_473 = arith.index_cast %swap3A_472 : i32 to index
    %swap3A_474 = arith.constant 48 : index
    %swap3A_475 = tpu.vector_load %arg14[%swap3A_473, %swap3A_474] {strides = array<i32>} : memref<4x128xi32, #tpu.memory_space<vmem>>, vector<1x16xi32>,
    %swap3A_476 = vector.shape_cast %swap3A_475 : vector<1x16xi32> to vector<16xi32>
    %swap3A_477 = vector.shape_cast %shift_right_logical3A_471 : vector<16xi32> to vector<1x16xi32>
    tpu.vector_store %arg14[%swap3A_473, %swap3A_474], %swap3A_477 {strides = array<i32>} : memref<4x128xi32, #tpu.memory_space<vmem>>, vector<1x16xi32>,
    %get3A_478 = arith.constant 1 : i32
    %get3A_479 = arith.index_cast %get3A_478 : i32 to index
    %get3A_480 = arith.constant 48 : index
    %get3A_481 = tpu.vector_load %arg13[%get3A_479, %get3A_480] {strides = array<i32>} : memref<4x128xi32, #tpu.memory_space<vmem>>, vector<1x16xi32>,
    %get3A_482 = vector.shape_cast %get3A_481 : vector<1x16xi32> to vector<16xi32>
    %shift_right_logical3A_483 = arith.constant 1 : i32
    %shift_right_logical3A_484 = vector.broadcast %shift_right_logical3A_483 : i32 to vector<16xi32>
    %shift_right_logical3A_485 = arith.shrui %get3A_482, %shift_right_logical3A_484 : vector<16xi32>
    %swap3A_486 = arith.constant 1 : i32
    %swap3A_487 = arith.index_cast %swap3A_486 : i32 to index
    %swap3A_488 = arith.constant 48 : index
    %swap3A_489 = tpu.vector_load %arg15[%swap3A_487, %swap3A_488] {strides = array<i32>} : memref<4x128xi32, #tpu.memory_space<vmem>>, vector<1x16xi32>,
    %swap3A_490 = vector.shape_cast %swap3A_489 : vector<1x16xi32> to vector<16xi32>
    %swap3A_491 = vector.shape_cast %shift_right_logical3A_485 : vector<16xi32> to vector<1x16xi32>
    tpu.vector_store %arg15[%swap3A_487, %swap3A_488], %swap3A_491 {strides = array<i32>} : memref<4x128xi32, #tpu.memory_space<vmem>>, vector<1x16xi32>,
    %get3A_492 = arith.constant 1 : i32
    %get3A_493 = arith.index_cast %get3A_492 : i32 to index
    %get3A_494 = arith.constant 64 : index
    %get3A_495 = tpu.vector_load %arg12[%get3A_493, %get3A_494] {strides = array<i32>} : memref<4x128xi32, #tpu.memory_space<vmem>>, vector<1x16xi32>,
    %get3A_496 = vector.shape_cast %get3A_495 : vector<1x16xi32> to vector<16xi32>
    %shift_right_logical3A_497 = arith.constant 1 : i32
    %shift_right_logical3A_498 = vector.broadcast %shift_right_logical3A_497 : i32 to vector<16xi32>
    %shift_right_logical3A_499 = arith.shrui %get3A_496, %shift_right_logical3A_498 : vector<16xi32>
    %swap3A_500 = arith.constant 1 : i32
    %swap3A_501 = arith.index_cast %swap3A_500 : i32 to index
    %swap3A_502 = arith.constant 64 : index
    %swap3A_503 = tpu.vector_load %arg14[%swap3A_501, %swap3A_502] {strides = array<i32>} : memref<4x128xi32, #tpu.memory_space<vmem>>, vector<1x16xi32>,
    %swap3A_504 = vector.shape_cast %swap3A_503 : vector<1x16xi32> to vector<16xi32>
    %swap3A_505 = vector.shape_cast %shift_right_logical3A_499 : vector<16xi32> to vector<1x16xi32>
    tpu.vector_store %arg14[%swap3A_501, %swap3A_502], %swap3A_505 {strides = array<i32>} : memref<4x128xi32, #tpu.memory_space<vmem>>, vector<1x16xi32>,
    %get3A_506 = arith.constant 1 : i32
    %get3A_507 = arith.index_cast %get3A_506 : i32 to index
    %get3A_508 = arith.constant 64 : index
    %get3A_509 = tpu.vector_load %arg13[%get3A_507, %get3A_508] {strides = array<i32>} : memref<4x128xi32, #tpu.memory_space<vmem>>, vector<1x16xi32>,
    %get3A_510 = vector.shape_cast %get3A_509 : vector<1x16xi32> to vector<16xi32>
    %shift_right_logical3A_511 = arith.constant 1 : i32
    %shift_right_logical3A_512 = vector.broadcast %shift_right_logical3A_511 : i32 to vector<16xi32>
    %shift_right_logical3A_513 = arith.shrui %get3A_510, %shift_right_logical3A_512 : vector<16xi32>
    %swap3A_514 = arith.constant 1 : i32
    %swap3A_515 = arith.index_cast %swap3A_514 : i32 to index
    %swap3A_516 = arith.constant 64 : index
    %swap3A_517 = tpu.vector_load %arg15[%swap3A_515, %swap3A_516] {strides = array<i32>} : memref<4x128xi32, #tpu.memory_space<vmem>>, vector<1x16xi32>,
    %swap3A_518 = vector.shape_cast %swap3A_517 : vector<1x16xi32> to vector<16xi32>
    %swap3A_519 = vector.shape_cast %shift_right_logical3A_513 : vector<16xi32> to vector<1x16xi32>
    tpu.vector_store %arg15[%swap3A_515, %swap3A_516], %swap3A_519 {strides = array<i32>} : memref<4x128xi32, #tpu.memory_space<vmem>>, vector<1x16xi32>,
    %get3A_520 = arith.constant 1 : i32
    %get3A_521 = arith.index_cast %get3A_520 : i32 to index
    %get3A_522 = arith.constant 80 : index
    %get3A_523 = tpu.vector_load %arg12[%get3A_521, %get3A_522] {strides = array<i32>} : memref<4x128xi32, #tpu.memory_space<vmem>>, vector<1x16xi32>,
    %get3A_524 = vector.shape_cast %get3A_523 : vector<1x16xi32> to vector<16xi32>
    %shift_right_logical3A_525 = arith.constant 1 : i32
    %shift_right_logical3A_526 = vector.broadcast %shift_right_logical3A_525 : i32 to vector<16xi32>
    %shift_right_logical3A_527 = arith.shrui %get3A_524, %shift_right_logical3A_526 : vector<16xi32>
    %swap3A_528 = arith.constant 1 : i32
    %swap3A_529 = arith.index_cast %swap3A_528 : i32 to index
    %swap3A_530 = arith.constant 80 : index
    %swap3A_531 = tpu.vector_load %arg14[%swap3A_529, %swap3A_530] {strides = array<i32>} : memref<4x128xi32, #tpu.memory_space<vmem>>, vector<1x16xi32>,
    %swap3A_532 = vector.shape_cast %swap3A_531 : vector<1x16xi32> to vector<16xi32>
    %swap3A_533 = vector.shape_cast %shift_right_logical3A_527 : vector<16xi32> to vector<1x16xi32>
    tpu.vector_store %arg14[%swap3A_529, %swap3A_530], %swap3A_533 {strides = array<i32>} : memref<4x128xi32, #tpu.memory_space<vmem>>, vector<1x16xi32>,
    %get3A_534 = arith.constant 1 : i32
    %get3A_535 = arith.index_cast %get3A_534 : i32 to index
    %get3A_536 = arith.constant 80 : index
    %get3A_537 = tpu.vector_load %arg13[%get3A_535, %get3A_536] {strides = array<i32>} : memref<4x128xi32, #tpu.memory_space<vmem>>, vector<1x16xi32>,
    %get3A_538 = vector.shape_cast %get3A_537 : vector<1x16xi32> to vector<16xi32>
    %shift_right_logical3A_539 = arith.constant 1 : i32
    %shift_right_logical3A_540 = vector.broadcast %shift_right_logical3A_539 : i32 to vector<16xi32>
    %shift_right_logical3A_541 = arith.shrui %get3A_538, %shift_right_logical3A_540 : vector<16xi32>
    %swap3A_542 = arith.constant 1 : i32
    %swap3A_543 = arith.index_cast %swap3A_542 : i32 to index
    %swap3A_544 = arith.constant 80 : index
    %swap3A_545 = tpu.vector_load %arg15[%swap3A_543, %swap3A_544] {strides = array<i32>} : memref<4x128xi32, #tpu.memory_space<vmem>>, vector<1x16xi32>,
    %swap3A_546 = vector.shape_cast %swap3A_545 : vector<1x16xi32> to vector<16xi32>
    %swap3A_547 = vector.shape_cast %shift_right_logical3A_541 : vector<16xi32> to vector<1x16xi32>
    tpu.vector_store %arg15[%swap3A_543, %swap3A_544], %swap3A_547 {strides = array<i32>} : memref<4x128xi32, #tpu.memory_space<vmem>>, vector<1x16xi32>,
    %get3A_548 = arith.constant 1 : i32
    %get3A_549 = arith.index_cast %get3A_548 : i32 to index
    %get3A_550 = arith.constant 96 : index
    %get3A_551 = tpu.vector_load %arg12[%get3A_549, %get3A_550] {strides = array<i32>} : memref<4x128xi32, #tpu.memory_space<vmem>>, vector<1x16xi32>,
    %get3A_552 = vector.shape_cast %get3A_551 : vector<1x16xi32> to vector<16xi32>
    %shift_right_logical3A_553 = arith.constant 1 : i32
    %shift_right_logical3A_554 = vector.broadcast %shift_right_logical3A_553 : i32 to vector<16xi32>
    %shift_right_logical3A_555 = arith.shrui %get3A_552, %shift_right_logical3A_554 : vector<16xi32>
    %swap3A_556 = arith.constant 1 : i32
    %swap3A_557 = arith.index_cast %swap3A_556 : i32 to index
    %swap3A_558 = arith.constant 96 : index
    %swap3A_559 = tpu.vector_load %arg14[%swap3A_557, %swap3A_558] {strides = array<i32>} : memref<4x128xi32, #tpu.memory_space<vmem>>, vector<1x16xi32>,
    %swap3A_560 = vector.shape_cast %swap3A_559 : vector<1x16xi32> to vector<16xi32>
    %swap3A_561 = vector.shape_cast %shift_right_logical3A_555 : vector<16xi32> to vector<1x16xi32>
    tpu.vector_store %arg14[%swap3A_557, %swap3A_558], %swap3A_561 {strides = array<i32>} : memref<4x128xi32, #tpu.memory_space<vmem>>, vector<1x16xi32>,
    %get3A_562 = arith.constant 1 : i32
    %get3A_563 = arith.index_cast %get3A_562 : i32 to index
    %get3A_564 = arith.constant 96 : index
    %get3A_565 = tpu.vector_load %arg13[%get3A_563, %get3A_564] {strides = array<i32>} : memref<4x128xi32, #tpu.memory_space<vmem>>, vector<1x16xi32>,
    %get3A_566 = vector.shape_cast %get3A_565 : vector<1x16xi32> to vector<16xi32>
    %shift_right_logical3A_567 = arith.constant 1 : i32
    %shift_right_logical3A_568 = vector.broadcast %shift_right_logical3A_567 : i32 to vector<16xi32>
    %shift_right_logical3A_569 = arith.shrui %get3A_566, %shift_right_logical3A_568 : vector<16xi32>
    %swap3A_570 = arith.constant 1 : i32
    %swap3A_571 = arith.index_cast %swap3A_570 : i32 to index
    %swap3A_572 = arith.constant 96 : index
    %swap3A_573 = tpu.vector_load %arg15[%swap3A_571, %swap3A_572] {strides = array<i32>} : memref<4x128xi32, #tpu.memory_space<vmem>>, vector<1x16xi32>,
    %swap3A_574 = vector.shape_cast %swap3A_573 : vector<1x16xi32> to vector<16xi32>
    %swap3A_575 = vector.shape_cast %shift_right_logical3A_569 : vector<16xi32> to vector<1x16xi32>
    tpu.vector_store %arg15[%swap3A_571, %swap3A_572], %swap3A_575 {strides = array<i32>} : memref<4x128xi32, #tpu.memory_space<vmem>>, vector<1x16xi32>,
    %get3A_576 = arith.constant 1 : i32
    %get3A_577 = arith.index_cast %get3A_576 : i32 to index
    %get3A_578 = arith.constant 112 : index
    %get3A_579 = tpu.vector_load %arg12[%get3A_577, %get3A_578] {strides = array<i32>} : memref<4x128xi32, #tpu.memory_space<vmem>>, vector<1x16xi32>,
    %get3A_580 = vector.shape_cast %get3A_579 : vector<1x16xi32> to vector<16xi32>
    %shift_right_logical3A_581 = arith.constant 1 : i32
    %shift_right_logical3A_582 = vector.broadcast %shift_right_logical3A_581 : i32 to vector<16xi32>
    %shift_right_logical3A_583 = arith.shrui %get3A_580, %shift_right_logical3A_582 : vector<16xi32>
    %swap3A_584 = arith.constant 1 : i32
    %swap3A_585 = arith.index_cast %swap3A_584 : i32 to index
    %swap3A_586 = arith.constant 112 : index
    %swap3A_587 = tpu.vector_load %arg14[%swap3A_585, %swap3A_586] {strides = array<i32>} : memref<4x128xi32, #tpu.memory_space<vmem>>, vector<1x16xi32>,
    %swap3A_588 = vector.shape_cast %swap3A_587 : vector<1x16xi32> to vector<16xi32>
    %swap3A_589 = vector.shape_cast %shift_right_logical3A_583 : vector<16xi32> to vector<1x16xi32>
    tpu.vector_store %arg14[%swap3A_585, %swap3A_586], %swap3A_589 {strides = array<i32>} : memref<4x128xi32, #tpu.memory_space<vmem>>, vector<1x16xi32>,
    %get3A_590 = arith.constant 1 : i32
    %get3A_591 = arith.index_cast %get3A_590 : i32 to index
    %get3A_592 = arith.constant 112 : index
    %get3A_593 = tpu.vector_load %arg13[%get3A_591, %get3A_592] {strides = array<i32>} : memref<4x128xi32, #tpu.memory_space<vmem>>, vector<1x16xi32>,
    %get3A_594 = vector.shape_cast %get3A_593 : vector<1x16xi32> to vector<16xi32>
    %shift_right_logical3A_595 = arith.constant 1 : i32
    %shift_right_logical3A_596 = vector.broadcast %shift_right_logical3A_595 : i32 to vector<16xi32>
    %shift_right_logical3A_597 = arith.shrui %get3A_594, %shift_right_logical3A_596 : vector<16xi32>
    %swap3A_598 = arith.constant 1 : i32
    %swap3A_599 = arith.index_cast %swap3A_598 : i32 to index
    %swap3A_600 = arith.constant 112 : index
    %swap3A_601 = tpu.vector_load %arg15[%swap3A_599, %swap3A_600] {strides = array<i32>} : memref<4x128xi32, #tpu.memory_space<vmem>>, vector<1x16xi32>,
    %swap3A_602 = vector.shape_cast %swap3A_601 : vector<1x16xi32> to vector<16xi32>
    %swap3A_603 = vector.shape_cast %shift_right_logical3A_597 : vector<16xi32> to vector<1x16xi32>
    tpu.vector_store %arg15[%swap3A_599, %swap3A_600], %swap3A_603 {strides = array<i32>} : memref<4x128xi32, #tpu.memory_space<vmem>>, vector<1x16xi32>,
    %get3A_604 = arith.constant 2 : i32
    %get3A_605 = arith.index_cast %get3A_604 : i32 to index
    %get3A_606 = arith.constant 0 : index
    %get3A_607 = tpu.vector_load %arg12[%get3A_605, %get3A_606] {strides = array<i32>} : memref<4x128xi32, #tpu.memory_space<vmem>>, vector<1x16xi32>,
    %get3A_608 = vector.shape_cast %get3A_607 : vector<1x16xi32> to vector<16xi32>
    %shift_right_logical3A_609 = arith.constant 1 : i32
    %shift_right_logical3A_610 = vector.broadcast %shift_right_logical3A_609 : i32 to vector<16xi32>
    %shift_right_logical3A_611 = arith.shrui %get3A_608, %shift_right_logical3A_610 : vector<16xi32>
    %swap3A_612 = arith.constant 2 : i32
    %swap3A_613 = arith.index_cast %swap3A_612 : i32 to index
    %swap3A_614 = arith.constant 0 : index
    %swap3A_615 = tpu.vector_load %arg14[%swap3A_613, %swap3A_614] {strides = array<i32>} : memref<4x128xi32, #tpu.memory_space<vmem>>, vector<1x16xi32>,
    %swap3A_616 = vector.shape_cast %swap3A_615 : vector<1x16xi32> to vector<16xi32>
    %swap3A_617 = vector.shape_cast %shift_right_logical3A_611 : vector<16xi32> to vector<1x16xi32>
    tpu.vector_store %arg14[%swap3A_613, %swap3A_614], %swap3A_617 {strides = array<i32>} : memref<4x128xi32, #tpu.memory_space<vmem>>, vector<1x16xi32>,
    %get3A_618 = arith.constant 2 : i32
    %get3A_619 = arith.index_cast %get3A_618 : i32 to index
    %get3A_620 = arith.constant 0 : index
    %get3A_621 = tpu.vector_load %arg13[%get3A_619, %get3A_620] {strides = array<i32>} : memref<4x128xi32, #tpu.memory_space<vmem>>, vector<1x16xi32>,
    %get3A_622 = vector.shape_cast %get3A_621 : vector<1x16xi32> to vector<16xi32>
    %shift_right_logical3A_623 = arith.constant 1 : i32
    %shift_right_logical3A_624 = vector.broadcast %shift_right_logical3A_623 : i32 to vector<16xi32>
    %shift_right_logical3A_625 = arith.shrui %get3A_622, %shift_right_logical3A_624 : vector<16xi32>
    %swap3A_626 = arith.constant 2 : i32
    %swap3A_627 = arith.index_cast %swap3A_626 : i32 to index
    %swap3A_628 = arith.constant 0 : index
    %swap3A_629 = tpu.vector_load %arg15[%swap3A_627, %swap3A_628] {strides = array<i32>} : memref<4x128xi32, #tpu.memory_space<vmem>>, vector<1x16xi32>,
    %swap3A_630 = vector.shape_cast %swap3A_629 : vector<1x16xi32> to vector<16xi32>
    %swap3A_631 = vector.shape_cast %shift_right_logical3A_625 : vector<16xi32> to vector<1x16xi32>
    tpu.vector_store %arg15[%swap3A_627, %swap3A_628], %swap3A_631 {strides = array<i32>} : memref<4x128xi32, #tpu.memory_space<vmem>>, vector<1x16xi32>,
    %get3A_632 = arith.constant 2 : i32
    %get3A_633 = arith.index_cast %get3A_632 : i32 to index
    %get3A_634 = arith.constant 16 : index
    %get3A_635 = tpu.vector_load %arg12[%get3A_633, %get3A_634] {strides = array<i32>} : memref<4x128xi32, #tpu.memory_space<vmem>>, vector<1x16xi32>,
    %get3A_636 = vector.shape_cast %get3A_635 : vector<1x16xi32> to vector<16xi32>
    %shift_right_logical3A_637 = arith.constant 1 : i32
    %shift_right_logical3A_638 = vector.broadcast %shift_right_logical3A_637 : i32 to vector<16xi32>
    %shift_right_logical3A_639 = arith.shrui %get3A_636, %shift_right_logical3A_638 : vector<16xi32>
    %swap3A_640 = arith.constant 2 : i32
    %swap3A_641 = arith.index_cast %swap3A_640 : i32 to index
    %swap3A_642 = arith.constant 16 : index
    %swap3A_643 = tpu.vector_load %arg14[%swap3A_641, %swap3A_642] {strides = array<i32>} : memref<4x128xi32, #tpu.memory_space<vmem>>, vector<1x16xi32>,
    %swap3A_644 = vector.shape_cast %swap3A_643 : vector<1x16xi32> to vector<16xi32>
    %swap3A_645 = vector.shape_cast %shift_right_logical3A_639 : vector<16xi32> to vector<1x16xi32>
    tpu.vector_store %arg14[%swap3A_641, %swap3A_642], %swap3A_645 {strides = array<i32>} : memref<4x128xi32, #tpu.memory_space<vmem>>, vector<1x16xi32>,
    %get3A_646 = arith.constant 2 : i32
    %get3A_647 = arith.index_cast %get3A_646 : i32 to index
    %get3A_648 = arith.constant 16 : index
    %get3A_649 = tpu.vector_load %arg13[%get3A_647, %get3A_648] {strides = array<i32>} : memref<4x128xi32, #tpu.memory_space<vmem>>, vector<1x16xi32>,
    %get3A_650 = vector.shape_cast %get3A_649 : vector<1x16xi32> to vector<16xi32>
    %shift_right_logical3A_651 = arith.constant 1 : i32
    %shift_right_logical3A_652 = vector.broadcast %shift_right_logical3A_651 : i32 to vector<16xi32>
    %shift_right_logical3A_653 = arith.shrui %get3A_650, %shift_right_logical3A_652 : vector<16xi32>
    %swap3A_654 = arith.constant 2 : i32
    %swap3A_655 = arith.index_cast %swap3A_654 : i32 to index
    %swap3A_656 = arith.constant 16 : index
    %swap3A_657 = tpu.vector_load %arg15[%swap3A_655, %swap3A_656] {strides = array<i32>} : memref<4x128xi32, #tpu.memory_space<vmem>>, vector<1x16xi32>,
    %swap3A_658 = vector.shape_cast %swap3A_657 : vector<1x16xi32> to vector<16xi32>
    %swap3A_659 = vector.shape_cast %shift_right_logical3A_653 : vector<16xi32> to vector<1x16xi32>
    tpu.vector_store %arg15[%swap3A_655, %swap3A_656], %swap3A_659 {strides = array<i32>} : memref<4x128xi32, #tpu.memory_space<vmem>>, vector<1x16xi32>,
    %get3A_660 = arith.constant 2 : i32
    %get3A_661 = arith.index_cast %get3A_660 : i32 to index
    %get3A_662 = arith.constant 32 : index
    %get3A_663 = tpu.vector_load %arg12[%get3A_661, %get3A_662] {strides = array<i32>} : memref<4x128xi32, #tpu.memory_space<vmem>>, vector<1x16xi32>,
    %get3A_664 = vector.shape_cast %get3A_663 : vector<1x16xi32> to vector<16xi32>
    %shift_right_logical3A_665 = arith.constant 1 : i32
    %shift_right_logical3A_666 = vector.broadcast %shift_right_logical3A_665 : i32 to vector<16xi32>
    %shift_right_logical3A_667 = arith.shrui %get3A_664, %shift_right_logical3A_666 : vector<16xi32>
    %swap3A_668 = arith.constant 2 : i32
    %swap3A_669 = arith.index_cast %swap3A_668 : i32 to index
    %swap3A_670 = arith.constant 32 : index
    %swap3A_671 = tpu.vector_load %arg14[%swap3A_669, %swap3A_670] {strides = array<i32>} : memref<4x128xi32, #tpu.memory_space<vmem>>, vector<1x16xi32>,
    %swap3A_672 = vector.shape_cast %swap3A_671 : vector<1x16xi32> to vector<16xi32>
    %swap3A_673 = vector.shape_cast %shift_right_logical3A_667 : vector<16xi32> to vector<1x16xi32>
    tpu.vector_store %arg14[%swap3A_669, %swap3A_670], %swap3A_673 {strides = array<i32>} : memref<4x128xi32, #tpu.memory_space<vmem>>, vector<1x16xi32>,
    %get3A_674 = arith.constant 2 : i32
    %get3A_675 = arith.index_cast %get3A_674 : i32 to index
    %get3A_676 = arith.constant 32 : index
    %get3A_677 = tpu.vector_load %arg13[%get3A_675, %get3A_676] {strides = array<i32>} : memref<4x128xi32, #tpu.memory_space<vmem>>, vector<1x16xi32>,
    %get3A_678 = vector.shape_cast %get3A_677 : vector<1x16xi32> to vector<16xi32>
    %shift_right_logical3A_679 = arith.constant 1 : i32
    %shift_right_logical3A_680 = vector.broadcast %shift_right_logical3A_679 : i32 to vector<16xi32>
    %shift_right_logical3A_681 = arith.shrui %get3A_678, %shift_right_logical3A_680 : vector<16xi32>
    %swap3A_682 = arith.constant 2 : i32
    %swap3A_683 = arith.index_cast %swap3A_682 : i32 to index
    %swap3A_684 = arith.constant 32 : index
    %swap3A_685 = tpu.vector_load %arg15[%swap3A_683, %swap3A_684] {strides = array<i32>} : memref<4x128xi32, #tpu.memory_space<vmem>>, vector<1x16xi32>,
    %swap3A_686 = vector.shape_cast %swap3A_685 : vector<1x16xi32> to vector<16xi32>
    %swap3A_687 = vector.shape_cast %shift_right_logical3A_681 : vector<16xi32> to vector<1x16xi32>
    tpu.vector_store %arg15[%swap3A_683, %swap3A_684], %swap3A_687 {strides = array<i32>} : memref<4x128xi32, #tpu.memory_space<vmem>>, vector<1x16xi32>,
    %get3A_688 = arith.constant 2 : i32
    %get3A_689 = arith.index_cast %get3A_688 : i32 to index
    %get3A_690 = arith.constant 48 : index
    %get3A_691 = tpu.vector_load %arg12[%get3A_689, %get3A_690] {strides = array<i32>} : memref<4x128xi32, #tpu.memory_space<vmem>>, vector<1x16xi32>,
    %get3A_692 = vector.shape_cast %get3A_691 : vector<1x16xi32> to vector<16xi32>
    %shift_right_logical3A_693 = arith.constant 1 : i32
    %shift_right_logical3A_694 = vector.broadcast %shift_right_logical3A_693 : i32 to vector<16xi32>
    %shift_right_logical3A_695 = arith.shrui %get3A_692, %shift_right_logical3A_694 : vector<16xi32>
    %swap3A_696 = arith.constant 2 : i32
    %swap3A_697 = arith.index_cast %swap3A_696 : i32 to index
    %swap3A_698 = arith.constant 48 : index
    %swap3A_699 = tpu.vector_load %arg14[%swap3A_697, %swap3A_698] {strides = array<i32>} : memref<4x128xi32, #tpu.memory_space<vmem>>, vector<1x16xi32>,
    %swap3A_700 = vector.shape_cast %swap3A_699 : vector<1x16xi32> to vector<16xi32>
    %swap3A_701 = vector.shape_cast %shift_right_logical3A_695 : vector<16xi32> to vector<1x16xi32>
    tpu.vector_store %arg14[%swap3A_697, %swap3A_698], %swap3A_701 {strides = array<i32>} : memref<4x128xi32, #tpu.memory_space<vmem>>, vector<1x16xi32>,
    %get3A_702 = arith.constant 2 : i32
    %get3A_703 = arith.index_cast %get3A_702 : i32 to index
    %get3A_704 = arith.constant 48 : index
    %get3A_705 = tpu.vector_load %arg13[%get3A_703, %get3A_704] {strides = array<i32>} : memref<4x128xi32, #tpu.memory_space<vmem>>, vector<1x16xi32>,
    %get3A_706 = vector.shape_cast %get3A_705 : vector<1x16xi32> to vector<16xi32>
    %shift_right_logical3A_707 = arith.constant 1 : i32
    %shift_right_logical3A_708 = vector.broadcast %shift_right_logical3A_707 : i32 to vector<16xi32>
    %shift_right_logical3A_709 = arith.shrui %get3A_706, %shift_right_logical3A_708 : vector<16xi32>
    %swap3A_710 = arith.constant 2 : i32
    %swap3A_711 = arith.index_cast %swap3A_710 : i32 to index
    %swap3A_712 = arith.constant 48 : index
    %swap3A_713 = tpu.vector_load %arg15[%swap3A_711, %swap3A_712] {strides = array<i32>} : memref<4x128xi32, #tpu.memory_space<vmem>>, vector<1x16xi32>,
    %swap3A_714 = vector.shape_cast %swap3A_713 : vector<1x16xi32> to vector<16xi32>
    %swap3A_715 = vector.shape_cast %shift_right_logical3A_709 : vector<16xi32> to vector<1x16xi32>
    tpu.vector_store %arg15[%swap3A_711, %swap3A_712], %swap3A_715 {strides = array<i32>} : memref<4x128xi32, #tpu.memory_space<vmem>>, vector<1x16xi32>,
    %get3A_716 = arith.constant 2 : i32
    %get3A_717 = arith.index_cast %get3A_716 : i32 to index
    %get3A_718 = arith.constant 64 : index
    %get3A_719 = tpu.vector_load %arg12[%get3A_717, %get3A_718] {strides = array<i32>} : memref<4x128xi32, #tpu.memory_space<vmem>>, vector<1x16xi32>,
    %get3A_720 = vector.shape_cast %get3A_719 : vector<1x16xi32> to vector<16xi32>
    %shift_right_logical3A_721 = arith.constant 1 : i32
    %shift_right_logical3A_722 = vector.broadcast %shift_right_logical3A_721 : i32 to vector<16xi32>
    %shift_right_logical3A_723 = arith.shrui %get3A_720, %shift_right_logical3A_722 : vector<16xi32>
    %swap3A_724 = arith.constant 2 : i32
    %swap3A_725 = arith.index_cast %swap3A_724 : i32 to index
    %swap3A_726 = arith.constant 64 : index
    %swap3A_727 = tpu.vector_load %arg14[%swap3A_725, %swap3A_726] {strides = array<i32>} : memref<4x128xi32, #tpu.memory_space<vmem>>, vector<1x16xi32>,
    %swap3A_728 = vector.shape_cast %swap3A_727 : vector<1x16xi32> to vector<16xi32>
    %swap3A_729 = vector.shape_cast %shift_right_logical3A_723 : vector<16xi32> to vector<1x16xi32>
    tpu.vector_store %arg14[%swap3A_725, %swap3A_726], %swap3A_729 {strides = array<i32>} : memref<4x128xi32, #tpu.memory_space<vmem>>, vector<1x16xi32>,
    %get3A_730 = arith.constant 2 : i32
    %get3A_731 = arith.index_cast %get3A_730 : i32 to index
    %get3A_732 = arith.constant 64 : index
    %get3A_733 = tpu.vector_load %arg13[%get3A_731, %get3A_732] {strides = array<i32>} : memref<4x128xi32, #tpu.memory_space<vmem>>, vector<1x16xi32>,
    %get3A_734 = vector.shape_cast %get3A_733 : vector<1x16xi32> to vector<16xi32>
    %shift_right_logical3A_735 = arith.constant 1 : i32
    %shift_right_logical3A_736 = vector.broadcast %shift_right_logical3A_735 : i32 to vector<16xi32>
    %shift_right_logical3A_737 = arith.shrui %get3A_734, %shift_right_logical3A_736 : vector<16xi32>
    %swap3A_738 = arith.constant 2 : i32
    %swap3A_739 = arith.index_cast %swap3A_738 : i32 to index
    %swap3A_740 = arith.constant 64 : index
    %swap3A_741 = tpu.vector_load %arg15[%swap3A_739, %swap3A_740] {strides = array<i32>} : memref<4x128xi32, #tpu.memory_space<vmem>>, vector<1x16xi32>,
    %swap3A_742 = vector.shape_cast %swap3A_741 : vector<1x16xi32> to vector<16xi32>
    %swap3A_743 = vector.shape_cast %shift_right_logical3A_737 : vector<16xi32> to vector<1x16xi32>
    tpu.vector_store %arg15[%swap3A_739, %swap3A_740], %swap3A_743 {strides = array<i32>} : memref<4x128xi32, #tpu.memory_space<vmem>>, vector<1x16xi32>,
    %get3A_744 = arith.constant 2 : i32
    %get3A_745 = arith.index_cast %get3A_744 : i32 to index
    %get3A_746 = arith.constant 80 : index
    %get3A_747 = tpu.vector_load %arg12[%get3A_745, %get3A_746] {strides = array<i32>} : memref<4x128xi32, #tpu.memory_space<vmem>>, vector<1x16xi32>,
    %get3A_748 = vector.shape_cast %get3A_747 : vector<1x16xi32> to vector<16xi32>
    %shift_right_logical3A_749 = arith.constant 1 : i32
    %shift_right_logical3A_750 = vector.broadcast %shift_right_logical3A_749 : i32 to vector<16xi32>
    %shift_right_logical3A_751 = arith.shrui %get3A_748, %shift_right_logical3A_750 : vector<16xi32>
    %swap3A_752 = arith.constant 2 : i32
    %swap3A_753 = arith.index_cast %swap3A_752 : i32 to index
    %swap3A_754 = arith.constant 80 : index
    %swap3A_755 = tpu.vector_load %arg14[%swap3A_753, %swap3A_754] {strides = array<i32>} : memref<4x128xi32, #tpu.memory_space<vmem>>, vector<1x16xi32>,
    %swap3A_756 = vector.shape_cast %swap3A_755 : vector<1x16xi32> to vector<16xi32>
    %swap3A_757 = vector.shape_cast %shift_right_logical3A_751 : vector<16xi32> to vector<1x16xi32>
    tpu.vector_store %arg14[%swap3A_753, %swap3A_754], %swap3A_757 {strides = array<i32>} : memref<4x128xi32, #tpu.memory_space<vmem>>, vector<1x16xi32>,
    %get3A_758 = arith.constant 2 : i32
    %get3A_759 = arith.index_cast %get3A_758 : i32 to index
    %get3A_760 = arith.constant 80 : index
    %get3A_761 = tpu.vector_load %arg13[%get3A_759, %get3A_760] {strides = array<i32>} : memref<4x128xi32, #tpu.memory_space<vmem>>, vector<1x16xi32>,
    %get3A_762 = vector.shape_cast %get3A_761 : vector<1x16xi32> to vector<16xi32>
    %shift_right_logical3A_763 = arith.constant 1 : i32
    %shift_right_logical3A_764 = vector.broadcast %shift_right_logical3A_763 : i32 to vector<16xi32>
    %shift_right_logical3A_765 = arith.shrui %get3A_762, %shift_right_logical3A_764 : vector<16xi32>
    %swap3A_766 = arith.constant 2 : i32
    %swap3A_767 = arith.index_cast %swap3A_766 : i32 to index
    %swap3A_768 = arith.constant 80 : index
    %swap3A_769 = tpu.vector_load %arg15[%swap3A_767, %swap3A_768] {strides = array<i32>} : memref<4x128xi32, #tpu.memory_space<vmem>>, vector<1x16xi32>,
    %swap3A_770 = vector.shape_cast %swap3A_769 : vector<1x16xi32> to vector<16xi32>
    %swap3A_771 = vector.shape_cast %shift_right_logical3A_765 : vector<16xi32> to vector<1x16xi32>
    tpu.vector_store %arg15[%swap3A_767, %swap3A_768], %swap3A_771 {strides = array<i32>} : memref<4x128xi32, #tpu.memory_space<vmem>>, vector<1x16xi32>,
    %get3A_772 = arith.constant 2 : i32
    %get3A_773 = arith.index_cast %get3A_772 : i32 to index
    %get3A_774 = arith.constant 96 : index
    %get3A_775 = tpu.vector_load %arg12[%get3A_773, %get3A_774] {strides = array<i32>} : memref<4x128xi32, #tpu.memory_space<vmem>>, vector<1x16xi32>,
    %get3A_776 = vector.shape_cast %get3A_775 : vector<1x16xi32> to vector<16xi32>
    %shift_right_logical3A_777 = arith.constant 1 : i32
    %shift_right_logical3A_778 = vector.broadcast %shift_right_logical3A_777 : i32 to vector<16xi32>
    %shift_right_logical3A_779 = arith.shrui %get3A_776, %shift_right_logical3A_778 : vector<16xi32>
    %swap3A_780 = arith.constant 2 : i32
    %swap3A_781 = arith.index_cast %swap3A_780 : i32 to index
    %swap3A_782 = arith.constant 96 : index
    %swap3A_783 = tpu.vector_load %arg14[%swap3A_781, %swap3A_782] {strides = array<i32>} : memref<4x128xi32, #tpu.memory_space<vmem>>, vector<1x16xi32>,
    %swap3A_784 = vector.shape_cast %swap3A_783 : vector<1x16xi32> to vector<16xi32>
    %swap3A_785 = vector.shape_cast %shift_right_logical3A_779 : vector<16xi32> to vector<1x16xi32>
    tpu.vector_store %arg14[%swap3A_781, %swap3A_782], %swap3A_785 {strides = array<i32>} : memref<4x128xi32, #tpu.memory_space<vmem>>, vector<1x16xi32>,
    %get3A_786 = arith.constant 2 : i32
    %get3A_787 = arith.index_cast %get3A_786 : i32 to index
    %get3A_788 = arith.constant 96 : index
    %get3A_789 = tpu.vector_load %arg13[%get3A_787, %get3A_788] {strides = array<i32>} : memref<4x128xi32, #tpu.memory_space<vmem>>, vector<1x16xi32>,
    %get3A_790 = vector.shape_cast %get3A_789 : vector<1x16xi32> to vector<16xi32>
    %shift_right_logical3A_791 = arith.constant 1 : i32
    %shift_right_logical3A_792 = vector.broadcast %shift_right_logical3A_791 : i32 to vector<16xi32>
    %shift_right_logical3A_793 = arith.shrui %get3A_790, %shift_right_logical3A_792 : vector<16xi32>
    %swap3A_794 = arith.constant 2 : i32
    %swap3A_795 = arith.index_cast %swap3A_794 : i32 to index
    %swap3A_796 = arith.constant 96 : index
    %swap3A_797 = tpu.vector_load %arg15[%swap3A_795, %swap3A_796] {strides = array<i32>} : memref<4x128xi32, #tpu.memory_space<vmem>>, vector<1x16xi32>,
    %swap3A_798 = vector.shape_cast %swap3A_797 : vector<1x16xi32> to vector<16xi32>
    %swap3A_799 = vector.shape_cast %shift_right_logical3A_793 : vector<16xi32> to vector<1x16xi32>
    tpu.vector_store %arg15[%swap3A_795, %swap3A_796], %swap3A_799 {strides = array<i32>} : memref<4x128xi32, #tpu.memory_space<vmem>>, vector<1x16xi32>,
    %get3A_800 = arith.constant 2 : i32
    %get3A_801 = arith.index_cast %get3A_800 : i32 to index
    %get3A_802 = arith.constant 112 : index
    %get3A_803 = tpu.vector_load %arg12[%get3A_801, %get3A_802] {strides = array<i32>} : memref<4x128xi32, #tpu.memory_space<vmem>>, vector<1x16xi32>,
    %get3A_804 = vector.shape_cast %get3A_803 : vector<1x16xi32> to vector<16xi32>
    %shift_right_logical3A_805 = arith.constant 1 : i32
    %shift_right_logical3A_806 = vector.broadcast %shift_right_logical3A_805 : i32 to vector<16xi32>
    %shift_right_logical3A_807 = arith.shrui %get3A_804, %shift_right_logical3A_806 : vector<16xi32>
    %swap3A_808 = arith.constant 2 : i32
    %swap3A_809 = arith.index_cast %swap3A_808 : i32 to index
    %swap3A_810 = arith.constant 112 : index
    %swap3A_811 = tpu.vector_load %arg14[%swap3A_809, %swap3A_810] {strides = array<i32>} : memref<4x128xi32, #tpu.memory_space<vmem>>, vector<1x16xi32>,
    %swap3A_812 = vector.shape_cast %swap3A_811 : vector<1x16xi32> to vector<16xi32>
    %swap3A_813 = vector.shape_cast %shift_right_logical3A_807 : vector<16xi32> to vector<1x16xi32>
    tpu.vector_store %arg14[%swap3A_809, %swap3A_810], %swap3A_813 {strides = array<i32>} : memref<4x128xi32, #tpu.memory_space<vmem>>, vector<1x16xi32>,
    %get3A_814 = arith.constant 2 : i32
    %get3A_815 = arith.index_cast %get3A_814 : i32 to index
    %get3A_816 = arith.constant 112 : index
    %get3A_817 = tpu.vector_load %arg13[%get3A_815, %get3A_816] {strides = array<i32>} : memref<4x128xi32, #tpu.memory_space<vmem>>, vector<1x16xi32>,
    %get3A_818 = vector.shape_cast %get3A_817 : vector<1x16xi32> to vector<16xi32>
    %shift_right_logical3A_819 = arith.constant 1 : i32
    %shift_right_logical3A_820 = vector.broadcast %shift_right_logical3A_819 : i32 to vector<16xi32>
    %shift_right_logical3A_821 = arith.shrui %get3A_818, %shift_right_logical3A_820 : vector<16xi32>
    %swap3A_822 = arith.constant 2 : i32
    %swap3A_823 = arith.index_cast %swap3A_822 : i32 to index
    %swap3A_824 = arith.constant 112 : index
    %swap3A_825 = tpu.vector_load %arg15[%swap3A_823, %swap3A_824] {strides = array<i32>} : memref<4x128xi32, #tpu.memory_space<vmem>>, vector<1x16xi32>,
    %swap3A_826 = vector.shape_cast %swap3A_825 : vector<1x16xi32> to vector<16xi32>
    %swap3A_827 = vector.shape_cast %shift_right_logical3A_821 : vector<16xi32> to vector<1x16xi32>
    tpu.vector_store %arg15[%swap3A_823, %swap3A_824], %swap3A_827 {strides = array<i32>} : memref<4x128xi32, #tpu.memory_space<vmem>>, vector<1x16xi32>,
    %get3A_828 = arith.constant 3 : i32
    %get3A_829 = arith.index_cast %get3A_828 : i32 to index
    %get3A_830 = arith.constant 0 : index
    %get3A_831 = tpu.vector_load %arg12[%get3A_829, %get3A_830] {strides = array<i32>} : memref<4x128xi32, #tpu.memory_space<vmem>>, vector<1x16xi32>,
    %get3A_832 = vector.shape_cast %get3A_831 : vector<1x16xi32> to vector<16xi32>
    %shift_right_logical3A_833 = arith.constant 1 : i32
    %shift_right_logical3A_834 = vector.broadcast %shift_right_logical3A_833 : i32 to vector<16xi32>
    %shift_right_logical3A_835 = arith.shrui %get3A_832, %shift_right_logical3A_834 : vector<16xi32>
    %swap3A_836 = arith.constant 3 : i32
    %swap3A_837 = arith.index_cast %swap3A_836 : i32 to index
    %swap3A_838 = arith.constant 0 : index
    %swap3A_839 = tpu.vector_load %arg14[%swap3A_837, %swap3A_838] {strides = array<i32>} : memref<4x128xi32, #tpu.memory_space<vmem>>, vector<1x16xi32>,
    %swap3A_840 = vector.shape_cast %swap3A_839 : vector<1x16xi32> to vector<16xi32>
    %swap3A_841 = vector.shape_cast %shift_right_logical3A_835 : vector<16xi32> to vector<1x16xi32>
    tpu.vector_store %arg14[%swap3A_837, %swap3A_838], %swap3A_841 {strides = array<i32>} : memref<4x128xi32, #tpu.memory_space<vmem>>, vector<1x16xi32>,
    %get3A_842 = arith.constant 3 : i32
    %get3A_843 = arith.index_cast %get3A_842 : i32 to index
    %get3A_844 = arith.constant 0 : index
    %get3A_845 = tpu.vector_load %arg13[%get3A_843, %get3A_844] {strides = array<i32>} : memref<4x128xi32, #tpu.memory_space<vmem>>, vector<1x16xi32>,
    %get3A_846 = vector.shape_cast %get3A_845 : vector<1x16xi32> to vector<16xi32>
    %shift_right_logical3A_847 = arith.constant 1 : i32
    %shift_right_logical3A_848 = vector.broadcast %shift_right_logical3A_847 : i32 to vector<16xi32>
    %shift_right_logical3A_849 = arith.shrui %get3A_846, %shift_right_logical3A_848 : vector<16xi32>
    %swap3A_850 = arith.constant 3 : i32
    %swap3A_851 = arith.index_cast %swap3A_850 : i32 to index
    %swap3A_852 = arith.constant 0 : index
    %swap3A_853 = tpu.vector_load %arg15[%swap3A_851, %swap3A_852] {strides = array<i32>} : memref<4x128xi32, #tpu.memory_space<vmem>>, vector<1x16xi32>,
    %swap3A_854 = vector.shape_cast %swap3A_853 : vector<1x16xi32> to vector<16xi32>
    %swap3A_855 = vector.shape_cast %shift_right_logical3A_849 : vector<16xi32> to vector<1x16xi32>
    tpu.vector_store %arg15[%swap3A_851, %swap3A_852], %swap3A_855 {strides = array<i32>} : memref<4x128xi32, #tpu.memory_space<vmem>>, vector<1x16xi32>,
    %get3A_856 = arith.constant 3 : i32
    %get3A_857 = arith.index_cast %get3A_856 : i32 to index
    %get3A_858 = arith.constant 16 : index
    %get3A_859 = tpu.vector_load %arg12[%get3A_857, %get3A_858] {strides = array<i32>} : memref<4x128xi32, #tpu.memory_space<vmem>>, vector<1x16xi32>,
    %get3A_860 = vector.shape_cast %get3A_859 : vector<1x16xi32> to vector<16xi32>
    %shift_right_logical3A_861 = arith.constant 1 : i32
    %shift_right_logical3A_862 = vector.broadcast %shift_right_logical3A_861 : i32 to vector<16xi32>
    %shift_right_logical3A_863 = arith.shrui %get3A_860, %shift_right_logical3A_862 : vector<16xi32>
    %swap3A_864 = arith.constant 3 : i32
    %swap3A_865 = arith.index_cast %swap3A_864 : i32 to index
    %swap3A_866 = arith.constant 16 : index
    %swap3A_867 = tpu.vector_load %arg14[%swap3A_865, %swap3A_866] {strides = array<i32>} : memref<4x128xi32, #tpu.memory_space<vmem>>, vector<1x16xi32>,
    %swap3A_868 = vector.shape_cast %swap3A_867 : vector<1x16xi32> to vector<16xi32>
    %swap3A_869 = vector.shape_cast %shift_right_logical3A_863 : vector<16xi32> to vector<1x16xi32>
    tpu.vector_store %arg14[%swap3A_865, %swap3A_866], %swap3A_869 {strides = array<i32>} : memref<4x128xi32, #tpu.memory_space<vmem>>, vector<1x16xi32>,
    %get3A_870 = arith.constant 3 : i32
    %get3A_871 = arith.index_cast %get3A_870 : i32 to index
    %get3A_872 = arith.constant 16 : index
    %get3A_873 = tpu.vector_load %arg13[%get3A_871, %get3A_872] {strides = array<i32>} : memref<4x128xi32, #tpu.memory_space<vmem>>, vector<1x16xi32>,
    %get3A_874 = vector.shape_cast %get3A_873 : vector<1x16xi32> to vector<16xi32>
    %shift_right_logical3A_875 = arith.constant 1 : i32
    %shift_right_logical3A_876 = vector.broadcast %shift_right_logical3A_875 : i32 to vector<16xi32>
    %shift_right_logical3A_877 = arith.shrui %get3A_874, %shift_right_logical3A_876 : vector<16xi32>
    %swap3A_878 = arith.constant 3 : i32
    %swap3A_879 = arith.index_cast %swap3A_878 : i32 to index
    %swap3A_880 = arith.constant 16 : index
    %swap3A_881 = tpu.vector_load %arg15[%swap3A_879, %swap3A_880] {strides = array<i32>} : memref<4x128xi32, #tpu.memory_space<vmem>>, vector<1x16xi32>,
    %swap3A_882 = vector.shape_cast %swap3A_881 : vector<1x16xi32> to vector<16xi32>
    %swap3A_883 = vector.shape_cast %shift_right_logical3A_877 : vector<16xi32> to vector<1x16xi32>
    tpu.vector_store %arg15[%swap3A_879, %swap3A_880], %swap3A_883 {strides = array<i32>} : memref<4x128xi32, #tpu.memory_space<vmem>>, vector<1x16xi32>,
    %get3A_884 = arith.constant 3 : i32
    %get3A_885 = arith.index_cast %get3A_884 : i32 to index
    %get3A_886 = arith.constant 32 : index
    %get3A_887 = tpu.vector_load %arg12[%get3A_885, %get3A_886] {strides = array<i32>} : memref<4x128xi32, #tpu.memory_space<vmem>>, vector<1x16xi32>,
    %get3A_888 = vector.shape_cast %get3A_887 : vector<1x16xi32> to vector<16xi32>
    %shift_right_logical3A_889 = arith.constant 1 : i32
    %shift_right_logical3A_890 = vector.broadcast %shift_right_logical3A_889 : i32 to vector<16xi32>
    %shift_right_logical3A_891 = arith.shrui %get3A_888, %shift_right_logical3A_890 : vector<16xi32>
    %swap3A_892 = arith.constant 3 : i32
    %swap3A_893 = arith.index_cast %swap3A_892 : i32 to index
    %swap3A_894 = arith.constant 32 : index
    %swap3A_895 = tpu.vector_load %arg14[%swap3A_893, %swap3A_894] {strides = array<i32>} : memref<4x128xi32, #tpu.memory_space<vmem>>, vector<1x16xi32>,
    %swap3A_896 = vector.shape_cast %swap3A_895 : vector<1x16xi32> to vector<16xi32>
    %swap3A_897 = vector.shape_cast %shift_right_logical3A_891 : vector<16xi32> to vector<1x16xi32>
    tpu.vector_store %arg14[%swap3A_893, %swap3A_894], %swap3A_897 {strides = array<i32>} : memref<4x128xi32, #tpu.memory_space<vmem>>, vector<1x16xi32>,
    %get3A_898 = arith.constant 3 : i32
    %get3A_899 = arith.index_cast %get3A_898 : i32 to index
    %get3A_900 = arith.constant 32 : index
    %get3A_901 = tpu.vector_load %arg13[%get3A_899, %get3A_900] {strides = array<i32>} : memref<4x128xi32, #tpu.memory_space<vmem>>, vector<1x16xi32>,
    %get3A_902 = vector.shape_cast %get3A_901 : vector<1x16xi32> to vector<16xi32>
    %shift_right_logical3A_903 = arith.constant 1 : i32
    %shift_right_logical3A_904 = vector.broadcast %shift_right_logical3A_903 : i32 to vector<16xi32>
    %shift_right_logical3A_905 = arith.shrui %get3A_902, %shift_right_logical3A_904 : vector<16xi32>
    %swap3A_906 = arith.constant 3 : i32
    %swap3A_907 = arith.index_cast %swap3A_906 : i32 to index
    %swap3A_908 = arith.constant 32 : index
    %swap3A_909 = tpu.vector_load %arg15[%swap3A_907, %swap3A_908] {strides = array<i32>} : memref<4x128xi32, #tpu.memory_space<vmem>>, vector<1x16xi32>,
    %swap3A_910 = vector.shape_cast %swap3A_909 : vector<1x16xi32> to vector<16xi32>
    %swap3A_911 = vector.shape_cast %shift_right_logical3A_905 : vector<16xi32> to vector<1x16xi32>
    tpu.vector_store %arg15[%swap3A_907, %swap3A_908], %swap3A_911 {strides = array<i32>} : memref<4x128xi32, #tpu.memory_space<vmem>>, vector<1x16xi32>,
    %get3A_912 = arith.constant 3 : i32
    %get3A_913 = arith.index_cast %get3A_912 : i32 to index
    %get3A_914 = arith.constant 48 : index
    %get3A_915 = tpu.vector_load %arg12[%get3A_913, %get3A_914] {strides = array<i32>} : memref<4x128xi32, #tpu.memory_space<vmem>>, vector<1x16xi32>,
    %get3A_916 = vector.shape_cast %get3A_915 : vector<1x16xi32> to vector<16xi32>
    %shift_right_logical3A_917 = arith.constant 1 : i32
    %shift_right_logical3A_918 = vector.broadcast %shift_right_logical3A_917 : i32 to vector<16xi32>
    %shift_right_logical3A_919 = arith.shrui %get3A_916, %shift_right_logical3A_918 : vector<16xi32>
    %swap3A_920 = arith.constant 3 : i32
    %swap3A_921 = arith.index_cast %swap3A_920 : i32 to index
    %swap3A_922 = arith.constant 48 : index
    %swap3A_923 = tpu.vector_load %arg14[%swap3A_921, %swap3A_922] {strides = array<i32>} : memref<4x128xi32, #tpu.memory_space<vmem>>, vector<1x16xi32>,
    %swap3A_924 = vector.shape_cast %swap3A_923 : vector<1x16xi32> to vector<16xi32>
    %swap3A_925 = vector.shape_cast %shift_right_logical3A_919 : vector<16xi32> to vector<1x16xi32>
    tpu.vector_store %arg14[%swap3A_921, %swap3A_922], %swap3A_925 {strides = array<i32>} : memref<4x128xi32, #tpu.memory_space<vmem>>, vector<1x16xi32>,
    %get3A_926 = arith.constant 3 : i32
    %get3A_927 = arith.index_cast %get3A_926 : i32 to index
    %get3A_928 = arith.constant 48 : index
    %get3A_929 = tpu.vector_load %arg13[%get3A_927, %get3A_928] {strides = array<i32>} : memref<4x128xi32, #tpu.memory_space<vmem>>, vector<1x16xi32>,
    %get3A_930 = vector.shape_cast %get3A_929 : vector<1x16xi32> to vector<16xi32>
    %shift_right_logical3A_931 = arith.constant 1 : i32
    %shift_right_logical3A_932 = vector.broadcast %shift_right_logical3A_931 : i32 to vector<16xi32>
    %shift_right_logical3A_933 = arith.shrui %get3A_930, %shift_right_logical3A_932 : vector<16xi32>
    %swap3A_934 = arith.constant 3 : i32
    %swap3A_935 = arith.index_cast %swap3A_934 : i32 to index
    %swap3A_936 = arith.constant 48 : index
    %swap3A_937 = tpu.vector_load %arg15[%swap3A_935, %swap3A_936] {strides = array<i32>} : memref<4x128xi32, #tpu.memory_space<vmem>>, vector<1x16xi32>,
    %swap3A_938 = vector.shape_cast %swap3A_937 : vector<1x16xi32> to vector<16xi32>
    %swap3A_939 = vector.shape_cast %shift_right_logical3A_933 : vector<16xi32> to vector<1x16xi32>
    tpu.vector_store %arg15[%swap3A_935, %swap3A_936], %swap3A_939 {strides = array<i32>} : memref<4x128xi32, #tpu.memory_space<vmem>>, vector<1x16xi32>,
    %get3A_940 = arith.constant 3 : i32
    %get3A_941 = arith.index_cast %get3A_940 : i32 to index
    %get3A_942 = arith.constant 64 : index
    %get3A_943 = tpu.vector_load %arg12[%get3A_941, %get3A_942] {strides = array<i32>} : memref<4x128xi32, #tpu.memory_space<vmem>>, vector<1x16xi32>,
    %get3A_944 = vector.shape_cast %get3A_943 : vector<1x16xi32> to vector<16xi32>
    %shift_right_logical3A_945 = arith.constant 1 : i32
    %shift_right_logical3A_946 = vector.broadcast %shift_right_logical3A_945 : i32 to vector<16xi32>
    %shift_right_logical3A_947 = arith.shrui %get3A_944, %shift_right_logical3A_946 : vector<16xi32>
    %swap3A_948 = arith.constant 3 : i32
    %swap3A_949 = arith.index_cast %swap3A_948 : i32 to index
    %swap3A_950 = arith.constant 64 : index
    %swap3A_951 = tpu.vector_load %arg14[%swap3A_949, %swap3A_950] {strides = array<i32>} : memref<4x128xi32, #tpu.memory_space<vmem>>, vector<1x16xi32>,
    %swap3A_952 = vector.shape_cast %swap3A_951 : vector<1x16xi32> to vector<16xi32>
    %swap3A_953 = vector.shape_cast %shift_right_logical3A_947 : vector<16xi32> to vector<1x16xi32>
    tpu.vector_store %arg14[%swap3A_949, %swap3A_950], %swap3A_953 {strides = array<i32>} : memref<4x128xi32, #tpu.memory_space<vmem>>, vector<1x16xi32>,
    %get3A_954 = arith.constant 3 : i32
    %get3A_955 = arith.index_cast %get3A_954 : i32 to index
    %get3A_956 = arith.constant 64 : index
    %get3A_957 = tpu.vector_load %arg13[%get3A_955, %get3A_956] {strides = array<i32>} : memref<4x128xi32, #tpu.memory_space<vmem>>, vector<1x16xi32>,
    %get3A_958 = vector.shape_cast %get3A_957 : vector<1x16xi32> to vector<16xi32>
    %shift_right_logical3A_959 = arith.constant 1 : i32
    %shift_right_logical3A_960 = vector.broadcast %shift_right_logical3A_959 : i32 to vector<16xi32>
    %shift_right_logical3A_961 = arith.shrui %get3A_958, %shift_right_logical3A_960 : vector<16xi32>
    %swap3A_962 = arith.constant 3 : i32
    %swap3A_963 = arith.index_cast %swap3A_962 : i32 to index
    %swap3A_964 = arith.constant 64 : index
    %swap3A_965 = tpu.vector_load %arg15[%swap3A_963, %swap3A_964] {strides = array<i32>} : memref<4x128xi32, #tpu.memory_space<vmem>>, vector<1x16xi32>,
    %swap3A_966 = vector.shape_cast %swap3A_965 : vector<1x16xi32> to vector<16xi32>
    %swap3A_967 = vector.shape_cast %shift_right_logical3A_961 : vector<16xi32> to vector<1x16xi32>
    tpu.vector_store %arg15[%swap3A_963, %swap3A_964], %swap3A_967 {strides = array<i32>} : memref<4x128xi32, #tpu.memory_space<vmem>>, vector<1x16xi32>,
    %get3A_968 = arith.constant 3 : i32
    %get3A_969 = arith.index_cast %get3A_968 : i32 to index
    %get3A_970 = arith.constant 80 : index
    %get3A_971 = tpu.vector_load %arg12[%get3A_969, %get3A_970] {strides = array<i32>} : memref<4x128xi32, #tpu.memory_space<vmem>>, vector<1x16xi32>,
    %get3A_972 = vector.shape_cast %get3A_971 : vector<1x16xi32> to vector<16xi32>
    %shift_right_logical3A_973 = arith.constant 1 : i32
    %shift_right_logical3A_974 = vector.broadcast %shift_right_logical3A_973 : i32 to vector<16xi32>
    %shift_right_logical3A_975 = arith.shrui %get3A_972, %shift_right_logical3A_974 : vector<16xi32>
    %swap3A_976 = arith.constant 3 : i32
    %swap3A_977 = arith.index_cast %swap3A_976 : i32 to index
    %swap3A_978 = arith.constant 80 : index
    %swap3A_979 = tpu.vector_load %arg14[%swap3A_977, %swap3A_978] {strides = array<i32>} : memref<4x128xi32, #tpu.memory_space<vmem>>, vector<1x16xi32>,
    %swap3A_980 = vector.shape_cast %swap3A_979 : vector<1x16xi32> to vector<16xi32>
    %swap3A_981 = vector.shape_cast %shift_right_logical3A_975 : vector<16xi32> to vector<1x16xi32>
    tpu.vector_store %arg14[%swap3A_977, %swap3A_978], %swap3A_981 {strides = array<i32>} : memref<4x128xi32, #tpu.memory_space<vmem>>, vector<1x16xi32>,
    %get3A_982 = arith.constant 3 : i32
    %get3A_983 = arith.index_cast %get3A_982 : i32 to index
    %get3A_984 = arith.constant 80 : index
    %get3A_985 = tpu.vector_load %arg13[%get3A_983, %get3A_984] {strides = array<i32>} : memref<4x128xi32, #tpu.memory_space<vmem>>, vector<1x16xi32>,
    %get3A_986 = vector.shape_cast %get3A_985 : vector<1x16xi32> to vector<16xi32>
    %shift_right_logical3A_987 = arith.constant 1 : i32
    %shift_right_logical3A_988 = vector.broadcast %shift_right_logical3A_987 : i32 to vector<16xi32>
    %shift_right_logical3A_989 = arith.shrui %get3A_986, %shift_right_logical3A_988 : vector<16xi32>
    %swap3A_990 = arith.constant 3 : i32
    %swap3A_991 = arith.index_cast %swap3A_990 : i32 to index
    %swap3A_992 = arith.constant 80 : index
    %swap3A_993 = tpu.vector_load %arg15[%swap3A_991, %swap3A_992] {strides = array<i32>} : memref<4x128xi32, #tpu.memory_space<vmem>>, vector<1x16xi32>,
    %swap3A_994 = vector.shape_cast %swap3A_993 : vector<1x16xi32> to vector<16xi32>
    %swap3A_995 = vector.shape_cast %shift_right_logical3A_989 : vector<16xi32> to vector<1x16xi32>
    tpu.vector_store %arg15[%swap3A_991, %swap3A_992], %swap3A_995 {strides = array<i32>} : memref<4x128xi32, #tpu.memory_space<vmem>>, vector<1x16xi32>,
    %get3A_996 = arith.constant 3 : i32
    %get3A_997 = arith.index_cast %get3A_996 : i32 to index
    %get3A_998 = arith.constant 96 : index
    %get3A_999 = tpu.vector_load %arg12[%get3A_997, %get3A_998] {strides = array<i32>} : memref<4x128xi32, #tpu.memory_space<vmem>>, vector<1x16xi32>,
    %get3A_1000 = vector.shape_cast %get3A_999 : vector<1x16xi32> to vector<16xi32>
    %shift_right_logical3A_1001 = arith.constant 1 : i32
    %shift_right_logical3A_1002 = vector.broadcast %shift_right_logical3A_1001 : i32 to vector<16xi32>
    %shift_right_logical3A_1003 = arith.shrui %get3A_1000, %shift_right_logical3A_1002 : vector<16xi32>
    %swap3A_1004 = arith.constant 3 : i32
    %swap3A_1005 = arith.index_cast %swap3A_1004 : i32 to index
    %swap3A_1006 = arith.constant 96 : index
    %swap3A_1007 = tpu.vector_load %arg14[%swap3A_1005, %swap3A_1006] {strides = array<i32>} : memref<4x128xi32, #tpu.memory_space<vmem>>, vector<1x16xi32>,
    %swap3A_1008 = vector.shape_cast %swap3A_1007 : vector<1x16xi32> to vector<16xi32>
    %swap3A_1009 = vector.shape_cast %shift_right_logical3A_1003 : vector<16xi32> to vector<1x16xi32>
    tpu.vector_store %arg14[%swap3A_1005, %swap3A_1006], %swap3A_1009 {strides = array<i32>} : memref<4x128xi32, #tpu.memory_space<vmem>>, vector<1x16xi32>,
    %get3A_1010 = arith.constant 3 : i32
    %get3A_1011 = arith.index_cast %get3A_1010 : i32 to index
    %get3A_1012 = arith.constant 96 : index
    %get3A_1013 = tpu.vector_load %arg13[%get3A_1011, %get3A_1012] {strides = array<i32>} : memref<4x128xi32, #tpu.memory_space<vmem>>, vector<1x16xi32>,
    %get3A_1014 = vector.shape_cast %get3A_1013 : vector<1x16xi32> to vector<16xi32>
    %shift_right_logical3A_1015 = arith.constant 1 : i32
    %shift_right_logical3A_1016 = vector.broadcast %shift_right_logical3A_1015 : i32 to vector<16xi32>
    %shift_right_logical3A_1017 = arith.shrui %get3A_1014, %shift_right_logical3A_1016 : vector<16xi32>
    %swap3A_1018 = arith.constant 3 : i32
    %swap3A_1019 = arith.index_cast %swap3A_1018 : i32 to index
    %swap3A_1020 = arith.constant 96 : index
    %swap3A_1021 = tpu.vector_load %arg15[%swap3A_1019, %swap3A_1020] {strides = array<i32>} : memref<4x128xi32, #tpu.memory_space<vmem>>, vector<1x16xi32>,
    %swap3A_1022 = vector.shape_cast %swap3A_1021 : vector<1x16xi32> to vector<16xi32>
    %swap3A_1023 = vector.shape_cast %shift_right_logical3A_1017 : vector<16xi32> to vector<1x16xi32>
    tpu.vector_store %arg15[%swap3A_1019, %swap3A_1020], %swap3A_1023 {strides = array<i32>} : memref<4x128xi32, #tpu.memory_space<vmem>>, vector<1x16xi32>,
    %get3A_1024 = arith.constant 3 : i32
    %get3A_1025 = arith.index_cast %get3A_1024 : i32 to index
    %get3A_1026 = arith.constant 112 : index
    %get3A_1027 = tpu.vector_load %arg12[%get3A_1025, %get3A_1026] {strides = array<i32>} : memref<4x128xi32, #tpu.memory_space<vmem>>, vector<1x16xi32>,
    %get3A_1028 = vector.shape_cast %get3A_1027 : vector<1x16xi32> to vector<16xi32>
    %shift_right_logical3A_1029 = arith.constant 1 : i32
    %shift_right_logical3A_1030 = vector.broadcast %shift_right_logical3A_1029 : i32 to vector<16xi32>
    %shift_right_logical3A_1031 = arith.shrui %get3A_1028, %shift_right_logical3A_1030 : vector<16xi32>
    %swap3A_1032 = arith.constant 3 : i32
    %swap3A_1033 = arith.index_cast %swap3A_1032 : i32 to index
    %swap3A_1034 = arith.constant 112 : index
    %swap3A_1035 = tpu.vector_load %arg14[%swap3A_1033, %swap3A_1034] {strides = array<i32>} : memref<4x128xi32, #tpu.memory_space<vmem>>, vector<1x16xi32>,
    %swap3A_1036 = vector.shape_cast %swap3A_1035 : vector<1x16xi32> to vector<16xi32>
    %swap3A_1037 = vector.shape_cast %shift_right_logical3A_1031 : vector<16xi32> to vector<1x16xi32>
    tpu.vector_store %arg14[%swap3A_1033, %swap3A_1034], %swap3A_1037 {strides = array<i32>} : memref<4x128xi32, #tpu.memory_space<vmem>>, vector<1x16xi32>,
    %get3A_1038 = arith.constant 3 : i32
    %get3A_1039 = arith.index_cast %get3A_1038 : i32 to index
    %get3A_1040 = arith.constant 112 : index
    %get3A_1041 = tpu.vector_load %arg13[%get3A_1039, %get3A_1040] {strides = array<i32>} : memref<4x128xi32, #tpu.memory_space<vmem>>, vector<1x16xi32>,
    %get3A_1042 = vector.shape_cast %get3A_1041 : vector<1x16xi32> to vector<16xi32>
    %shift_right_logical3A_1043 = arith.constant 1 : i32
    %shift_right_logical3A_1044 = vector.broadcast %shift_right_logical3A_1043 : i32 to vector<16xi32>
    %shift_right_logical3A_1045 = arith.shrui %get3A_1042, %shift_right_logical3A_1044 : vector<16xi32>
    %swap3A_1046 = arith.constant 3 : i32
    %swap3A_1047 = arith.index_cast %swap3A_1046 : i32 to index
    %swap3A_1048 = arith.constant 112 : index
    %swap3A_1049 = tpu.vector_load %arg15[%swap3A_1047, %swap3A_1048] {strides = array<i32>} : memref<4x128xi32, #tpu.memory_space<vmem>>, vector<1x16xi32>,
    %swap3A_1050 = vector.shape_cast %swap3A_1049 : vector<1x16xi32> to vector<16xi32>
    %swap3A_1051 = vector.shape_cast %shift_right_logical3A_1045 : vector<16xi32> to vector<1x16xi32>
    tpu.vector_store %arg15[%swap3A_1047, %swap3A_1048], %swap3A_1051 {strides = array<i32>} : memref<4x128xi32, #tpu.memory_space<vmem>>, vector<1x16xi32>,
    "tpu.region"() ({
      %run_scoped3A = tpu.sem_alloc : memref<!tpu.dma_semaphore, #tpu.memory_space<semaphore_mem>>
      %dma_start3A_1220 = arith.constant 0 : i32
      %dma_start3A_1221 = arith.constant 0 : i32
      %dma_start3A_1222 = tpu.memref_slice %arg9[%add3A, %dma_start3A_1220, %dma_start3A_1221] : memref<32x4x128xi32, #tpu.memory_space<hbm>> -> memref<1x4x128xi32, #tpu.memory_space<hbm>>
      %dma_start3A_1223 = tpu.memref_squeeze %dma_start3A_1222 : memref<1x4x128xi32, #tpu.memory_space<hbm>> -> memref<4x128xi32, #tpu.memory_space<hbm>>
      %dma_start3A_1224 = arith.constant 0 : i32
      %dma_start3A_1225 = arith.constant 0 : i32
      %dma_start3A_1226 = tpu.memref_slice %arg9[%add3A, %dma_start3A_1224, %dma_start3A_1225] : memref<32x4x128xi32, #tpu.memory_space<hbm>> -> memref<1x4x128xi32, #tpu.memory_space<hbm>>
      %dma_start3A_1227 = tpu.memref_squeeze %dma_start3A_1226 : memref<1x4x128xi32, #tpu.memory_space<hbm>> -> memref<4x128xi32, #tpu.memory_space<hbm>>
      tpu.enqueue_dma source(%arg12 : memref<4x128xi32, #tpu.memory_space<vmem>>) target(%dma_start3A_1227 : memref<4x128xi32, #tpu.memory_space<hbm>>) target_semaphore(%run_scoped3A : memref<!tpu.dma_semaphore, #tpu.memory_space<semaphore_mem>>)
      %dma_wait3A_1228 = arith.constant 0 : i32
      %dma_wait3A_1229 = arith.constant 0 : i32
      %dma_wait3A_1230 = tpu.memref_slice %arg9[%add3A, %dma_wait3A_1228, %dma_wait3A_1229] : memref<32x4x128xi32, #tpu.memory_space<hbm>> -> memref<1x4x128xi32, #tpu.memory_space<hbm>>
      %dma_wait3A_1231 = tpu.memref_squeeze %dma_wait3A_1230 : memref<1x4x128xi32, #tpu.memory_space<hbm>> -> memref<4x128xi32, #tpu.memory_space<hbm>>
      %dma_wait3A_1232 = arith.constant 0 : i32
      %dma_wait3A_1233 = arith.constant 0 : i32
      %dma_wait3A_1234 = tpu.memref_slice %arg9[%add3A, %dma_wait3A_1232, %dma_wait3A_1233] : memref<32x4x128xi32, #tpu.memory_space<hbm>> -> memref<1x4x128xi32, #tpu.memory_space<hbm>>
      %dma_wait3A_1235 = tpu.memref_squeeze %dma_wait3A_1234 : memref<1x4x128xi32, #tpu.memory_space<hbm>> -> memref<4x128xi32, #tpu.memory_space<hbm>>
      tpu.wait_dma2 semaphore(%run_scoped3A : memref<!tpu.dma_semaphore, #tpu.memory_space<semaphore_mem>>) src(%arg12 : memref<4x128xi32, #tpu.memory_space<vmem>>) dst(%dma_wait3A_1235 : memref<4x128xi32, #tpu.memory_space<hbm>>)
      tpu.yield
    }) : () -> ()
    "tpu.region"() ({
      %run_scoped3A = tpu.sem_alloc : memref<!tpu.dma_semaphore, #tpu.memory_space<semaphore_mem>>
      %dma_start3A_1220 = arith.constant 0 : i32
      %dma_start3A_1221 = arith.constant 0 : i32
      %dma_start3A_1222 = tpu.memref_slice %arg10[%add3A, %dma_start3A_1220, %dma_start3A_1221] : memref<32x4x128xi32, #tpu.memory_space<hbm>> -> memref<1x4x128xi32, #tpu.memory_space<hbm>>
      %dma_start3A_1223 = tpu.memref_squeeze %dma_start3A_1222 : memref<1x4x128xi32, #tpu.memory_space<hbm>> -> memref<4x128xi32, #tpu.memory_space<hbm>>
      %dma_start3A_1224 = arith.constant 0 : i32
      %dma_start3A_1225 = arith.constant 0 : i32
      %dma_start3A_1226 = tpu.memref_slice %arg10[%add3A, %dma_start3A_1224, %dma_start3A_1225] : memref<32x4x128xi32, #tpu.memory_space<hbm>> -> memref<1x4x128xi32, #tpu.memory_space<hbm>>
      %dma_start3A_1227 = tpu.memref_squeeze %dma_start3A_1226 : memref<1x4x128xi32, #tpu.memory_space<hbm>> -> memref<4x128xi32, #tpu.memory_space<hbm>>
      tpu.enqueue_dma source(%arg13 : memref<4x128xi32, #tpu.memory_space<vmem>>) target(%dma_start3A_1227 : memref<4x128xi32, #tpu.memory_space<hbm>>) target_semaphore(%run_scoped3A : memref<!tpu.dma_semaphore, #tpu.memory_space<semaphore_mem>>)
      %dma_wait3A_1228 = arith.constant 0 : i32
      %dma_wait3A_1229 = arith.constant 0 : i32
      %dma_wait3A_1230 = tpu.memref_slice %arg10[%add3A, %dma_wait3A_1228, %dma_wait3A_1229] : memref<32x4x128xi32, #tpu.memory_space<hbm>> -> memref<1x4x128xi32, #tpu.memory_space<hbm>>
      %dma_wait3A_1231 = tpu.memref_squeeze %dma_wait3A_1230 : memref<1x4x128xi32, #tpu.memory_space<hbm>> -> memref<4x128xi32, #tpu.memory_space<hbm>>
      %dma_wait3A_1232 = arith.constant 0 : i32
      %dma_wait3A_1233 = arith.constant 0 : i32
      %dma_wait3A_1234 = tpu.memref_slice %arg10[%add3A, %dma_wait3A_1232, %dma_wait3A_1233] : memref<32x4x128xi32, #tpu.memory_space<hbm>> -> memref<1x4x128xi32, #tpu.memory_space<hbm>>
      %dma_wait3A_1235 = tpu.memref_squeeze %dma_wait3A_1234 : memref<1x4x128xi32, #tpu.memory_space<hbm>> -> memref<4x128xi32, #tpu.memory_space<hbm>>
      tpu.wait_dma2 semaphore(%run_scoped3A : memref<!tpu.dma_semaphore, #tpu.memory_space<semaphore_mem>>) src(%arg13 : memref<4x128xi32, #tpu.memory_space<vmem>>) dst(%dma_wait3A_1235 : memref<4x128xi32, #tpu.memory_space<hbm>>)
      tpu.yield
    }) : () -> ()
    %mul3A_1052 = arith.constant 512 : i32
    %mul3A_1053 = arith.muli %add3A, %mul3A_1052 : i32
    %add3A_1054 = arith.constant 0 : i32
    %add3A_1055 = arith.addi %mul3A_1053, %add3A_1054 : i32
    %dma_start3A_1056 = arith.constant 0 : i32
    %dma_start3A_1057 = arith.constant 0 : i32
    %dma_start3A_1058 = arith.constant 0 : i32
    %dma_start3A_1059 = tpu.memref_slice %arg16[%dma_start3A_1057, %dma_start3A_1058] : memref<256x128xf32, #tpu.memory_space<vmem>> -> memref<128x128xf32, #tpu.memory_space<vmem>>
    %dma_start3A_1060 = arith.constant 0 : i32
    %dma_start3A_1061 = tpu.memref_slice %arg14[%dma_start3A_1056, %dma_start3A_1060] : memref<4x128xi32, #tpu.memory_space<vmem>> -> memref<1x128xi32, #tpu.memory_space<vmem>>
    %dma_start3A_1062 = tpu.memref_squeeze %dma_start3A_1061 : memref<1x128xi32, #tpu.memory_space<vmem>> -> memref<128xi32, #tpu.memory_space<vmem>>
    %dma_start3A_1063 = arith.constant 0 : i32
    %dma_start3A_1064 = arith.constant 0 : i32
    %dma_start3A_1065 = tpu.memref_slice %arg5[%dma_start3A_1063, %dma_start3A_1064] : memref<50000x128xf32, #tpu.memory_space<hbm>> -> memref<50000x128xf32, #tpu.memory_space<hbm>>
    tpu.enqueue_indirect_dma source(%dma_start3A_1065 : memref<50000x128xf32, #tpu.memory_space<hbm>>) target(%dma_start3A_1059 : memref<128x128xf32, #tpu.memory_space<vmem>>) offsets(%dma_start3A_1062 : memref<128xi32, #tpu.memory_space<vmem>>) semaphore(%arg19 : memref<!tpu.dma_semaphore, #tpu.memory_space<semaphore_mem>>)
    %dma_start3A_1066 = arith.constant 0 : i32
    %dma_start3A_1067 = arith.constant 0 : i32
    %dma_start3A_1068 = arith.constant 0 : i32
    %dma_start3A_1069 = tpu.memref_slice %arg17[%dma_start3A_1067, %dma_start3A_1068] : memref<256x128xf32, #tpu.memory_space<vmem>> -> memref<128x128xf32, #tpu.memory_space<vmem>>
    %dma_start3A_1070 = arith.constant 0 : i32
    %dma_start3A_1071 = tpu.memref_slice %arg15[%dma_start3A_1066, %dma_start3A_1070] : memref<4x128xi32, #tpu.memory_space<vmem>> -> memref<1x128xi32, #tpu.memory_space<vmem>>
    %dma_start3A_1072 = tpu.memref_squeeze %dma_start3A_1071 : memref<1x128xi32, #tpu.memory_space<vmem>> -> memref<128xi32, #tpu.memory_space<vmem>>
    %dma_start3A_1073 = arith.constant 0 : i32
    %dma_start3A_1074 = arith.constant 0 : i32
    %dma_start3A_1075 = tpu.memref_slice %arg6[%dma_start3A_1073, %dma_start3A_1074] : memref<50000x128xf32, #tpu.memory_space<hbm>> -> memref<50000x128xf32, #tpu.memory_space<hbm>>
    tpu.enqueue_indirect_dma source(%dma_start3A_1075 : memref<50000x128xf32, #tpu.memory_space<hbm>>) target(%dma_start3A_1069 : memref<128x128xf32, #tpu.memory_space<vmem>>) offsets(%dma_start3A_1072 : memref<128xi32, #tpu.memory_space<vmem>>) semaphore(%arg19 : memref<!tpu.dma_semaphore, #tpu.memory_space<semaphore_mem>>)
    %dma_start3A_1076 = arith.constant 1 : i32
    %dma_start3A_1077 = arith.constant 128 : i32
    %dma_start3A_1078 = arith.constant 0 : i32
    %dma_start3A_1079 = tpu.memref_slice %arg16[%dma_start3A_1077, %dma_start3A_1078] : memref<256x128xf32, #tpu.memory_space<vmem>> -> memref<128x128xf32, #tpu.memory_space<vmem>>
    %dma_start3A_1080 = arith.constant 0 : i32
    %dma_start3A_1081 = tpu.memref_slice %arg14[%dma_start3A_1076, %dma_start3A_1080] : memref<4x128xi32, #tpu.memory_space<vmem>> -> memref<1x128xi32, #tpu.memory_space<vmem>>
    %dma_start3A_1082 = tpu.memref_squeeze %dma_start3A_1081 : memref<1x128xi32, #tpu.memory_space<vmem>> -> memref<128xi32, #tpu.memory_space<vmem>>
    %dma_start3A_1083 = arith.constant 0 : i32
    %dma_start3A_1084 = arith.constant 0 : i32
    %dma_start3A_1085 = tpu.memref_slice %arg5[%dma_start3A_1083, %dma_start3A_1084] : memref<50000x128xf32, #tpu.memory_space<hbm>> -> memref<50000x128xf32, #tpu.memory_space<hbm>>
    tpu.enqueue_indirect_dma source(%dma_start3A_1085 : memref<50000x128xf32, #tpu.memory_space<hbm>>) target(%dma_start3A_1079 : memref<128x128xf32, #tpu.memory_space<vmem>>) offsets(%dma_start3A_1082 : memref<128xi32, #tpu.memory_space<vmem>>) semaphore(%arg19 : memref<!tpu.dma_semaphore, #tpu.memory_space<semaphore_mem>>)
    %dma_start3A_1086 = arith.constant 1 : i32
    %dma_start3A_1087 = arith.constant 128 : i32
    %dma_start3A_1088 = arith.constant 0 : i32
    %dma_start3A_1089 = tpu.memref_slice %arg17[%dma_start3A_1087, %dma_start3A_1088] : memref<256x128xf32, #tpu.memory_space<vmem>> -> memref<128x128xf32, #tpu.memory_space<vmem>>
    %dma_start3A_1090 = arith.constant 0 : i32
    %dma_start3A_1091 = tpu.memref_slice %arg15[%dma_start3A_1086, %dma_start3A_1090] : memref<4x128xi32, #tpu.memory_space<vmem>> -> memref<1x128xi32, #tpu.memory_space<vmem>>
    %dma_start3A_1092 = tpu.memref_squeeze %dma_start3A_1091 : memref<1x128xi32, #tpu.memory_space<vmem>> -> memref<128xi32, #tpu.memory_space<vmem>>
    %dma_start3A_1093 = arith.constant 0 : i32
    %dma_start3A_1094 = arith.constant 0 : i32
    %dma_start3A_1095 = tpu.memref_slice %arg6[%dma_start3A_1093, %dma_start3A_1094] : memref<50000x128xf32, #tpu.memory_space<hbm>> -> memref<50000x128xf32, #tpu.memory_space<hbm>>
    tpu.enqueue_indirect_dma source(%dma_start3A_1095 : memref<50000x128xf32, #tpu.memory_space<hbm>>) target(%dma_start3A_1089 : memref<128x128xf32, #tpu.memory_space<vmem>>) offsets(%dma_start3A_1092 : memref<128xi32, #tpu.memory_space<vmem>>) semaphore(%arg19 : memref<!tpu.dma_semaphore, #tpu.memory_space<semaphore_mem>>)
    %dma_wait3A_1096 = arith.constant 0 : i32
    %dma_wait3A_1097 = arith.constant 0 : i32
    %dma_wait3A_1098 = arith.constant 0 : i32
    %dma_wait3A_1099 = tpu.memref_slice %arg16[%dma_wait3A_1097, %dma_wait3A_1098] : memref<256x128xf32, #tpu.memory_space<vmem>> -> memref<128x128xf32, #tpu.memory_space<vmem>>
    %dma_wait3A_1100 = arith.constant 0 : i32
    %dma_wait3A_1101 = tpu.memref_slice %arg14[%dma_wait3A_1096, %dma_wait3A_1100] : memref<4x128xi32, #tpu.memory_space<vmem>> -> memref<1x128xi32, #tpu.memory_space<vmem>>
    %dma_wait3A_1102 = tpu.memref_squeeze %dma_wait3A_1101 : memref<1x128xi32, #tpu.memory_space<vmem>> -> memref<128xi32, #tpu.memory_space<vmem>>
    %dma_wait3A_1103 = arith.constant 0 : i32
    %dma_wait3A_1104 = arith.constant 0 : i32
    %dma_wait3A_1105 = tpu.memref_slice %arg5[%dma_wait3A_1103, %dma_wait3A_1104] : memref<50000x128xf32, #tpu.memory_space<hbm>> -> memref<50000x128xf32, #tpu.memory_space<hbm>>
    tpu.wait_indirect_dma semaphore(%arg19 : memref<!tpu.dma_semaphore, #tpu.memory_space<semaphore_mem>>) src(%dma_wait3A_1105 : memref<50000x128xf32, #tpu.memory_space<hbm>>) dst(%dma_wait3A_1099 : memref<128x128xf32, #tpu.memory_space<vmem>>)
    %dma_wait3A_1106 = arith.constant 0 : i32
    %dma_wait3A_1107 = arith.constant 0 : i32
    %dma_wait3A_1108 = arith.constant 0 : i32
    %dma_wait3A_1109 = tpu.memref_slice %arg17[%dma_wait3A_1107, %dma_wait3A_1108] : memref<256x128xf32, #tpu.memory_space<vmem>> -> memref<128x128xf32, #tpu.memory_space<vmem>>
    %dma_wait3A_1110 = arith.constant 0 : i32
    %dma_wait3A_1111 = tpu.memref_slice %arg15[%dma_wait3A_1106, %dma_wait3A_1110] : memref<4x128xi32, #tpu.memory_space<vmem>> -> memref<1x128xi32, #tpu.memory_space<vmem>>
    %dma_wait3A_1112 = tpu.memref_squeeze %dma_wait3A_1111 : memref<1x128xi32, #tpu.memory_space<vmem>> -> memref<128xi32, #tpu.memory_space<vmem>>
    %dma_wait3A_1113 = arith.constant 0 : i32
    %dma_wait3A_1114 = arith.constant 0 : i32
    %dma_wait3A_1115 = tpu.memref_slice %arg6[%dma_wait3A_1113, %dma_wait3A_1114] : memref<50000x128xf32, #tpu.memory_space<hbm>> -> memref<50000x128xf32, #tpu.memory_space<hbm>>
    tpu.wait_indirect_dma semaphore(%arg19 : memref<!tpu.dma_semaphore, #tpu.memory_space<semaphore_mem>>) src(%dma_wait3A_1115 : memref<50000x128xf32, #tpu.memory_space<hbm>>) dst(%dma_wait3A_1109 : memref<128x128xf32, #tpu.memory_space<vmem>>)
    %dma_wait3A_1116 = arith.constant 1 : i32
    %dma_wait3A_1117 = arith.constant 128 : i32
    %dma_wait3A_1118 = arith.constant 0 : i32
    %dma_wait3A_1119 = tpu.memref_slice %arg16[%dma_wait3A_1117, %dma_wait3A_1118] : memref<256x128xf32, #tpu.memory_space<vmem>> -> memref<128x128xf32, #tpu.memory_space<vmem>>
    %dma_wait3A_1120 = arith.constant 0 : i32
    %dma_wait3A_1121 = tpu.memref_slice %arg14[%dma_wait3A_1116, %dma_wait3A_1120] : memref<4x128xi32, #tpu.memory_space<vmem>> -> memref<1x128xi32, #tpu.memory_space<vmem>>
    %dma_wait3A_1122 = tpu.memref_squeeze %dma_wait3A_1121 : memref<1x128xi32, #tpu.memory_space<vmem>> -> memref<128xi32, #tpu.memory_space<vmem>>
    %dma_wait3A_1123 = arith.constant 0 : i32
    %dma_wait3A_1124 = arith.constant 0 : i32
    %dma_wait3A_1125 = tpu.memref_slice %arg5[%dma_wait3A_1123, %dma_wait3A_1124] : memref<50000x128xf32, #tpu.memory_space<hbm>> -> memref<50000x128xf32, #tpu.memory_space<hbm>>
    tpu.wait_indirect_dma semaphore(%arg19 : memref<!tpu.dma_semaphore, #tpu.memory_space<semaphore_mem>>) src(%dma_wait3A_1125 : memref<50000x128xf32, #tpu.memory_space<hbm>>) dst(%dma_wait3A_1119 : memref<128x128xf32, #tpu.memory_space<vmem>>)
    %dma_wait3A_1126 = arith.constant 1 : i32
    %dma_wait3A_1127 = arith.constant 128 : i32
    %dma_wait3A_1128 = arith.constant 0 : i32
    %dma_wait3A_1129 = tpu.memref_slice %arg17[%dma_wait3A_1127, %dma_wait3A_1128] : memref<256x128xf32, #tpu.memory_space<vmem>> -> memref<128x128xf32, #tpu.memory_space<vmem>>
    %dma_wait3A_1130 = arith.constant 0 : i32
    %dma_wait3A_1131 = tpu.memref_slice %arg15[%dma_wait3A_1126, %dma_wait3A_1130] : memref<4x128xi32, #tpu.memory_space<vmem>> -> memref<1x128xi32, #tpu.memory_space<vmem>>
    %dma_wait3A_1132 = tpu.memref_squeeze %dma_wait3A_1131 : memref<1x128xi32, #tpu.memory_space<vmem>> -> memref<128xi32, #tpu.memory_space<vmem>>
    %dma_wait3A_1133 = arith.constant 0 : i32
    %dma_wait3A_1134 = arith.constant 0 : i32
    %dma_wait3A_1135 = tpu.memref_slice %arg6[%dma_wait3A_1133, %dma_wait3A_1134] : memref<50000x128xf32, #tpu.memory_space<hbm>> -> memref<50000x128xf32, #tpu.memory_space<hbm>>
    tpu.wait_indirect_dma semaphore(%arg19 : memref<!tpu.dma_semaphore, #tpu.memory_space<semaphore_mem>>) src(%dma_wait3A_1135 : memref<50000x128xf32, #tpu.memory_space<hbm>>) dst(%dma_wait3A_1129 : memref<128x128xf32, #tpu.memory_space<vmem>>)
    "tpu.region"() ({
      %run_scoped3A = tpu.sem_alloc : memref<!tpu.dma_semaphore, #tpu.memory_space<semaphore_mem>>
      %dma_start3A_1220 = arith.constant 0 : i32
      %dma_start3A_1221 = tpu.memref_slice %arg7[%add3A_1055, %dma_start3A_1220] : memref<16384x128xf32, #tpu.memory_space<hbm>> -> memref<256x128xf32, #tpu.memory_space<hbm>>
      %dma_start3A_1222 = arith.constant 0 : i32
      %dma_start3A_1223 = tpu.memref_slice %arg7[%add3A_1055, %dma_start3A_1222] : memref<16384x128xf32, #tpu.memory_space<hbm>> -> memref<256x128xf32, #tpu.memory_space<hbm>>
      tpu.enqueue_dma source(%arg16 : memref<256x128xf32, #tpu.memory_space<vmem>>) target(%dma_start3A_1223 : memref<256x128xf32, #tpu.memory_space<hbm>>) target_semaphore(%run_scoped3A : memref<!tpu.dma_semaphore, #tpu.memory_space<semaphore_mem>>)
      %dma_wait3A_1224 = arith.constant 0 : i32
      %dma_wait3A_1225 = tpu.memref_slice %arg7[%add3A_1055, %dma_wait3A_1224] : memref<16384x128xf32, #tpu.memory_space<hbm>> -> memref<256x128xf32, #tpu.memory_space<hbm>>
      %dma_wait3A_1226 = arith.constant 0 : i32
      %dma_wait3A_1227 = tpu.memref_slice %arg7[%add3A_1055, %dma_wait3A_1226] : memref<16384x128xf32, #tpu.memory_space<hbm>> -> memref<256x128xf32, #tpu.memory_space<hbm>>
      tpu.wait_dma2 semaphore(%run_scoped3A : memref<!tpu.dma_semaphore, #tpu.memory_space<semaphore_mem>>) src(%arg16 : memref<256x128xf32, #tpu.memory_space<vmem>>) dst(%dma_wait3A_1227 : memref<256x128xf32, #tpu.memory_space<hbm>>)
      tpu.yield
    }) : () -> ()
    "tpu.region"() ({
      %run_scoped3A = tpu.sem_alloc : memref<!tpu.dma_semaphore, #tpu.memory_space<semaphore_mem>>
      %dma_start3A_1220 = arith.constant 0 : i32
      %dma_start3A_1221 = tpu.memref_slice %arg8[%add3A_1055, %dma_start3A_1220] : memref<16384x128xf32, #tpu.memory_space<hbm>> -> memref<256x128xf32, #tpu.memory_space<hbm>>
      %dma_start3A_1222 = arith.constant 0 : i32
      %dma_start3A_1223 = tpu.memref_slice %arg8[%add3A_1055, %dma_start3A_1222] : memref<16384x128xf32, #tpu.memory_space<hbm>> -> memref<256x128xf32, #tpu.memory_space<hbm>>
      tpu.enqueue_dma source(%arg17 : memref<256x128xf32, #tpu.memory_space<vmem>>) target(%dma_start3A_1223 : memref<256x128xf32, #tpu.memory_space<hbm>>) target_semaphore(%run_scoped3A : memref<!tpu.dma_semaphore, #tpu.memory_space<semaphore_mem>>)
      %dma_wait3A_1224 = arith.constant 0 : i32
      %dma_wait3A_1225 = tpu.memref_slice %arg8[%add3A_1055, %dma_wait3A_1224] : memref<16384x128xf32, #tpu.memory_space<hbm>> -> memref<256x128xf32, #tpu.memory_space<hbm>>
      %dma_wait3A_1226 = arith.constant 0 : i32
      %dma_wait3A_1227 = tpu.memref_slice %arg8[%add3A_1055, %dma_wait3A_1226] : memref<16384x128xf32, #tpu.memory_space<hbm>> -> memref<256x128xf32, #tpu.memory_space<hbm>>
      tpu.wait_dma2 semaphore(%run_scoped3A : memref<!tpu.dma_semaphore, #tpu.memory_space<semaphore_mem>>) src(%arg17 : memref<256x128xf32, #tpu.memory_space<vmem>>) dst(%dma_wait3A_1227 : memref<256x128xf32, #tpu.memory_space<hbm>>)
      tpu.yield
    }) : () -> ()
    %mul3A_1136 = arith.constant 512 : i32
    %mul3A_1137 = arith.muli %add3A, %mul3A_1136 : i32
    %add3A_1138 = arith.constant 256 : i32
    %add3A_1139 = arith.addi %mul3A_1137, %add3A_1138 : i32
    %dma_start3A_1140 = arith.constant 2 : i32
    %dma_start3A_1141 = arith.constant 0 : i32
    %dma_start3A_1142 = arith.constant 0 : i32
    %dma_start3A_1143 = tpu.memref_slice %arg16[%dma_start3A_1141, %dma_start3A_1142] : memref<256x128xf32, #tpu.memory_space<vmem>> -> memref<128x128xf32, #tpu.memory_space<vmem>>
    %dma_start3A_1144 = arith.constant 0 : i32
    %dma_start3A_1145 = tpu.memref_slice %arg14[%dma_start3A_1140, %dma_start3A_1144] : memref<4x128xi32, #tpu.memory_space<vmem>> -> memref<1x128xi32, #tpu.memory_space<vmem>>
    %dma_start3A_1146 = tpu.memref_squeeze %dma_start3A_1145 : memref<1x128xi32, #tpu.memory_space<vmem>> -> memref<128xi32, #tpu.memory_space<vmem>>
    %dma_start3A_1147 = arith.constant 0 : i32
    %dma_start3A_1148 = arith.constant 0 : i32
    %dma_start3A_1149 = tpu.memref_slice %arg5[%dma_start3A_1147, %dma_start3A_1148] : memref<50000x128xf32, #tpu.memory_space<hbm>> -> memref<50000x128xf32, #tpu.memory_space<hbm>>
    tpu.enqueue_indirect_dma source(%dma_start3A_1149 : memref<50000x128xf32, #tpu.memory_space<hbm>>) target(%dma_start3A_1143 : memref<128x128xf32, #tpu.memory_space<vmem>>) offsets(%dma_start3A_1146 : memref<128xi32, #tpu.memory_space<vmem>>) semaphore(%arg19 : memref<!tpu.dma_semaphore, #tpu.memory_space<semaphore_mem>>)
    %dma_start3A_1150 = arith.constant 2 : i32
    %dma_start3A_1151 = arith.constant 0 : i32
    %dma_start3A_1152 = arith.constant 0 : i32
    %dma_start3A_1153 = tpu.memref_slice %arg17[%dma_start3A_1151, %dma_start3A_1152] : memref<256x128xf32, #tpu.memory_space<vmem>> -> memref<128x128xf32, #tpu.memory_space<vmem>>
    %dma_start3A_1154 = arith.constant 0 : i32
    %dma_start3A_1155 = tpu.memref_slice %arg15[%dma_start3A_1150, %dma_start3A_1154] : memref<4x128xi32, #tpu.memory_space<vmem>> -> memref<1x128xi32, #tpu.memory_space<vmem>>
    %dma_start3A_1156 = tpu.memref_squeeze %dma_start3A_1155 : memref<1x128xi32, #tpu.memory_space<vmem>> -> memref<128xi32, #tpu.memory_space<vmem>>
    %dma_start3A_1157 = arith.constant 0 : i32
    %dma_start3A_1158 = arith.constant 0 : i32
    %dma_start3A_1159 = tpu.memref_slice %arg6[%dma_start3A_1157, %dma_start3A_1158] : memref<50000x128xf32, #tpu.memory_space<hbm>> -> memref<50000x128xf32, #tpu.memory_space<hbm>>
    tpu.enqueue_indirect_dma source(%dma_start3A_1159 : memref<50000x128xf32, #tpu.memory_space<hbm>>) target(%dma_start3A_1153 : memref<128x128xf32, #tpu.memory_space<vmem>>) offsets(%dma_start3A_1156 : memref<128xi32, #tpu.memory_space<vmem>>) semaphore(%arg19 : memref<!tpu.dma_semaphore, #tpu.memory_space<semaphore_mem>>)
    %dma_start3A_1160 = arith.constant 3 : i32
    %dma_start3A_1161 = arith.constant 128 : i32
    %dma_start3A_1162 = arith.constant 0 : i32
    %dma_start3A_1163 = tpu.memref_slice %arg16[%dma_start3A_1161, %dma_start3A_1162] : memref<256x128xf32, #tpu.memory_space<vmem>> -> memref<128x128xf32, #tpu.memory_space<vmem>>
    %dma_start3A_1164 = arith.constant 0 : i32
    %dma_start3A_1165 = tpu.memref_slice %arg14[%dma_start3A_1160, %dma_start3A_1164] : memref<4x128xi32, #tpu.memory_space<vmem>> -> memref<1x128xi32, #tpu.memory_space<vmem>>
    %dma_start3A_1166 = tpu.memref_squeeze %dma_start3A_1165 : memref<1x128xi32, #tpu.memory_space<vmem>> -> memref<128xi32, #tpu.memory_space<vmem>>
    %dma_start3A_1167 = arith.constant 0 : i32
    %dma_start3A_1168 = arith.constant 0 : i32
    %dma_start3A_1169 = tpu.memref_slice %arg5[%dma_start3A_1167, %dma_start3A_1168] : memref<50000x128xf32, #tpu.memory_space<hbm>> -> memref<50000x128xf32, #tpu.memory_space<hbm>>
    tpu.enqueue_indirect_dma source(%dma_start3A_1169 : memref<50000x128xf32, #tpu.memory_space<hbm>>) target(%dma_start3A_1163 : memref<128x128xf32, #tpu.memory_space<vmem>>) offsets(%dma_start3A_1166 : memref<128xi32, #tpu.memory_space<vmem>>) semaphore(%arg19 : memref<!tpu.dma_semaphore, #tpu.memory_space<semaphore_mem>>)
    %dma_start3A_1170 = arith.constant 3 : i32
    %dma_start3A_1171 = arith.constant 128 : i32
    %dma_start3A_1172 = arith.constant 0 : i32
    %dma_start3A_1173 = tpu.memref_slice %arg17[%dma_start3A_1171, %dma_start3A_1172] : memref<256x128xf32, #tpu.memory_space<vmem>> -> memref<128x128xf32, #tpu.memory_space<vmem>>
    %dma_start3A_1174 = arith.constant 0 : i32
    %dma_start3A_1175 = tpu.memref_slice %arg15[%dma_start3A_1170, %dma_start3A_1174] : memref<4x128xi32, #tpu.memory_space<vmem>> -> memref<1x128xi32, #tpu.memory_space<vmem>>
    %dma_start3A_1176 = tpu.memref_squeeze %dma_start3A_1175 : memref<1x128xi32, #tpu.memory_space<vmem>> -> memref<128xi32, #tpu.memory_space<vmem>>
    %dma_start3A_1177 = arith.constant 0 : i32
    %dma_start3A_1178 = arith.constant 0 : i32
    %dma_start3A_1179 = tpu.memref_slice %arg6[%dma_start3A_1177, %dma_start3A_1178] : memref<50000x128xf32, #tpu.memory_space<hbm>> -> memref<50000x128xf32, #tpu.memory_space<hbm>>
    tpu.enqueue_indirect_dma source(%dma_start3A_1179 : memref<50000x128xf32, #tpu.memory_space<hbm>>) target(%dma_start3A_1173 : memref<128x128xf32, #tpu.memory_space<vmem>>) offsets(%dma_start3A_1176 : memref<128xi32, #tpu.memory_space<vmem>>) semaphore(%arg19 : memref<!tpu.dma_semaphore, #tpu.memory_space<semaphore_mem>>)
    %dma_wait3A_1180 = arith.constant 2 : i32
    %dma_wait3A_1181 = arith.constant 0 : i32
    %dma_wait3A_1182 = arith.constant 0 : i32
    %dma_wait3A_1183 = tpu.memref_slice %arg16[%dma_wait3A_1181, %dma_wait3A_1182] : memref<256x128xf32, #tpu.memory_space<vmem>> -> memref<128x128xf32, #tpu.memory_space<vmem>>
    %dma_wait3A_1184 = arith.constant 0 : i32
    %dma_wait3A_1185 = tpu.memref_slice %arg14[%dma_wait3A_1180, %dma_wait3A_1184] : memref<4x128xi32, #tpu.memory_space<vmem>> -> memref<1x128xi32, #tpu.memory_space<vmem>>
    %dma_wait3A_1186 = tpu.memref_squeeze %dma_wait3A_1185 : memref<1x128xi32, #tpu.memory_space<vmem>> -> memref<128xi32, #tpu.memory_space<vmem>>
    %dma_wait3A_1187 = arith.constant 0 : i32
    %dma_wait3A_1188 = arith.constant 0 : i32
    %dma_wait3A_1189 = tpu.memref_slice %arg5[%dma_wait3A_1187, %dma_wait3A_1188] : memref<50000x128xf32, #tpu.memory_space<hbm>> -> memref<50000x128xf32, #tpu.memory_space<hbm>>
    tpu.wait_indirect_dma semaphore(%arg19 : memref<!tpu.dma_semaphore, #tpu.memory_space<semaphore_mem>>) src(%dma_wait3A_1189 : memref<50000x128xf32, #tpu.memory_space<hbm>>) dst(%dma_wait3A_1183 : memref<128x128xf32, #tpu.memory_space<vmem>>)
    %dma_wait3A_1190 = arith.constant 2 : i32
    %dma_wait3A_1191 = arith.constant 0 : i32
    %dma_wait3A_1192 = arith.constant 0 : i32
    %dma_wait3A_1193 = tpu.memref_slice %arg17[%dma_wait3A_1191, %dma_wait3A_1192] : memref<256x128xf32, #tpu.memory_space<vmem>> -> memref<128x128xf32, #tpu.memory_space<vmem>>
    %dma_wait3A_1194 = arith.constant 0 : i32
    %dma_wait3A_1195 = tpu.memref_slice %arg15[%dma_wait3A_1190, %dma_wait3A_1194] : memref<4x128xi32, #tpu.memory_space<vmem>> -> memref<1x128xi32, #tpu.memory_space<vmem>>
    %dma_wait3A_1196 = tpu.memref_squeeze %dma_wait3A_1195 : memref<1x128xi32, #tpu.memory_space<vmem>> -> memref<128xi32, #tpu.memory_space<vmem>>
    %dma_wait3A_1197 = arith.constant 0 : i32
    %dma_wait3A_1198 = arith.constant 0 : i32
    %dma_wait3A_1199 = tpu.memref_slice %arg6[%dma_wait3A_1197, %dma_wait3A_1198] : memref<50000x128xf32, #tpu.memory_space<hbm>> -> memref<50000x128xf32, #tpu.memory_space<hbm>>
    tpu.wait_indirect_dma semaphore(%arg19 : memref<!tpu.dma_semaphore, #tpu.memory_space<semaphore_mem>>) src(%dma_wait3A_1199 : memref<50000x128xf32, #tpu.memory_space<hbm>>) dst(%dma_wait3A_1193 : memref<128x128xf32, #tpu.memory_space<vmem>>)
    %dma_wait3A_1200 = arith.constant 3 : i32
    %dma_wait3A_1201 = arith.constant 128 : i32
    %dma_wait3A_1202 = arith.constant 0 : i32
    %dma_wait3A_1203 = tpu.memref_slice %arg16[%dma_wait3A_1201, %dma_wait3A_1202] : memref<256x128xf32, #tpu.memory_space<vmem>> -> memref<128x128xf32, #tpu.memory_space<vmem>>
    %dma_wait3A_1204 = arith.constant 0 : i32
    %dma_wait3A_1205 = tpu.memref_slice %arg14[%dma_wait3A_1200, %dma_wait3A_1204] : memref<4x128xi32, #tpu.memory_space<vmem>> -> memref<1x128xi32, #tpu.memory_space<vmem>>
    %dma_wait3A_1206 = tpu.memref_squeeze %dma_wait3A_1205 : memref<1x128xi32, #tpu.memory_space<vmem>> -> memref<128xi32, #tpu.memory_space<vmem>>
    %dma_wait3A_1207 = arith.constant 0 : i32
    %dma_wait3A_1208 = arith.constant 0 : i32
    %dma_wait3A_1209 = tpu.memref_slice %arg5[%dma_wait3A_1207, %dma_wait3A_1208] : memref<50000x128xf32, #tpu.memory_space<hbm>> -> memref<50000x128xf32, #tpu.memory_space<hbm>>
    tpu.wait_indirect_dma semaphore(%arg19 : memref<!tpu.dma_semaphore, #tpu.memory_space<semaphore_mem>>) src(%dma_wait3A_1209 : memref<50000x128xf32, #tpu.memory_space<hbm>>) dst(%dma_wait3A_1203 : memref<128x128xf32, #tpu.memory_space<vmem>>)
    %dma_wait3A_1210 = arith.constant 3 : i32
    %dma_wait3A_1211 = arith.constant 128 : i32
    %dma_wait3A_1212 = arith.constant 0 : i32
    %dma_wait3A_1213 = tpu.memref_slice %arg17[%dma_wait3A_1211, %dma_wait3A_1212] : memref<256x128xf32, #tpu.memory_space<vmem>> -> memref<128x128xf32, #tpu.memory_space<vmem>>
    %dma_wait3A_1214 = arith.constant 0 : i32
    %dma_wait3A_1215 = tpu.memref_slice %arg15[%dma_wait3A_1210, %dma_wait3A_1214] : memref<4x128xi32, #tpu.memory_space<vmem>> -> memref<1x128xi32, #tpu.memory_space<vmem>>
    %dma_wait3A_1216 = tpu.memref_squeeze %dma_wait3A_1215 : memref<1x128xi32, #tpu.memory_space<vmem>> -> memref<128xi32, #tpu.memory_space<vmem>>
    %dma_wait3A_1217 = arith.constant 0 : i32
    %dma_wait3A_1218 = arith.constant 0 : i32
    %dma_wait3A_1219 = tpu.memref_slice %arg6[%dma_wait3A_1217, %dma_wait3A_1218] : memref<50000x128xf32, #tpu.memory_space<hbm>> -> memref<50000x128xf32, #tpu.memory_space<hbm>>
    tpu.wait_indirect_dma semaphore(%arg19 : memref<!tpu.dma_semaphore, #tpu.memory_space<semaphore_mem>>) src(%dma_wait3A_1219 : memref<50000x128xf32, #tpu.memory_space<hbm>>) dst(%dma_wait3A_1213 : memref<128x128xf32, #tpu.memory_space<vmem>>)
    "tpu.region"() ({
      %run_scoped3A = tpu.sem_alloc : memref<!tpu.dma_semaphore, #tpu.memory_space<semaphore_mem>>
      %dma_start3A_1220 = arith.constant 0 : i32
      %dma_start3A_1221 = tpu.memref_slice %arg7[%add3A_1139, %dma_start3A_1220] : memref<16384x128xf32, #tpu.memory_space<hbm>> -> memref<256x128xf32, #tpu.memory_space<hbm>>
      %dma_start3A_1222 = arith.constant 0 : i32
      %dma_start3A_1223 = tpu.memref_slice %arg7[%add3A_1139, %dma_start3A_1222] : memref<16384x128xf32, #tpu.memory_space<hbm>> -> memref<256x128xf32, #tpu.memory_space<hbm>>
      tpu.enqueue_dma source(%arg16 : memref<256x128xf32, #tpu.memory_space<vmem>>) target(%dma_start3A_1223 : memref<256x128xf32, #tpu.memory_space<hbm>>) target_semaphore(%run_scoped3A : memref<!tpu.dma_semaphore, #tpu.memory_space<semaphore_mem>>)
      %dma_wait3A_1224 = arith.constant 0 : i32
      %dma_wait3A_1225 = tpu.memref_slice %arg7[%add3A_1139, %dma_wait3A_1224] : memref<16384x128xf32, #tpu.memory_space<hbm>> -> memref<256x128xf32, #tpu.memory_space<hbm>>
      %dma_wait3A_1226 = arith.constant 0 : i32
      %dma_wait3A_1227 = tpu.memref_slice %arg7[%add3A_1139, %dma_wait3A_1226] : memref<16384x128xf32, #tpu.memory_space<hbm>> -> memref<256x128xf32, #tpu.memory_space<hbm>>
      tpu.wait_dma2 semaphore(%run_scoped3A : memref<!tpu.dma_semaphore, #tpu.memory_space<semaphore_mem>>) src(%arg16 : memref<256x128xf32, #tpu.memory_space<vmem>>) dst(%dma_wait3A_1227 : memref<256x128xf32, #tpu.memory_space<hbm>>)
      tpu.yield
    }) : () -> ()
    "tpu.region"() ({
      %run_scoped3A = tpu.sem_alloc : memref<!tpu.dma_semaphore, #tpu.memory_space<semaphore_mem>>
      %dma_start3A_1220 = arith.constant 0 : i32
      %dma_start3A_1221 = tpu.memref_slice %arg8[%add3A_1139, %dma_start3A_1220] : memref<16384x128xf32, #tpu.memory_space<hbm>> -> memref<256x128xf32, #tpu.memory_space<hbm>>
      %dma_start3A_1222 = arith.constant 0 : i32
      %dma_start3A_1223 = tpu.memref_slice %arg8[%add3A_1139, %dma_start3A_1222] : memref<16384x128xf32, #tpu.memory_space<hbm>> -> memref<256x128xf32, #tpu.memory_space<hbm>>
      tpu.enqueue_dma source(%arg17 : memref<256x128xf32, #tpu.memory_space<vmem>>) target(%dma_start3A_1223 : memref<256x128xf32, #tpu.memory_space<hbm>>) target_semaphore(%run_scoped3A : memref<!tpu.dma_semaphore, #tpu.memory_space<semaphore_mem>>)
      %dma_wait3A_1224 = arith.constant 0 : i32
      %dma_wait3A_1225 = tpu.memref_slice %arg8[%add3A_1139, %dma_wait3A_1224] : memref<16384x128xf32, #tpu.memory_space<hbm>> -> memref<256x128xf32, #tpu.memory_space<hbm>>
      %dma_wait3A_1226 = arith.constant 0 : i32
      %dma_wait3A_1227 = tpu.memref_slice %arg8[%add3A_1139, %dma_wait3A_1226] : memref<16384x128xf32, #tpu.memory_space<hbm>> -> memref<256x128xf32, #tpu.memory_space<hbm>>
      tpu.wait_dma2 semaphore(%run_scoped3A : memref<!tpu.dma_semaphore, #tpu.memory_space<semaphore_mem>>) src(%arg17 : memref<256x128xf32, #tpu.memory_space<vmem>>) dst(%dma_wait3A_1227 : memref<256x128xf32, #tpu.memory_space<hbm>>)
      tpu.yield
    }) : () -> ()
    return
  }
}

#map = affine_map<(d0, d1) -> (0, 0, 0)>
#map1 = affine_map<(d0, d1) -> (0, 0)>
module attributes {stable_mosaic.version = 14 : i64} {
  func.func @k(%arg0: i32, %arg1: i32, %arg2: memref<32x4x128xi32, #tpu.memory_space<hbm>>, %arg3: memref<253952x128xi32, #tpu.memory_space<hbm>>, %arg4: memref<16384x128xi32, #tpu.memory_space<hbm>>, %arg5: memref<4x128xi32, #tpu.memory_space<vmem>>, %arg6: memref<512x128xi32, #tpu.memory_space<vmem>>, %arg7: memref<!tpu.dma_semaphore, #tpu.memory_space<semaphore_mem>>) attributes {dimension_semantics = [#tpu.dimension_semantics<core_parallel>, #tpu.dimension_semantics<subcore_parallel>], iteration_bounds = array<i64: 2, 16>, scalar_prefetch = 0 : i64, scratch_operands = 3 : i64, tpu.core_type = #tpu.core_type<sc_vector_subcore>, window_params = [{transform_indices = #map}, {transform_indices = #map1}, {transform_indices = #map1}]} {
    %mul3A = arith.constant 2 : i32
    %mul3A_0 = arith.muli %arg1, %mul3A : i32
    %add3A = arith.addi %mul3A_0, %arg0 : i32
    "tpu.region"() ({
      %run_scoped3A = tpu.sem_alloc : memref<!tpu.dma_semaphore, #tpu.memory_space<semaphore_mem>>
      %dma_start3A_81 = arith.constant 0 : i32
      %dma_start3A_82 = arith.constant 0 : i32
      %dma_start3A_83 = tpu.memref_slice %arg2[%add3A, %dma_start3A_81, %dma_start3A_82] : memref<32x4x128xi32, #tpu.memory_space<hbm>> -> memref<1x4x128xi32, #tpu.memory_space<hbm>>
      %dma_start3A_84 = tpu.memref_squeeze %dma_start3A_83 : memref<1x4x128xi32, #tpu.memory_space<hbm>> -> memref<4x128xi32, #tpu.memory_space<hbm>>
      %dma_start3A_85 = arith.constant 0 : i32
      %dma_start3A_86 = arith.constant 0 : i32
      %dma_start3A_87 = tpu.memref_slice %arg2[%add3A, %dma_start3A_85, %dma_start3A_86] : memref<32x4x128xi32, #tpu.memory_space<hbm>> -> memref<1x4x128xi32, #tpu.memory_space<hbm>>
      %dma_start3A_88 = tpu.memref_squeeze %dma_start3A_87 : memref<1x4x128xi32, #tpu.memory_space<hbm>> -> memref<4x128xi32, #tpu.memory_space<hbm>>
      tpu.enqueue_dma source(%dma_start3A_88 : memref<4x128xi32, #tpu.memory_space<hbm>>) target(%arg5 : memref<4x128xi32, #tpu.memory_space<vmem>>) target_semaphore(%run_scoped3A : memref<!tpu.dma_semaphore, #tpu.memory_space<semaphore_mem>>)
      %dma_wait3A_89 = arith.constant 0 : i32
      %dma_wait3A_90 = arith.constant 0 : i32
      %dma_wait3A_91 = tpu.memref_slice %arg2[%add3A, %dma_wait3A_89, %dma_wait3A_90] : memref<32x4x128xi32, #tpu.memory_space<hbm>> -> memref<1x4x128xi32, #tpu.memory_space<hbm>>
      %dma_wait3A_92 = tpu.memref_squeeze %dma_wait3A_91 : memref<1x4x128xi32, #tpu.memory_space<hbm>> -> memref<4x128xi32, #tpu.memory_space<hbm>>
      %dma_wait3A_93 = arith.constant 0 : i32
      %dma_wait3A_94 = arith.constant 0 : i32
      %dma_wait3A_95 = tpu.memref_slice %arg2[%add3A, %dma_wait3A_93, %dma_wait3A_94] : memref<32x4x128xi32, #tpu.memory_space<hbm>> -> memref<1x4x128xi32, #tpu.memory_space<hbm>>
      %dma_wait3A_96 = tpu.memref_squeeze %dma_wait3A_95 : memref<1x4x128xi32, #tpu.memory_space<hbm>> -> memref<4x128xi32, #tpu.memory_space<hbm>>
      tpu.wait_dma2 semaphore(%run_scoped3A : memref<!tpu.dma_semaphore, #tpu.memory_space<semaphore_mem>>) src(%dma_wait3A_96 : memref<4x128xi32, #tpu.memory_space<hbm>>) dst(%arg5 : memref<4x128xi32, #tpu.memory_space<vmem>>)
      tpu.yield
    }) : () -> ()
    %dma_start3A = arith.constant 0 : i32
    %dma_start3A_1 = arith.constant 0 : i32
    %dma_start3A_2 = arith.constant 0 : i32
    %dma_start3A_3 = tpu.memref_slice %arg6[%dma_start3A_1, %dma_start3A_2] : memref<512x128xi32, #tpu.memory_space<vmem>> -> memref<128x128xi32, #tpu.memory_space<vmem>>
    %dma_start3A_4 = arith.constant 0 : i32
    %dma_start3A_5 = tpu.memref_slice %arg5[%dma_start3A, %dma_start3A_4] : memref<4x128xi32, #tpu.memory_space<vmem>> -> memref<1x128xi32, #tpu.memory_space<vmem>>
    %dma_start3A_6 = tpu.memref_squeeze %dma_start3A_5 : memref<1x128xi32, #tpu.memory_space<vmem>> -> memref<128xi32, #tpu.memory_space<vmem>>
    %dma_start3A_7 = arith.constant 0 : i32
    %dma_start3A_8 = arith.constant 0 : i32
    %dma_start3A_9 = tpu.memref_slice %arg3[%dma_start3A_7, %dma_start3A_8] : memref<253952x128xi32, #tpu.memory_space<hbm>> -> memref<253952x128xi32, #tpu.memory_space<hbm>>
    tpu.enqueue_indirect_dma source(%dma_start3A_9 : memref<253952x128xi32, #tpu.memory_space<hbm>>) target(%dma_start3A_3 : memref<128x128xi32, #tpu.memory_space<vmem>>) offsets(%dma_start3A_6 : memref<128xi32, #tpu.memory_space<vmem>>) semaphore(%arg7 : memref<!tpu.dma_semaphore, #tpu.memory_space<semaphore_mem>>)
    %dma_start3A_10 = arith.constant 1 : i32
    %dma_start3A_11 = arith.constant 128 : i32
    %dma_start3A_12 = arith.constant 0 : i32
    %dma_start3A_13 = tpu.memref_slice %arg6[%dma_start3A_11, %dma_start3A_12] : memref<512x128xi32, #tpu.memory_space<vmem>> -> memref<128x128xi32, #tpu.memory_space<vmem>>
    %dma_start3A_14 = arith.constant 0 : i32
    %dma_start3A_15 = tpu.memref_slice %arg5[%dma_start3A_10, %dma_start3A_14] : memref<4x128xi32, #tpu.memory_space<vmem>> -> memref<1x128xi32, #tpu.memory_space<vmem>>
    %dma_start3A_16 = tpu.memref_squeeze %dma_start3A_15 : memref<1x128xi32, #tpu.memory_space<vmem>> -> memref<128xi32, #tpu.memory_space<vmem>>
    %dma_start3A_17 = arith.constant 0 : i32
    %dma_start3A_18 = arith.constant 0 : i32
    %dma_start3A_19 = tpu.memref_slice %arg3[%dma_start3A_17, %dma_start3A_18] : memref<253952x128xi32, #tpu.memory_space<hbm>> -> memref<253952x128xi32, #tpu.memory_space<hbm>>
    tpu.enqueue_indirect_dma source(%dma_start3A_19 : memref<253952x128xi32, #tpu.memory_space<hbm>>) target(%dma_start3A_13 : memref<128x128xi32, #tpu.memory_space<vmem>>) offsets(%dma_start3A_16 : memref<128xi32, #tpu.memory_space<vmem>>) semaphore(%arg7 : memref<!tpu.dma_semaphore, #tpu.memory_space<semaphore_mem>>)
    %dma_start3A_20 = arith.constant 2 : i32
    %dma_start3A_21 = arith.constant 256 : i32
    %dma_start3A_22 = arith.constant 0 : i32
    %dma_start3A_23 = tpu.memref_slice %arg6[%dma_start3A_21, %dma_start3A_22] : memref<512x128xi32, #tpu.memory_space<vmem>> -> memref<128x128xi32, #tpu.memory_space<vmem>>
    %dma_start3A_24 = arith.constant 0 : i32
    %dma_start3A_25 = tpu.memref_slice %arg5[%dma_start3A_20, %dma_start3A_24] : memref<4x128xi32, #tpu.memory_space<vmem>> -> memref<1x128xi32, #tpu.memory_space<vmem>>
    %dma_start3A_26 = tpu.memref_squeeze %dma_start3A_25 : memref<1x128xi32, #tpu.memory_space<vmem>> -> memref<128xi32, #tpu.memory_space<vmem>>
    %dma_start3A_27 = arith.constant 0 : i32
    %dma_start3A_28 = arith.constant 0 : i32
    %dma_start3A_29 = tpu.memref_slice %arg3[%dma_start3A_27, %dma_start3A_28] : memref<253952x128xi32, #tpu.memory_space<hbm>> -> memref<253952x128xi32, #tpu.memory_space<hbm>>
    tpu.enqueue_indirect_dma source(%dma_start3A_29 : memref<253952x128xi32, #tpu.memory_space<hbm>>) target(%dma_start3A_23 : memref<128x128xi32, #tpu.memory_space<vmem>>) offsets(%dma_start3A_26 : memref<128xi32, #tpu.memory_space<vmem>>) semaphore(%arg7 : memref<!tpu.dma_semaphore, #tpu.memory_space<semaphore_mem>>)
    %dma_start3A_30 = arith.constant 3 : i32
    %dma_start3A_31 = arith.constant 384 : i32
    %dma_start3A_32 = arith.constant 0 : i32
    %dma_start3A_33 = tpu.memref_slice %arg6[%dma_start3A_31, %dma_start3A_32] : memref<512x128xi32, #tpu.memory_space<vmem>> -> memref<128x128xi32, #tpu.memory_space<vmem>>
    %dma_start3A_34 = arith.constant 0 : i32
    %dma_start3A_35 = tpu.memref_slice %arg5[%dma_start3A_30, %dma_start3A_34] : memref<4x128xi32, #tpu.memory_space<vmem>> -> memref<1x128xi32, #tpu.memory_space<vmem>>
    %dma_start3A_36 = tpu.memref_squeeze %dma_start3A_35 : memref<1x128xi32, #tpu.memory_space<vmem>> -> memref<128xi32, #tpu.memory_space<vmem>>
    %dma_start3A_37 = arith.constant 0 : i32
    %dma_start3A_38 = arith.constant 0 : i32
    %dma_start3A_39 = tpu.memref_slice %arg3[%dma_start3A_37, %dma_start3A_38] : memref<253952x128xi32, #tpu.memory_space<hbm>> -> memref<253952x128xi32, #tpu.memory_space<hbm>>
    tpu.enqueue_indirect_dma source(%dma_start3A_39 : memref<253952x128xi32, #tpu.memory_space<hbm>>) target(%dma_start3A_33 : memref<128x128xi32, #tpu.memory_space<vmem>>) offsets(%dma_start3A_36 : memref<128xi32, #tpu.memory_space<vmem>>) semaphore(%arg7 : memref<!tpu.dma_semaphore, #tpu.memory_space<semaphore_mem>>)
    %dma_wait3A = arith.constant 0 : i32
    %dma_wait3A_40 = arith.constant 0 : i32
    %dma_wait3A_41 = arith.constant 0 : i32
    %dma_wait3A_42 = tpu.memref_slice %arg6[%dma_wait3A_40, %dma_wait3A_41] : memref<512x128xi32, #tpu.memory_space<vmem>> -> memref<128x128xi32, #tpu.memory_space<vmem>>
    %dma_wait3A_43 = arith.constant 0 : i32
    %dma_wait3A_44 = tpu.memref_slice %arg5[%dma_wait3A, %dma_wait3A_43] : memref<4x128xi32, #tpu.memory_space<vmem>> -> memref<1x128xi32, #tpu.memory_space<vmem>>
    %dma_wait3A_45 = tpu.memref_squeeze %dma_wait3A_44 : memref<1x128xi32, #tpu.memory_space<vmem>> -> memref<128xi32, #tpu.memory_space<vmem>>
    %dma_wait3A_46 = arith.constant 0 : i32
    %dma_wait3A_47 = arith.constant 0 : i32
    %dma_wait3A_48 = tpu.memref_slice %arg3[%dma_wait3A_46, %dma_wait3A_47] : memref<253952x128xi32, #tpu.memory_space<hbm>> -> memref<253952x128xi32, #tpu.memory_space<hbm>>
    tpu.wait_indirect_dma semaphore(%arg7 : memref<!tpu.dma_semaphore, #tpu.memory_space<semaphore_mem>>) src(%dma_wait3A_48 : memref<253952x128xi32, #tpu.memory_space<hbm>>) dst(%dma_wait3A_42 : memref<128x128xi32, #tpu.memory_space<vmem>>)
    %dma_wait3A_49 = arith.constant 1 : i32
    %dma_wait3A_50 = arith.constant 128 : i32
    %dma_wait3A_51 = arith.constant 0 : i32
    %dma_wait3A_52 = tpu.memref_slice %arg6[%dma_wait3A_50, %dma_wait3A_51] : memref<512x128xi32, #tpu.memory_space<vmem>> -> memref<128x128xi32, #tpu.memory_space<vmem>>
    %dma_wait3A_53 = arith.constant 0 : i32
    %dma_wait3A_54 = tpu.memref_slice %arg5[%dma_wait3A_49, %dma_wait3A_53] : memref<4x128xi32, #tpu.memory_space<vmem>> -> memref<1x128xi32, #tpu.memory_space<vmem>>
    %dma_wait3A_55 = tpu.memref_squeeze %dma_wait3A_54 : memref<1x128xi32, #tpu.memory_space<vmem>> -> memref<128xi32, #tpu.memory_space<vmem>>
    %dma_wait3A_56 = arith.constant 0 : i32
    %dma_wait3A_57 = arith.constant 0 : i32
    %dma_wait3A_58 = tpu.memref_slice %arg3[%dma_wait3A_56, %dma_wait3A_57] : memref<253952x128xi32, #tpu.memory_space<hbm>> -> memref<253952x128xi32, #tpu.memory_space<hbm>>
    tpu.wait_indirect_dma semaphore(%arg7 : memref<!tpu.dma_semaphore, #tpu.memory_space<semaphore_mem>>) src(%dma_wait3A_58 : memref<253952x128xi32, #tpu.memory_space<hbm>>) dst(%dma_wait3A_52 : memref<128x128xi32, #tpu.memory_space<vmem>>)
    %dma_wait3A_59 = arith.constant 2 : i32
    %dma_wait3A_60 = arith.constant 256 : i32
    %dma_wait3A_61 = arith.constant 0 : i32
    %dma_wait3A_62 = tpu.memref_slice %arg6[%dma_wait3A_60, %dma_wait3A_61] : memref<512x128xi32, #tpu.memory_space<vmem>> -> memref<128x128xi32, #tpu.memory_space<vmem>>
    %dma_wait3A_63 = arith.constant 0 : i32
    %dma_wait3A_64 = tpu.memref_slice %arg5[%dma_wait3A_59, %dma_wait3A_63] : memref<4x128xi32, #tpu.memory_space<vmem>> -> memref<1x128xi32, #tpu.memory_space<vmem>>
    %dma_wait3A_65 = tpu.memref_squeeze %dma_wait3A_64 : memref<1x128xi32, #tpu.memory_space<vmem>> -> memref<128xi32, #tpu.memory_space<vmem>>
    %dma_wait3A_66 = arith.constant 0 : i32
    %dma_wait3A_67 = arith.constant 0 : i32
    %dma_wait3A_68 = tpu.memref_slice %arg3[%dma_wait3A_66, %dma_wait3A_67] : memref<253952x128xi32, #tpu.memory_space<hbm>> -> memref<253952x128xi32, #tpu.memory_space<hbm>>
    tpu.wait_indirect_dma semaphore(%arg7 : memref<!tpu.dma_semaphore, #tpu.memory_space<semaphore_mem>>) src(%dma_wait3A_68 : memref<253952x128xi32, #tpu.memory_space<hbm>>) dst(%dma_wait3A_62 : memref<128x128xi32, #tpu.memory_space<vmem>>)
    %dma_wait3A_69 = arith.constant 3 : i32
    %dma_wait3A_70 = arith.constant 384 : i32
    %dma_wait3A_71 = arith.constant 0 : i32
    %dma_wait3A_72 = tpu.memref_slice %arg6[%dma_wait3A_70, %dma_wait3A_71] : memref<512x128xi32, #tpu.memory_space<vmem>> -> memref<128x128xi32, #tpu.memory_space<vmem>>
    %dma_wait3A_73 = arith.constant 0 : i32
    %dma_wait3A_74 = tpu.memref_slice %arg5[%dma_wait3A_69, %dma_wait3A_73] : memref<4x128xi32, #tpu.memory_space<vmem>> -> memref<1x128xi32, #tpu.memory_space<vmem>>
    %dma_wait3A_75 = tpu.memref_squeeze %dma_wait3A_74 : memref<1x128xi32, #tpu.memory_space<vmem>> -> memref<128xi32, #tpu.memory_space<vmem>>
    %dma_wait3A_76 = arith.constant 0 : i32
    %dma_wait3A_77 = arith.constant 0 : i32
    %dma_wait3A_78 = tpu.memref_slice %arg3[%dma_wait3A_76, %dma_wait3A_77] : memref<253952x128xi32, #tpu.memory_space<hbm>> -> memref<253952x128xi32, #tpu.memory_space<hbm>>
    tpu.wait_indirect_dma semaphore(%arg7 : memref<!tpu.dma_semaphore, #tpu.memory_space<semaphore_mem>>) src(%dma_wait3A_78 : memref<253952x128xi32, #tpu.memory_space<hbm>>) dst(%dma_wait3A_72 : memref<128x128xi32, #tpu.memory_space<vmem>>)
    %mul3A_79 = arith.constant 512 : i32
    %mul3A_80 = arith.muli %add3A, %mul3A_79 : i32
    "tpu.region"() ({
      %run_scoped3A = tpu.sem_alloc : memref<!tpu.dma_semaphore, #tpu.memory_space<semaphore_mem>>
      %dma_start3A_81 = arith.constant 0 : i32
      %dma_start3A_82 = tpu.memref_slice %arg4[%mul3A_80, %dma_start3A_81] : memref<16384x128xi32, #tpu.memory_space<hbm>> -> memref<512x128xi32, #tpu.memory_space<hbm>>
      %dma_start3A_83 = arith.constant 0 : i32
      %dma_start3A_84 = tpu.memref_slice %arg4[%mul3A_80, %dma_start3A_83] : memref<16384x128xi32, #tpu.memory_space<hbm>> -> memref<512x128xi32, #tpu.memory_space<hbm>>
      tpu.enqueue_dma source(%arg6 : memref<512x128xi32, #tpu.memory_space<vmem>>) target(%dma_start3A_84 : memref<512x128xi32, #tpu.memory_space<hbm>>) target_semaphore(%run_scoped3A : memref<!tpu.dma_semaphore, #tpu.memory_space<semaphore_mem>>)
      %dma_wait3A_85 = arith.constant 0 : i32
      %dma_wait3A_86 = tpu.memref_slice %arg4[%mul3A_80, %dma_wait3A_85] : memref<16384x128xi32, #tpu.memory_space<hbm>> -> memref<512x128xi32, #tpu.memory_space<hbm>>
      %dma_wait3A_87 = arith.constant 0 : i32
      %dma_wait3A_88 = tpu.memref_slice %arg4[%mul3A_80, %dma_wait3A_87] : memref<16384x128xi32, #tpu.memory_space<hbm>> -> memref<512x128xi32, #tpu.memory_space<hbm>>
      tpu.wait_dma2 semaphore(%run_scoped3A : memref<!tpu.dma_semaphore, #tpu.memory_space<semaphore_mem>>) src(%arg6 : memref<512x128xi32, #tpu.memory_space<vmem>>) dst(%dma_wait3A_88 : memref<512x128xi32, #tpu.memory_space<hbm>>)
      tpu.yield
    }) : () -> ()
    return
  }
}

module attributes {stable_mosaic.version = 14 : i64} {
  func.func @body(%arg0: i32, %arg1: memref<64x16384xf32, #tpu.memory_space<vmem>>, %arg2: memref<64x64xf32, #tpu.memory_space<vmem>>, %arg3: memref<4096x128xi32, #tpu.memory_space<vmem>>) attributes {dimension_semantics = [#tpu.dimension_semantics<arbitrary>], iteration_bounds = array<i64: 62>, scalar_prefetch = 0 : i64, scratch_operands = 0 : i64, tpu.core_type = #tpu.core_type<tc>, window_params = [{transform_indices = @transform_0, window_bounds = array<i64: 64, 16384>}, {pipeline_mode = #tpu.pipeline_mode<synchronous>, transform_indices = @transform_1, window_bounds = array<i64: 64, 64>}, {transform_indices = @transform_2, window_bounds = array<i64: 4096, 128>}]} {
    %get3A = arith.constant 0 : index
    %get3A_0 = arith.constant 0 : index
    %get3A_1 = vector.load %arg1[%get3A, %get3A_0] : memref<64x16384xf32, #tpu.memory_space<vmem>>, vector<64x16384xf32>
    %convert_element_type3A = arith.truncf %get3A_1 : vector<64x16384xf32> to vector<64x16384xbf16>
    %get3A_2 = arith.constant 0 : index
    %get3A_3 = arith.constant 0 : index
    %get3A_4 = vector.load %arg2[%get3A_2, %get3A_3] : memref<64x64xf32, #tpu.memory_space<vmem>>, vector<64x64xf32>
    %convert_element_type3A_5 = arith.truncf %get3A_4 : vector<64x64xf32> to vector<64x64xbf16>
    %dot_general3A = arith.constant dense<0.000000e+00> : vector<16384x64xf32>
    %dot_general3A_6 = tpu.matmul %convert_element_type3A, %convert_element_type3A_5, %dot_general3A {dimension_numbers = #tpu.dot_dimension_numbers<[0], [0], [1], [1], [0, 1, 1, 1], [], []>, transpose_lhs_hint = false} : vector<64x16384xbf16>, vector<64x64xbf16>, vector<16384x64xf32> -> vector<16384x64xf32>
    %slice3A = vector.extract_strided_slice %dot_general3A_6 {offsets = [0, 0], sizes = [4096, 64], strides = [1, 1]} : vector<16384x64xf32> to vector<4096x64xf32>
    %slice3A_7 = vector.extract_strided_slice %slice3A {offsets = [0, 0], sizes = [4096, 32], strides = [1, 1]} : vector<4096x64xf32> to vector<4096x32xf32>
    %convert_element_type3A_8 = arith.truncf %slice3A_7 : vector<4096x32xf32> to vector<4096x32xbf16>
    %bitcast_convert_type3A = tpu.bitcast %convert_element_type3A_8 : vector<4096x32xbf16> -> vector<4096x32xi16>
    %convert_element_type3A_9 = arith.extui %bitcast_convert_type3A : vector<4096x32xi16> to vector<4096x32xi32>
    %slice3A_10 = vector.extract_strided_slice %slice3A {offsets = [0, 32], sizes = [4096, 32], strides = [1, 1]} : vector<4096x64xf32> to vector<4096x32xf32>
    %convert_element_type3A_11 = arith.truncf %slice3A_10 : vector<4096x32xf32> to vector<4096x32xbf16>
    %bitcast_convert_type3A_12 = tpu.bitcast %convert_element_type3A_11 : vector<4096x32xbf16> -> vector<4096x32xi16>
    %convert_element_type3A_13 = arith.extui %bitcast_convert_type3A_12 : vector<4096x32xi16> to vector<4096x32xi32>
    %shift_left3A = arith.constant 16 : i32
    %shift_left3A_14 = vector.broadcast %shift_left3A : i32 to vector<4096x32xi32>
    %shift_left3A_15 = arith.shli %convert_element_type3A_13, %shift_left3A_14 : vector<4096x32xi32>
    %or3A = arith.ori %convert_element_type3A_9, %shift_left3A_15 : vector<4096x32xi32>
    %swap3A = arith.constant 0 : index
    %swap3A_16 = arith.constant 0 : index
    %swap3A_17 = vector.load %arg3[%swap3A, %swap3A_16] : memref<4096x128xi32, #tpu.memory_space<vmem>>, vector<4096x32xi32>
    tpu.vector_store %arg3[%swap3A, %swap3A_16], %or3A {strides = array<i32>} : memref<4096x128xi32, #tpu.memory_space<vmem>>, vector<4096x32xi32>,
    %slice3A_18 = vector.extract_strided_slice %dot_general3A_6 {offsets = [4096, 0], sizes = [4096, 64], strides = [1, 1]} : vector<16384x64xf32> to vector<4096x64xf32>
    %slice3A_19 = vector.extract_strided_slice %slice3A_18 {offsets = [0, 0], sizes = [4096, 32], strides = [1, 1]} : vector<4096x64xf32> to vector<4096x32xf32>
    %convert_element_type3A_20 = arith.truncf %slice3A_19 : vector<4096x32xf32> to vector<4096x32xbf16>
    %bitcast_convert_type3A_21 = tpu.bitcast %convert_element_type3A_20 : vector<4096x32xbf16> -> vector<4096x32xi16>
    %convert_element_type3A_22 = arith.extui %bitcast_convert_type3A_21 : vector<4096x32xi16> to vector<4096x32xi32>
    %slice3A_23 = vector.extract_strided_slice %slice3A_18 {offsets = [0, 32], sizes = [4096, 32], strides = [1, 1]} : vector<4096x64xf32> to vector<4096x32xf32>
    %convert_element_type3A_24 = arith.truncf %slice3A_23 : vector<4096x32xf32> to vector<4096x32xbf16>
    %bitcast_convert_type3A_25 = tpu.bitcast %convert_element_type3A_24 : vector<4096x32xbf16> -> vector<4096x32xi16>
    %convert_element_type3A_26 = arith.extui %bitcast_convert_type3A_25 : vector<4096x32xi16> to vector<4096x32xi32>
    %shift_left3A_27 = arith.constant 16 : i32
    %shift_left3A_28 = vector.broadcast %shift_left3A_27 : i32 to vector<4096x32xi32>
    %shift_left3A_29 = arith.shli %convert_element_type3A_26, %shift_left3A_28 : vector<4096x32xi32>
    %or3A_30 = arith.ori %convert_element_type3A_22, %shift_left3A_29 : vector<4096x32xi32>
    %swap3A_31 = arith.constant 0 : index
    %swap3A_32 = arith.constant 32 : index
    %swap3A_33 = vector.load %arg3[%swap3A_31, %swap3A_32] : memref<4096x128xi32, #tpu.memory_space<vmem>>, vector<4096x32xi32>
    tpu.vector_store %arg3[%swap3A_31, %swap3A_32], %or3A_30 {strides = array<i32>} : memref<4096x128xi32, #tpu.memory_space<vmem>>, vector<4096x32xi32>,
    %slice3A_34 = vector.extract_strided_slice %dot_general3A_6 {offsets = [8192, 0], sizes = [4096, 64], strides = [1, 1]} : vector<16384x64xf32> to vector<4096x64xf32>
    %slice3A_35 = vector.extract_strided_slice %slice3A_34 {offsets = [0, 0], sizes = [4096, 32], strides = [1, 1]} : vector<4096x64xf32> to vector<4096x32xf32>
    %convert_element_type3A_36 = arith.truncf %slice3A_35 : vector<4096x32xf32> to vector<4096x32xbf16>
    %bitcast_convert_type3A_37 = tpu.bitcast %convert_element_type3A_36 : vector<4096x32xbf16> -> vector<4096x32xi16>
    %convert_element_type3A_38 = arith.extui %bitcast_convert_type3A_37 : vector<4096x32xi16> to vector<4096x32xi32>
    %slice3A_39 = vector.extract_strided_slice %slice3A_34 {offsets = [0, 32], sizes = [4096, 32], strides = [1, 1]} : vector<4096x64xf32> to vector<4096x32xf32>
    %convert_element_type3A_40 = arith.truncf %slice3A_39 : vector<4096x32xf32> to vector<4096x32xbf16>
    %bitcast_convert_type3A_41 = tpu.bitcast %convert_element_type3A_40 : vector<4096x32xbf16> -> vector<4096x32xi16>
    %convert_element_type3A_42 = arith.extui %bitcast_convert_type3A_41 : vector<4096x32xi16> to vector<4096x32xi32>
    %shift_left3A_43 = arith.constant 16 : i32
    %shift_left3A_44 = vector.broadcast %shift_left3A_43 : i32 to vector<4096x32xi32>
    %shift_left3A_45 = arith.shli %convert_element_type3A_42, %shift_left3A_44 : vector<4096x32xi32>
    %or3A_46 = arith.ori %convert_element_type3A_38, %shift_left3A_45 : vector<4096x32xi32>
    %swap3A_47 = arith.constant 0 : index
    %swap3A_48 = arith.constant 64 : index
    %swap3A_49 = vector.load %arg3[%swap3A_47, %swap3A_48] : memref<4096x128xi32, #tpu.memory_space<vmem>>, vector<4096x32xi32>
    tpu.vector_store %arg3[%swap3A_47, %swap3A_48], %or3A_46 {strides = array<i32>} : memref<4096x128xi32, #tpu.memory_space<vmem>>, vector<4096x32xi32>,
    %slice3A_50 = vector.extract_strided_slice %dot_general3A_6 {offsets = [12288, 0], sizes = [4096, 64], strides = [1, 1]} : vector<16384x64xf32> to vector<4096x64xf32>
    %slice3A_51 = vector.extract_strided_slice %slice3A_50 {offsets = [0, 0], sizes = [4096, 32], strides = [1, 1]} : vector<4096x64xf32> to vector<4096x32xf32>
    %convert_element_type3A_52 = arith.truncf %slice3A_51 : vector<4096x32xf32> to vector<4096x32xbf16>
    %bitcast_convert_type3A_53 = tpu.bitcast %convert_element_type3A_52 : vector<4096x32xbf16> -> vector<4096x32xi16>
    %convert_element_type3A_54 = arith.extui %bitcast_convert_type3A_53 : vector<4096x32xi16> to vector<4096x32xi32>
    %slice3A_55 = vector.extract_strided_slice %slice3A_50 {offsets = [0, 32], sizes = [4096, 32], strides = [1, 1]} : vector<4096x64xf32> to vector<4096x32xf32>
    %convert_element_type3A_56 = arith.truncf %slice3A_55 : vector<4096x32xf32> to vector<4096x32xbf16>
    %bitcast_convert_type3A_57 = tpu.bitcast %convert_element_type3A_56 : vector<4096x32xbf16> -> vector<4096x32xi16>
    %convert_element_type3A_58 = arith.extui %bitcast_convert_type3A_57 : vector<4096x32xi16> to vector<4096x32xi32>
    %shift_left3A_59 = arith.constant 16 : i32
    %shift_left3A_60 = vector.broadcast %shift_left3A_59 : i32 to vector<4096x32xi32>
    %shift_left3A_61 = arith.shli %convert_element_type3A_58, %shift_left3A_60 : vector<4096x32xi32>
    %or3A_62 = arith.ori %convert_element_type3A_54, %shift_left3A_61 : vector<4096x32xi32>
    %swap3A_63 = arith.constant 0 : index
    %swap3A_64 = arith.constant 96 : index
    %swap3A_65 = vector.load %arg3[%swap3A_63, %swap3A_64] : memref<4096x128xi32, #tpu.memory_space<vmem>>, vector<4096x32xi32>
    tpu.vector_store %arg3[%swap3A_63, %swap3A_64], %or3A_62 {strides = array<i32>} : memref<4096x128xi32, #tpu.memory_space<vmem>>, vector<4096x32xi32>,
    return
  }
  func.func @transform_0(%arg0: i32) -> (i32, i32) {
    %c0_i32 = arith.constant 0 : i32
    %c0_i32_0 = arith.constant 0 : i32
    return %c0_i32, %arg0 : i32, i32
  }
  func.func @transform_1(%arg0: i32) -> (i32, i32) {
    %c0_i32 = arith.constant 0 : i32
    %c0_i32_0 = arith.constant 0 : i32
    %c0_i32_1 = arith.constant 0 : i32
    return %c0_i32, %c0_i32_0 : i32, i32
  }
  func.func @transform_2(%arg0: i32) -> (i32, i32) {
    %c0_i32 = arith.constant 0 : i32
    %c0_i32_0 = arith.constant 0 : i32
    return %arg0, %c0_i32 : i32, i32
  }
}

module attributes {stable_mosaic.version = 14 : i64} {
  func.func @body(%arg0: i32, %arg1: memref<4096x128xi32, #tpu.memory_space<vmem>>, %arg2: memref<4096x128xf32, #tpu.memory_space<vmem>>, %arg3: memref<4096x128xf32, #tpu.memory_space<vmem>>, %arg4: memref<4096x1xi32, #tpu.memory_space<vmem>>, %arg5: memref<4096x1xi32, #tpu.memory_space<vmem>>, %arg6: memref<4096x1xi32, #tpu.memory_space<vmem>>, %arg7: memref<64x64xf32, #tpu.memory_space<vmem>>, %arg8: memref<1x64xf32, #tpu.memory_space<vmem>>, %arg9: memref<4096x64xf32, #tpu.memory_space<vmem>>) attributes {dimension_semantics = [#tpu.dimension_semantics<arbitrary>], iteration_bounds = array<i64: 4>, scalar_prefetch = 0 : i64, scratch_operands = 0 : i64, tpu.core_type = #tpu.core_type<tc>, window_params = [{transform_indices = @transform_0, window_bounds = array<i64: 4096, 128>}, {transform_indices = @transform_1, window_bounds = array<i64: 4096, 128>}, {transform_indices = @transform_2, window_bounds = array<i64: 4096, 128>}, {transform_indices = @transform_3, window_bounds = array<i64: 4096, 1>}, {transform_indices = @transform_4, window_bounds = array<i64: 4096, 1>}, {transform_indices = @transform_5, window_bounds = array<i64: 4096, 1>}, {pipeline_mode = #tpu.pipeline_mode<synchronous>, transform_indices = @transform_6, window_bounds = array<i64: 64, 64>}, {pipeline_mode = #tpu.pipeline_mode<synchronous>, transform_indices = @transform_7, window_bounds = array<i64: 1, 64>}, {transform_indices = @transform_8, window_bounds = array<i64: 4096, 64>}]} {
    %get3A = arith.constant 0 : index
    %get3A_0 = arith.constant 0 : index
    %get3A_1 = vector.load %arg1[%get3A, %get3A_0] : memref<4096x128xi32, #tpu.memory_space<vmem>>, vector<4096x128xi32>
    %get3A_2 = arith.constant 0 : index
    %get3A_3 = arith.constant 0 : index
    %get3A_4 = vector.load %arg4[%get3A_2, %get3A_3] : memref<4096x1xi32, #tpu.memory_space<vmem>>, vector<4096x1xi32>
    %shift_right_arithmetic3A = arith.constant 12 : i32
    %shift_right_arithmetic3A_5 = vector.broadcast %shift_right_arithmetic3A : i32 to vector<4096x1xi32>
    %shift_right_arithmetic3A_6 = arith.shrsi %get3A_4, %shift_right_arithmetic3A_5 : vector<4096x1xi32>
    %and3A = arith.constant 1 : i32
    %and3A_7 = vector.broadcast %and3A : i32 to vector<4096x1xi32>
    %and3A_8 = arith.andi %shift_right_arithmetic3A_6, %and3A_7 : vector<4096x1xi32>
    %eq3A = arith.constant 1 : i32
    %eq3A_9 = vector.broadcast %eq3A : i32 to vector<4096x1xi32>
    %eq3A_10 = arith.cmpi eq, %and3A_8, %eq3A_9 : vector<4096x1xi32>
    %shift_right_arithmetic3A_11 = arith.constant 13 : i32
    %shift_right_arithmetic3A_12 = vector.broadcast %shift_right_arithmetic3A_11 : i32 to vector<4096x1xi32>
    %shift_right_arithmetic3A_13 = arith.shrsi %get3A_4, %shift_right_arithmetic3A_12 : vector<4096x1xi32>
    %and3A_14 = arith.constant 1 : i32
    %and3A_15 = vector.broadcast %and3A_14 : i32 to vector<4096x1xi32>
    %and3A_16 = arith.andi %shift_right_arithmetic3A_13, %and3A_15 : vector<4096x1xi32>
    %eq3A_17 = arith.constant 1 : i32
    %eq3A_18 = vector.broadcast %eq3A_17 : i32 to vector<4096x1xi32>
    %eq3A_19 = arith.cmpi eq, %and3A_16, %eq3A_18 : vector<4096x1xi32>
    %slice3A = vector.extract_strided_slice %get3A_1 {offsets = [0, 32], sizes = [4096, 32], strides = [1, 1]} : vector<4096x128xi32> to vector<4096x32xi32>
    %slice3A_20 = vector.extract_strided_slice %get3A_1 {offsets = [0, 0], sizes = [4096, 32], strides = [1, 1]} : vector<4096x128xi32> to vector<4096x32xi32>
    %broadcast_in_dim3A = vector.shape_cast %eq3A_10 : vector<4096x1xi1> to vector<4096x1xi1>
    %broadcast_in_dim3A_21 = vector.broadcast %broadcast_in_dim3A : vector<4096x1xi1> to vector<4096x32xi1>
    %select_n3A = arith.select %broadcast_in_dim3A_21, %slice3A, %slice3A_20 : vector<4096x32xi1>, vector<4096x32xi32>
    %slice3A_22 = vector.extract_strided_slice %get3A_1 {offsets = [0, 96], sizes = [4096, 32], strides = [1, 1]} : vector<4096x128xi32> to vector<4096x32xi32>
    %slice3A_23 = vector.extract_strided_slice %get3A_1 {offsets = [0, 64], sizes = [4096, 32], strides = [1, 1]} : vector<4096x128xi32> to vector<4096x32xi32>
    %broadcast_in_dim3A_24 = vector.shape_cast %eq3A_10 : vector<4096x1xi1> to vector<4096x1xi1>
    %broadcast_in_dim3A_25 = vector.broadcast %broadcast_in_dim3A_24 : vector<4096x1xi1> to vector<4096x32xi1>
    %select_n3A_26 = arith.select %broadcast_in_dim3A_25, %slice3A_22, %slice3A_23 : vector<4096x32xi1>, vector<4096x32xi32>
    %broadcast_in_dim3A_27 = vector.shape_cast %eq3A_19 : vector<4096x1xi1> to vector<4096x1xi1>
    %broadcast_in_dim3A_28 = vector.broadcast %broadcast_in_dim3A_27 : vector<4096x1xi1> to vector<4096x32xi1>
    %select_n3A_29 = arith.select %broadcast_in_dim3A_28, %select_n3A_26, %select_n3A : vector<4096x32xi1>, vector<4096x32xi32>
    %shift_left3A = arith.constant 16 : i32
    %shift_left3A_30 = vector.broadcast %shift_left3A : i32 to vector<4096x32xi32>
    %shift_left3A_31 = arith.shli %select_n3A_29, %shift_left3A_30 : vector<4096x32xi32>
    %bitcast_convert_type3A = tpu.bitcast %shift_left3A_31 : vector<4096x32xi32> -> vector<4096x32xf32>
    %and3A_32 = arith.constant -65536 : i32
    %and3A_33 = vector.broadcast %and3A_32 : i32 to vector<4096x32xi32>
    %and3A_34 = arith.andi %select_n3A_29, %and3A_33 : vector<4096x32xi32>
    %bitcast_convert_type3A_35 = tpu.bitcast %and3A_34 : vector<4096x32xi32> -> vector<4096x32xf32>
    %concatenate3A = tpu.concatenate %bitcast_convert_type3A, %bitcast_convert_type3A_35 in 1 : vector<4096x32xf32>, vector<4096x32xf32> -> vector<4096x64xf32>
    %get3A_36 = arith.constant 0 : index
    %get3A_37 = arith.constant 0 : index
    %get3A_38 = vector.load %arg2[%get3A_36, %get3A_37] : memref<4096x128xf32, #tpu.memory_space<vmem>>, vector<4096x128xf32>
    %get3A_39 = arith.constant 0 : index
    %get3A_40 = arith.constant 0 : index
    %get3A_41 = vector.load %arg3[%get3A_39, %get3A_40] : memref<4096x128xf32, #tpu.memory_space<vmem>>, vector<4096x128xf32>
    %get3A_42 = arith.constant 0 : index
    %get3A_43 = arith.constant 0 : index
    %get3A_44 = vector.load %arg5[%get3A_42, %get3A_43] : memref<4096x1xi32, #tpu.memory_space<vmem>>, vector<4096x1xi32>
    %and3A_45 = arith.constant 1 : i32
    %and3A_46 = vector.broadcast %and3A_45 : i32 to vector<4096x1xi32>
    %and3A_47 = arith.andi %get3A_44, %and3A_46 : vector<4096x1xi32>
    %convert_element_type3A = arith.sitofp %and3A_47 : vector<4096x1xi32> to vector<4096x1xf32>
    %get3A_48 = arith.constant 0 : index
    %get3A_49 = arith.constant 0 : index
    %get3A_50 = vector.load %arg6[%get3A_48, %get3A_49] : memref<4096x1xi32, #tpu.memory_space<vmem>>, vector<4096x1xi32>
    %and3A_51 = arith.constant 1 : i32
    %and3A_52 = vector.broadcast %and3A_51 : i32 to vector<4096x1xi32>
    %and3A_53 = arith.andi %get3A_50, %and3A_52 : vector<4096x1xi32>
    %convert_element_type3A_54 = arith.sitofp %and3A_53 : vector<4096x1xi32> to vector<4096x1xf32>
    %slice3A_55 = vector.extract_strided_slice %get3A_38 {offsets = [0, 0], sizes = [4096, 64], strides = [1, 1]} : vector<4096x128xf32> to vector<4096x64xf32>
    %slice3A_56 = vector.extract_strided_slice %get3A_38 {offsets = [0, 64], sizes = [4096, 64], strides = [1, 1]} : vector<4096x128xf32> to vector<4096x64xf32>
    %slice3A_57 = vector.extract_strided_slice %get3A_38 {offsets = [0, 0], sizes = [4096, 64], strides = [1, 1]} : vector<4096x128xf32> to vector<4096x64xf32>
    %sub3A = arith.subf %slice3A_56, %slice3A_57 : vector<4096x64xf32>
    %mul3A = vector.broadcast %convert_element_type3A : vector<4096x1xf32> to vector<4096x64xf32>
    %mul3A_58 = arith.mulf %mul3A, %sub3A : vector<4096x64xf32>
    %add3A = arith.addf %slice3A_55, %mul3A_58 : vector<4096x64xf32>
    %slice3A_59 = vector.extract_strided_slice %get3A_41 {offsets = [0, 0], sizes = [4096, 64], strides = [1, 1]} : vector<4096x128xf32> to vector<4096x64xf32>
    %slice3A_60 = vector.extract_strided_slice %get3A_41 {offsets = [0, 64], sizes = [4096, 64], strides = [1, 1]} : vector<4096x128xf32> to vector<4096x64xf32>
    %slice3A_61 = vector.extract_strided_slice %get3A_41 {offsets = [0, 0], sizes = [4096, 64], strides = [1, 1]} : vector<4096x128xf32> to vector<4096x64xf32>
    %sub3A_62 = arith.subf %slice3A_60, %slice3A_61 : vector<4096x64xf32>
    %mul3A_63 = vector.broadcast %convert_element_type3A_54 : vector<4096x1xf32> to vector<4096x64xf32>
    %mul3A_64 = arith.mulf %mul3A_63, %sub3A_62 : vector<4096x64xf32>
    %add3A_65 = arith.addf %slice3A_59, %mul3A_64 : vector<4096x64xf32>
    %add3A_66 = arith.addf %add3A, %add3A_65 : vector<4096x64xf32>
    %convert_element_type3A_67 = arith.truncf %add3A_66 : vector<4096x64xf32> to vector<4096x64xbf16>
    %get3A_68 = arith.constant 0 : index
    %get3A_69 = arith.constant 0 : index
    %get3A_70 = vector.load %arg7[%get3A_68, %get3A_69] : memref<64x64xf32, #tpu.memory_space<vmem>>, vector<64x64xf32>
    %convert_element_type3A_71 = arith.truncf %get3A_70 : vector<64x64xf32> to vector<64x64xbf16>
    %dot_general3A = arith.constant dense<0.000000e+00> : vector<4096x64xf32>
    %dot_general3A_72 = tpu.matmul %convert_element_type3A_67, %convert_element_type3A_71, %dot_general3A {dimension_numbers = #tpu.dot_dimension_numbers<[1], [0], [0], [1], [0, 0, 1, 1], [], []>, transpose_lhs_hint = false} : vector<4096x64xbf16>, vector<64x64xbf16>, vector<4096x64xf32> -> vector<4096x64xf32>
    %add3A_73 = arith.addf %concatenate3A, %dot_general3A_72 : vector<4096x64xf32>
    %get3A_74 = arith.constant 0 : index
    %get3A_75 = arith.constant 0 : index
    %get3A_76 = vector.load %arg8[%get3A_74, %get3A_75] : memref<1x64xf32, #tpu.memory_space<vmem>>, vector<1x64xf32>
    %add3A_77 = vector.broadcast %get3A_76 : vector<1x64xf32> to vector<4096x64xf32>
    %add3A_78 = arith.addf %add3A_73, %add3A_77 : vector<4096x64xf32>
    %mul3A_79 = arith.mulf %add3A_78, %add3A_78 : vector<4096x64xf32>
    %reduce_sum3A = arith.constant dense<0.000000e+00> : vector<4096xf32>
    %reduce_sum3A_80 = vector.multi_reduction <add>, %mul3A_79, %reduce_sum3A [1] : vector<4096x64xf32> to vector<4096xf32>
    %broadcast_in_dim3A_81 = vector.shape_cast %reduce_sum3A_80 : vector<4096xf32> to vector<4096x1xf32>
    %sqrt3A = math.sqrt %broadcast_in_dim3A_81 : vector<4096x1xf32>
    %max3A = arith.constant 9.99999996E-13 : f32
    %max3A_82 = vector.broadcast %max3A : f32 to vector<4096x1xf32>
    %max3A_83 = arith.maximumf %sqrt3A, %max3A_82 : vector<4096x1xf32>
    %div3A = vector.broadcast %max3A_83 : vector<4096x1xf32> to vector<4096x64xf32>
    %div3A_84 = arith.divf %add3A_78, %div3A : vector<4096x64xf32>
    %swap3A = arith.constant 0 : index
    %swap3A_85 = arith.constant 0 : index
    %swap3A_86 = vector.load %arg9[%swap3A, %swap3A_85] : memref<4096x64xf32, #tpu.memory_space<vmem>>, vector<4096x64xf32>
    tpu.vector_store %arg9[%swap3A, %swap3A_85], %div3A_84 {strides = array<i32>} : memref<4096x64xf32, #tpu.memory_space<vmem>>, vector<4096x64xf32>,
    return
  }
  func.func @transform_0(%arg0: i32) -> (i32, i32) {
    %c0_i32 = arith.constant 0 : i32
    %c0_i32_0 = arith.constant 0 : i32
    return %arg0, %c0_i32 : i32, i32
  }
  func.func @transform_1(%arg0: i32) -> (i32, i32) {
    %c0_i32 = arith.constant 0 : i32
    %c0_i32_0 = arith.constant 0 : i32
    return %arg0, %c0_i32 : i32, i32
  }
  func.func @transform_2(%arg0: i32) -> (i32, i32) {
    %c0_i32 = arith.constant 0 : i32
    %c0_i32_0 = arith.constant 0 : i32
    return %arg0, %c0_i32 : i32, i32
  }
  func.func @transform_3(%arg0: i32) -> (i32, i32) {
    %c0_i32 = arith.constant 0 : i32
    %c0_i32_0 = arith.constant 0 : i32
    return %arg0, %c0_i32 : i32, i32
  }
  func.func @transform_4(%arg0: i32) -> (i32, i32) {
    %c0_i32 = arith.constant 0 : i32
    %c0_i32_0 = arith.constant 0 : i32
    return %arg0, %c0_i32 : i32, i32
  }
  func.func @transform_5(%arg0: i32) -> (i32, i32) {
    %c0_i32 = arith.constant 0 : i32
    %c0_i32_0 = arith.constant 0 : i32
    return %arg0, %c0_i32 : i32, i32
  }
  func.func @transform_6(%arg0: i32) -> (i32, i32) {
    %c0_i32 = arith.constant 0 : i32
    %c0_i32_0 = arith.constant 0 : i32
    %c0_i32_1 = arith.constant 0 : i32
    return %c0_i32, %c0_i32_0 : i32, i32
  }
  func.func @transform_7(%arg0: i32) -> (i32, i32) {
    %c0_i32 = arith.constant 0 : i32
    %c0_i32_0 = arith.constant 0 : i32
    %c0_i32_1 = arith.constant 0 : i32
    return %c0_i32, %c0_i32_0 : i32, i32
  }
  func.func @transform_8(%arg0: i32) -> (i32, i32) {
    %c0_i32 = arith.constant 0 : i32
    %c0_i32_0 = arith.constant 0 : i32
    return %arg0, %c0_i32 : i32, i32
  }
}

</mosaic_0001>

<sc_bundles>
// kernel: kernel.6.cloned.1.call-start
scs
__scs_entry_jumppad:
0x0: {  	(pc) =	sbr.rel $0x88, $3  }
0x1: {  	(tag) =	ssettag $0x0;
	lr =	simm.s32 $0x1  }
0x2: {  	[smem:$0x3F99] =	sst lr;
	_ =	strace $0xD0000000  }
0x3: {  	_ = 	snop  }
0x4: {  	_ = 	snop  }
0x5: {  	_ = 	snop  }
0x6: {  	_ = 	snop  }
0x7: {  	_ = 	snop  }
__scs_overlays_trampoline_lowered:
0x8: {  	[smem:$0x3FA8] =	sst s0  }
0x9: {  	[smem:$0x3FA9] =	sst s1  }
0xa: {  	[smem:$0x3FAA] =	sst s2  }
0xb: {  	[smem:$0x3FAB] =	sst s3  }
0xc: {  	[smem:$0x3FAC] =	sst s4  }
0xd: {  	[smem:$0x3FAD] =	sst s5  }
0xe: {  	[smem:$0x3FAE] =	sst s6  }
0xf: {  	[smem:$0x3FAF] =	sst s7  }
0x10: {  	[smem:$0x3FB0] =	sst s8  }
0x11: {  	[smem:$0x3FB1] =	sst s9;
	s0 =	simm.s32 @!p0 $0x0  }
0x12: {  	s1 =	sld [smem:$0x3F97];
	s0 =	simm.s32 @p0 $0x1  }
0x13: {  	[smem:$0x3FB2] =	sst s0;
	s0 =	simm.s32 @!p1 $0x0  }
0x14: {  	s2 =	sld [smem:$0x3F96];
	s0 =	simm.s32 @p1 $0x1  }
0x15: {  	[smem:$0x3FB3] =	sst s0;
	s0 =	simm.s32 @!p2 $0x0  }
0x16: {  	s3 =	sld [smem:$0x3FDB];
	s0 =	simm.s32 @p2 $0x1  }
0x17: {  	s4 =	simm.s32 $0x1BF5;
	[smem:$0x3FB5] =	sst s0  }
0x18: {  	s0 =	sld [smem:$0x3F98];
	_ =	swait.ge [sflag:s4], $0x0  }
0x19: {  	s7 =	sld [smem:$0x3F99]  }
0x1a: {  	s8 =	sadd.s32 $0xFFFFE003, lr  }
0x1b: {  	s9 =	sadd.s32 $0xFFFFFEF7, lr;
	s5 =	simm.s32 $0xFFFFFFFF;
	p2 =	slt.u32 s8, $0xFFFFF086  }
0x1c: {  	p1 =	slt.u32 s9, $0xF7A;
	s5 =	simm.s32 @!p2 $0x0  }
0x1d: {  	s5 =	simm.s32 @p1 $0x1;
	p0 =	seq.s32 s7, s2  }
0x1e: {  	s7 =	smul.u32 @!p0 $0xF7A, s2;
	p2 =	seq.s32 @!p0 s5, $0x0  }
0x1f: {  	s9 =	smul.u32 $0xF7A, s1;
	s8 =	simm.s32 @!p0 $0x1BF5;
	p2 =	por !p2, p0  }
0x20: {  	[sflag:s8] =	ssyncset.s32 @!p0 $0xFFFFF086;
	s6 =	sadd.s32 @!p0 s3, s7;
	s7 =	simm.s32 @!p0 $0x108  }
0x21: {  	s3 =	sadd.s32 s3, s9;
	s6 =	sadd.s32 @!p0 $0x88, s6;
	s7 =	simm.s32 @p2 $0x1082  }
0x22: {  	[simem:s7], [sflag:s8] =	dma.local @!p0 [hbm:s6], $0xF7A  }
0x23: {  	s9 =	sor.u32 $0xD0000000, s2;
	s6 =	simm.s32 $0x108;
	_ =	swait.ge @!p0 [sflag:s8], $0x0  }
0x24: {  	s3 =	sadd.s32 $0x88, s3;
	s6 =	simm.s32 @!p1 $0x1082;
	[sflag:s4] =	ssyncset.s32 $0xFFFFF086  }
0x25: {  	[simem:s6], [sflag:s4] =	dma.local [hbm:s3], $0xF7A  }
0x26: {  	[smem:$0x3F99] =	sst s1;
	(tag) =	ssettag s2;
	_ =	strace s9  }
0x27: {  	s1 =	sld [smem:$0x3FA9]  }
0x28: {  	s2 =	sld [smem:$0x3FAA]  }
0x29: {  	s4 =	sld [smem:$0x3FAC]  }
0x2a: {  	p0 =	seq.s32 s5, $0x0;
	s5 =	sld [smem:$0x3FAD]  }
0x2b: {  	s6 =	sld [smem:$0x3FAE]  }
0x2c: {  	s7 =	sld [smem:$0x3FAF]  }
0x2d: {  	s3 =	simm.s32 $0x108;
	s8 =	sld [smem:$0x3FB0]  }
0x2e: {  	s3 =	simm.s32 @!p0 $0x1082;
	s9 =	sld [smem:$0x3FB1]  }
0x2f: {  	lr =	sadd.s32 s0, s3;
	s0 =	sld [smem:$0x3FA8]  }
0x30: {  	s3 =	sld [smem:$0x3FAB]  }
0x31: {  	[smem:$0x3FB4] =	sst s10  }
0x32: {  	s10 =	sld [smem:$0x3FB2];
	_ =	sdelay $0x3  }
0x33: {  	p0 =	seq.s32 s10, $0x1;
	s10 =	sld [smem:$0x3FB4];
	_ =	sdelay $0x3  }
0x34: {  	[smem:$0x3FB4] =	sst s10  }
0x35: {  	s10 =	sld [smem:$0x3FB3];
	_ =	sdelay $0x3  }
0x36: {  	p1 =	seq.s32 s10, $0x1;
	s10 =	sld [smem:$0x3FB4];
	_ =	sdelay $0x3  }
0x37: {  	[smem:$0x3FB4] =	sst s10  }
0x38: {  	s10 =	sld [smem:$0x3FB5]  }
0x39: {  	_ = 	snop;
	(pc) =	sbr.ind lr, $3  }
0x3a: {  	_ = 	snop  }
0x3b: {  	_ = 	snop  }
0x3c: {  	p2 =	seq.s32 s10, $0x1;
	s10 =	sld [smem:$0x3FB4]  }
0x3d: {  	_ =	shalt  }
0x3e: {  	_ =	shalt  }
0x3f: {  	_ =	shalt  }
0x40: {  	_ =	shalt  }
0x41: {  	_ =	shalt  }
0x42: {  	_ =	shalt  }
0x43: {  	_ =	shalt  }
0x44: {  	_ =	shalt  }
0x45: {  	_ =	shalt  }
0x46: {  	_ =	shalt  }
0x47: {  	_ =	shalt  }
0x48: {  	_ =	shalt  }
0x49: {  	_ =	shalt  }
0x4a: {  	_ =	shalt  }
0x4b: {  	_ =	shalt  }
0x4c: {  	_ =	shalt  }
0x4d: {  	_ =	shalt  }
0x4e: {  	_ =	shalt  }
0x4f: {  	_ =	shalt  }
0x50: {  	_ =	shalt  }
0x51: {  	_ =	shalt  }
0x52: {  	_ =	shalt  }
0x53: {  	_ =	shalt  }
0x54: {  	_ =	shalt  }
0x55: {  	_ =	shalt  }
0x56: {  	_ =	shalt  }
0x57: {  	_ =	shalt  }
0x58: {  	_ =	shalt  }
0x59: {  	_ =	shalt  }
0x5a: {  	_ =	shalt  }
0x5b: {  	_ =	shalt  }
0x5c: {  	_ =	shalt  }
0x5d: {  	_ =	shalt  }
0x5e: {  	_ =	shalt  }
0x5f: {  	_ =	shalt  }
0x60: {  	_ =	shalt  }
0x61: {  	_ =	shalt  }
0x62: {  	_ =	shalt  }
0x63: {  	_ =	shalt  }
0x64: {  	_ =	shalt  }
0x65: {  	_ =	shalt  }
0x66: {  	_ =	shalt  }
0x67: {  	_ =	shalt  }
0x68: {  	_ =	shalt  }
0x69: {  	_ =	shalt  }
0x6a: {  	_ =	shalt  }
0x6b: {  	_ =	shalt  }
0x6c: {  	_ =	shalt  }
0x6d: {  	_ =	shalt  }
0x6e: {  	_ =	shalt  }
0x6f: {  	_ =	shalt  }
0x70: {  	_ =	shalt  }
0x71: {  	_ =	shalt  }
0x72: {  	_ =	shalt  }
0x73: {  	_ =	shalt  }
0x74: {  	_ =	shalt  }
0x75: {  	_ =	shalt  }
0x76: {  	_ =	shalt  }
0x77: {  	_ =	shalt  }
0x78: {  	_ =	shalt  }
0x79: {  	_ =	shalt  }
0x7a: {  	_ =	shalt  }
0x7b: {  	_ =	shalt  }
0x7c: {  	_ =	shalt  }
0x7d: {  	_ =	shalt  }
0x7e: {  	_ =	shalt  }
0x7f: {  	_ =	shalt  }
0x80: {  	_ =	shalt  }
0x81: {  	_ =	shalt  }
0x82: {  	_ =	shalt  }
0x83: {  	_ =	shalt  }
0x84: {  	_ =	shalt  }
0x85: {  	_ =	shalt  }
0x86: {  	_ =	shalt  }
0x87: {  	_ =	shalt  }
.Lfunc_end0:
.L_simem_size_0:
called_computation_lowered:
.L_overlay_start_0:
0x88: {  	s2 =	sld [smem:$0x3FD9]  }
0x89: {  	s3 =	sld [smem:$0x3FFE];
	_ =	sdelay $0x1  }
0x8a: {  	s1 =	srdreg.scid  }
0x8b: {  	s0 =	sand.u32 $0x1, s1  }
0x8c: {  	s17 =	sshll.u32 s0, $0xA;
	s2 =	sadd.s32 s3, s2  }
0x8d: {  	s2 =	sadd.s32 s2, s17  }
0x8e: {  	[smem:$0x3FC0] =	sst s2  }
0x8f: {  	_ = 	snop  }
0x90: {  	s2 =	sld [smem:$0x3FC9]  }
0x91: {  	s18 =	sld [smem:$0x3FC7]  }
0x92: {  	s4 =	sld [smem:$0x3FC6];
	(tm) =	ssettm $0x1  }
0x93: {  	s5 =	sld [smem:$0x3FFB];
	_ =	sdelay $0x3  }
0x94: {  	_ =	strace s5  }
0x95: {  	s5 =	sld [smem:$0x3FFC];
	_ =	sdelay $0x3  }
0x96: {  	_ =	strace s5  }
0x97: {  	s5 =	sld [smem:$0x3FFD];
	_ =	sdelay $0x3  }
0x98: {  	_ =	strace s5  }
0x99: {  	_ =	strace $0x8FFFFFFF  }
0x9a: {  	s19 =	sld [smem:$0x3FDB];
	_ =	sdelay $0x1  }
0x9b: {  	s6 =	simm.s32 $_scs_section_size  }
0x9c: {  	s7 =	simm.s32 $_size__tile_overlayer_lowered;
	s8 =	simm.s32 $_tile_overlayer_lowered  }
0x9d: {  	s22 =	simm.s32 $0x1BFF;
	s21 =	sshll.u32 s8, $0x1;
	s5 =	sadd.s32 s6, s19  }
0x9e: {  	s9 =	simm.s32 $0x0;
	s20 =	sshll.u32 s7, $0x1;
	s7 =	sadd.s32 s21, s5  }
0x9f: {  	[timem:s9], [sflag:s22] =	dma.local [hbm:s7], s20  }
0xa0: {  	_ =	swait.ge [sflag:s22], s20  }
0xa1: {  	s6 =	ssub.s32 $0x0, s20;
	[sflag:s22] =	ssyncset.done $0x0  }
0xa2: {  	[sflag:s22] =	ssyncadd.s32 s6;
	_ =	sdelay $0x1  }
0xa3: {  	s23 =	simm.s32 $0x1B8B  }
0xa4: {  	_ =	swait.ge [sflag:s23], $0x1  }
0xa5: {  	[sflag:s23] =	ssyncset.done $0x0  }
0xa6: {  	s25 =	simm.s32 $0x1B8E;
	s24 =	sld [smem:$0x3FFE];
	[sflag:s23] =	ssyncadd.s32 $0xFFFFFFFF  }
0xa7: {  	s26 =	simm.s32 $execute0_lowered;
	[smem:$0x3FD2] =	sst s25  }
0xa8: {  	s7 =	sshll.u32 s26, $0x1;
	_ =	strace $0x80000046;
	[dreg:$0x1] =	wrdreg $0xFFFFFFFF  }
0xa9: {  	s28 =	simm.s32 $_size_execute0_lowered;
	s5 =	sadd.s32 s5, s7;
	[dreg:$0x0] =	wrdreg $0x0  }
0xaa: {  	s7 =	sshll.u32 s28, $0x1;
	[dreg:$0x2] =	wrdreg s5  }
0xab: {  	[dreg:$0x3] =	wrdreg s7  }
0xac: {  	[dreg:$0x4] =	wrdreg $0xC0  }
0xad: {  	_ =	task [dreg:s9], $0x5FFFF  }
0xae: {  	[dreg:$0x1] =	wrdreg $0xFFFFFFFF  }
0xaf: {  	[dreg:$0x0] =	wrdreg $0x60  }
0xb0: {  	[dreg:$0x2] =	wrdreg s2  }
0xb1: {  	[dreg:$0x3] =	wrdreg s18  }
0xb2: {  	[dreg:$0x4] =	wrdreg s4  }
0xb3: {  	[dreg:$0x5] =	wrdreg s24  }
0xb4: {  	[dreg:$0x6] =	wrdreg $0x9  }
0xb5: {  	_ =	task.clear_ibuf [dreg:s9], $0x7FFFF;
	_ =	strace $0x90000046  }
0xb6: {  	s29 =	simm.s32 $0x9;
	_ =	strace $0x80000048  }
0xb7: {  	_ =	swait.ge [sflag:s29], $0x1  }
0xb8: {  	[sflag:s29] =	ssyncadd.s32 $0xFFFFFFFF  }
0xb9: {  	_ =	strace $0x90000048  }
0xba: {  	_ =	sfence  }
0xbb: {  	s30 =	sld [smem:$0x0];
	_ =	sdelay $0x2  }
0xbc: {  	s31 =	sshll.u32 s1, $0xD;
	s1 =	sshrl.u32 s1, $0x2  }
0xbd: {  	s3 =	sand.u32 $0x4000, s31;
	s1 =	sadd.s32 s1, s30  }
0xbe: {  	s0 =	sor.u32 s3, s0;
	s1 =	sshll.u32 s1, $0x11  }
0xbf: {  	s0 =	sor.u32 s1, s0  }
0xc0: {  	s0 =	sadd.s32 $0x8F2B, s0  }
0xc1: {  	[sflag:s0] =	ssyncadd.remote.s32 $0x1  }
0xc2: {  	_ =	sfence.sel $0xFFFF  }
0xc3: {  	[dreg:$0x0] =	wrdreg $0xFFFFFFFF;
	(pc) =	sbr.abs _section_cstart, $3  }
0xc4: {  	[dreg:$0x1] =	wrdreg $0xFFFFFFFF  }
0xc5: {  	_ =	task.clear_ibuf [dreg:s9], $0x2FFFF;
	_ =	strace $0x9FFFFFFF  }
0xc6: {  	(tm) =	ssettm $0x7FFFFFFF  }
0xc7: {  	_ =	shalt  }
tec
execute0_lowered:
.L_overlay_start_1:
0x0: {  	(tag) =	ssettag $0x1  }
0x1: {  	s0 =	rddreg [dreg:$0x0]  }
0x2: {  	s1 =	rddreg [dreg:$0x1]  }
0x3: {  	s2 =	rddreg [dreg:$0x2]  }
0x4: {  	s7 =	rddreg [dreg:$0x3];
	s5 =	srdreg.scid;
	s4 =	simm.s32 $0x0  }
0x5: {  	s3 =	stileid.u32;
	s25 =	simm.s32 $0x280;
	s26 =	simm.s32 $0x480  }
0x6: {  	s14 =	simm.s32 $0x500;
	s15 =	simm.s32 $0x180;
	s16 =	simm.s32 $0x380  }
0x7: {  	s28 =	simm.s32 $0x2;
	s29 =	simm.s32 $0x700;
	s30 =	simm.s32 $0x900  }
0x8: {  	s31 =	simm.s32 $0x780;
	s8 =	sand.u32 $0x1, s5;
	[smem:$0x7FF] =	sst s4  }
0x9: {  	s17 =	sshll.u32 s3, $0xA;
	s5 =	sadd.s32 $0x18A000, s7;
	s11 =	sadd.s32 $0x4600, s7  }
0xa: {  	s6 =	sshll.u32 s8, $0x9;
	_ =	strace $0x80000047;
	[dreg:$0xc] =	wrdreg s25  }
0xb: {  	s8 =	ssub.s32 $0x2, s8;
	[dreg:$0xd] =	wrdreg s26;
	s25 =	simm.s32 $0x880  }
0xc: {  	s26 =	simm.s32 $0xCA00;
	s9 =	sor.u32 s6, s17;
	s6 =	sadd.s32 $0x24D600, s7  }
0xd: {  	s22 =	sshrl.u32 s8, $0x1;
	s17 =	simm.s32 $0x580;
	s10 =	sshrl.u32 s9, $0x3  }
0xe: {  	s9 =	sshll.u32 s9, $0x4;
	s8 =	ssub.s32 s8, s22;
	s22 =	simm.s32 $0x8A00  }
0xf: {  	s12 =	sadd.s32 s10, s7;
	s0 =	sadd.s32 s0, s10;
	s7 =	sadd.s32 $0x44600, s7  }
0x10: {  	s20 =	sadd.s32 s11, s9;
	s10 =	simm.s32 $0x200;
	[dreg:$0x5] =	wrdreg s0  }
0x11: {  	s18 =	sadd.s32 $0x3600, s12;
	s19 =	sadd.s32 $0x3E00, s12;
	[dreg:$0x8] =	wrdreg s20  }
0x12: {  	s21 =	sadd.s32 s7, s9;
	s9 =	sor.u32 $0x1000, s9;
	[dreg:$0x6] =	wrdreg s18  }
0x13: {  	s12 =	simm.s32 $0x100;
	s20 =	simm.s32 $0xA00;
	[dreg:$0x7] =	wrdreg s19  }
0x14: {  	s0 =	simm.s32 $0x980;
	[dreg:$0x9] =	wrdreg s21;
	s23 =	sadd.s32 s11, s9  }
0x15: {  	s24 =	sadd.s32 s7, s9;
	s7 =	smax.u32 s8, $0x1;
	s8 =	simm.s32 $0x3  }
0x16: {  	s9 =	simm.s32 $0x80;
	s11 =	simm.s32 $0x400;
	s18 =	simm.s32 $0x1  }
0x17: {  	s19 =	simm.s32 $0x600;
	s21 =	simm.s32 $0x800;
	[dreg:$0xa] =	wrdreg s23  }
0x18: {  	[dreg:$0xb] =	wrdreg s24;
	s23 =	simm.s32 $0x680;
	s24 =	simm.s32 $0x4A00  }
.LBB2_1:
0x19: {  	s3 =	rddreg [dreg:$0x5]  }
0x1a: {  	[tilespmem:s4], [sflag:$0x3] =	stream.linear.gather [hbm4b:s3+s4], $0x200, $0x38;
	[tilespmem:$0x10A00] =	vst v63  }
0x1b: {  	_ =	swait.ge [sflag:s8], $0x200  }
0x1c: {  	[sflag:s8] =	ssyncset.done $0x0  }
0x1d: {  	[sflag:s8] =	ssyncadd.s32 $0xFFFFFE00  }
0x1e: {  	[tilespmem:s10], [sflag:$0x1] =	stream.indirect.gather [hbm4b:s1+s9], $0x1, s4, s9, $0xb8;
	[tilespmem:$0x10A00] =	vst v63  }
0x1f: {  	_ = 	snop  }
0x20: {  	[tilespmem:s11], [sflag:$0x1] =	stream.indirect.gather [hbm4b:s2+s9], $0x1, s4, s9, $0xb8;
	[tilespmem:$0x10A00] =	vst v63  }
0x21: {  	s3 =	rddreg [dreg:$0xc]  }
0x22: {  	[tilespmem:s3], [sflag:$0x1] =	stream.indirect.gather [hbm4b:s1+s9], $0x1, s9, s9, $0xb8;
	[tilespmem:$0x10A00] =	vst v63  }
0x23: {  	s13 =	rddreg [dreg:$0xd]  }
0x24: {  	[tilespmem:s13], [sflag:$0x1] =	stream.indirect.gather [hbm4b:s2+s9], $0x1, s9, s9, $0xb8;
	[tilespmem:$0x10A00] =	vst v63  }
0x25: {  	s13 =	simm.s32 $0x300  }
0x26: {  	[tilespmem:s13], [sflag:$0x1] =	stream.indirect.gather [hbm4b:s1+s9], $0x1, s12, s9, $0xb8;
	[tilespmem:$0x10A00] =	vst v63  }
0x27: {  	_ = 	snop  }
0x28: {  	[tilespmem:s14], [sflag:$0x1] =	stream.indirect.gather [hbm4b:s2+s9], $0x1, s12, s9, $0xb8;
	[tilespmem:$0x10A00] =	vst v63  }
0x29: {  	_ = 	snop  }
0x2a: {  	[tilespmem:s16], [sflag:$0x1] =	stream.indirect.gather [hbm4b:s1+s9], $0x1, s15, s9, $0xb8;
	[tilespmem:$0x10A00] =	vst v63  }
0x2b: {  	_ = 	snop  }
0x2c: {  	[tilespmem:s17], [sflag:$0x1] =	stream.indirect.gather [hbm4b:s2+s9], $0x1, s15, s9, $0xb8;
	[tilespmem:$0x10A00] =	vst v63  }
0x2d: {  	_ =	swait.ge [sflag:s18], $0x80  }
0x2e: {  	[sflag:s18] =	ssyncset.done $0x0  }
0x2f: {  	[sflag:s18] =	ssyncadd.s32 $0xFFFFFF80  }
0x30: {  	_ =	swait.ge [sflag:s18], $0x80  }
0x31: {  	[sflag:s18] =	ssyncset.done $0x0  }
0x32: {  	[sflag:s18] =	ssyncadd.s32 $0xFFFFFF80  }
0x33: {  	_ =	swait.ge [sflag:s18], $0x80  }
0x34: {  	[sflag:s18] =	ssyncset.done $0x0  }
0x35: {  	[sflag:s18] =	ssyncadd.s32 $0xFFFFFF80  }
0x36: {  	_ =	swait.ge [sflag:s18], $0x80  }
0x37: {  	[sflag:s18] =	ssyncset.done $0x0  }
0x38: {  	[sflag:s18] =	ssyncadd.s32 $0xFFFFFF80  }
0x39: {  	_ =	swait.ge [sflag:s18], $0x80  }
0x3a: {  	[sflag:s18] =	ssyncset.done $0x0  }
0x3b: {  	[sflag:s18] =	ssyncadd.s32 $0xFFFFFF80  }
0x3c: {  	_ =	swait.ge [sflag:s18], $0x80  }
0x3d: {  	[sflag:s18] =	ssyncset.done $0x0  }
0x3e: {  	[sflag:s18] =	ssyncadd.s32 $0xFFFFFF80  }
0x3f: {  	_ =	swait.ge [sflag:s18], $0x80  }
0x40: {  	[sflag:s18] =	ssyncset.done $0x0  }
0x41: {  	[sflag:s18] =	ssyncadd.s32 $0xFFFFFF80  }
0x42: {  	_ =	swait.ge [sflag:s18], $0x80  }
0x43: {  	[sflag:s18] =	ssyncset.done $0x0  }
0x44: {  	[sflag:s18] =	ssyncadd.s32 $0xFFFFFF80  }
0x45: {  	v0 =	vld [tilespmem:$0x200]  }
0x46: {  	v1 =	vld [tilespmem:$0x400]  }
0x47: {  	v2 =	vld [tilespmem:$0x210]  }
0x48: {  	v3 =	vld [tilespmem:$0x410]  }
0x49: {  	v4 =	vld [tilespmem:$0x220]  }
0x4a: {  	v5 =	vld [tilespmem:$0x420];
	v0 =	vshrl.u32 v0, $0x1  }
0x4b: {  	v57 =	vld [tilespmem:$0x230];
	v56 =	vshrl.u32 v1, $0x1;
	[tilespmem:$0x600] =	vst v0  }
0x4c: {  	v59 =	vld [tilespmem:$0x430];
	v58 =	vshrl.u32 v2, $0x1;
	[tilespmem:$0x800] =	vst v56  }
0x4d: {  	v61 =	vld [tilespmem:$0x240];
	v60 =	vshrl.u32 v3, $0x1;
	[tilespmem:$0x610] =	vst v58  }
0x4e: {  	v63 =	vld [tilespmem:$0x440];
	v62 =	vshrl.u32 v4, $0x1;
	[tilespmem:$0x810] =	vst v60  }
0x4f: {  	v9 =	vld [tilespmem:$0x250];
	v8 =	vshrl.u32 v5, $0x1;
	[tilespmem:$0x620] =	vst v62  }
0x50: {  	v11 =	vld [tilespmem:$0x450];
	v10 =	vshrl.u32 v57, $0x1;
	[tilespmem:$0x820] =	vst v8  }
0x51: {  	v13 =	vld [tilespmem:$0x260];
	v12 =	vshrl.u32 v59, $0x1;
	[tilespmem:$0x630] =	vst v10  }
0x52: {  	v15 =	vld [tilespmem:$0x460];
	v14 =	vshrl.u32 v61, $0x1;
	[tilespmem:$0x830] =	vst v12  }
0x53: {  	v17 =	vld [tilespmem:$0x270];
	v16 =	vshrl.u32 v63, $0x1;
	[tilespmem:$0x640] =	vst v14  }
0x54: {  	v19 =	vld [tilespmem:$0x470];
	v18 =	vshrl.u32 v9, $0x1;
	[tilespmem:$0x840] =	vst v16  }
0x55: {  	v21 =	vld [tilespmem:$0x280];
	v20 =	vshrl.u32 v11, $0x1;
	[tilespmem:$0x650] =	vst v18  }
0x56: {  	v23 =	vld [tilespmem:$0x480];
	v22 =	vshrl.u32 v13, $0x1;
	[tilespmem:$0x850] =	vst v20  }
0x57: {  	v25 =	vld [tilespmem:$0x290];
	v24 =	vshrl.u32 v15, $0x1;
	[tilespmem:$0x660] =	vst v22  }
0x58: {  	v27 =	vld [tilespmem:$0x490];
	v26 =	vshrl.u32 v17, $0x1;
	[tilespmem:$0x860] =	vst v24  }
0x59: {  	v29 =	vld [tilespmem:$0x2A0];
	v28 =	vshrl.u32 v19, $0x1;
	[tilespmem:$0x670] =	vst v26  }
0x5a: {  	v31 =	vld [tilespmem:$0x4A0];
	v30 =	vshrl.u32 v21, $0x1;
	[tilespmem:$0x870] =	vst v28  }
0x5b: {  	v33 =	vld [tilespmem:$0x2B0];
	v32 =	vshrl.u32 v23, $0x1;
	[tilespmem:$0x680] =	vst v30  }
0x5c: {  	v35 =	vld [tilespmem:$0x4B0];
	v34 =	vshrl.u32 v25, $0x1;
	[tilespmem:$0x880] =	vst v32  }
0x5d: {  	v37 =	vld [tilespmem:$0x2C0];
	v36 =	vshrl.u32 v27, $0x1;
	[tilespmem:$0x690] =	vst v34  }
0x5e: {  	v39 =	vld [tilespmem:$0x4C0];
	v38 =	vshrl.u32 v29, $0x1;
	[tilespmem:$0x890] =	vst v36  }
0x5f: {  	v41 =	vld [tilespmem:$0x2D0];
	v40 =	vshrl.u32 v31, $0x1;
	[tilespmem:$0x6A0] =	vst v38  }
0x60: {  	v43 =	vld [tilespmem:$0x4D0];
	v42 =	vshrl.u32 v33, $0x1;
	[tilespmem:$0x8A0] =	vst v40  }
0x61: {  	v45 =	vld [tilespmem:$0x2E0];
	v44 =	vshrl.u32 v35, $0x1;
	[tilespmem:$0x6B0] =	vst v42  }
0x62: {  	v55 =	vld [tilespmem:$0x500];
	v46 =	vshrl.u32 v37, $0x1;
	[tilespmem:$0x8B0] =	vst v44  }
0x63: {  	v47 =	vld [tilespmem:$0x4E0];
	v48 =	vshrl.u32 v39, $0x1;
	[tilespmem:$0x6C0] =	vst v46  }
0x64: {  	v49 =	vld [tilespmem:$0x2F0];
	v50 =	vshrl.u32 v41, $0x1;
	[tilespmem:$0x8C0] =	vst v48  }
0x65: {  	v51 =	vld [tilespmem:$0x4F0];
	v52 =	vshrl.u32 v43, $0x1;
	[tilespmem:$0x6D0] =	vst v50  }
0x66: {  	v53 =	vld [tilespmem:$0x300];
	v54 =	vshrl.u32 v45, $0x1;
	[tilespmem:$0x8D0] =	vst v52  }
0x67: {  	v57 =	vld [tilespmem:$0x310];
	v7 =	vshrl.u32 v55, $0x1;
	[tilespmem:$0x6E0] =	vst v54  }
0x68: {  	v59 =	vld [tilespmem:$0x510];
	v56 =	vshrl.u32 v47, $0x1;
	[tilespmem:$0x900] =	vst v7  }
0x69: {  	v61 =	vld [tilespmem:$0x320];
	v58 =	vshrl.u32 v49, $0x1;
	[tilespmem:$0x8E0] =	vst v56  }
0x6a: {  	v63 =	vld [tilespmem:$0x520];
	v60 =	vshrl.u32 v51, $0x1;
	[tilespmem:$0x6F0] =	vst v58  }
0x6b: {  	v62 =	vshrl.u32 v53, $0x1;
	v8 =	vld [tilespmem:$0x330];
	[tilespmem:$0x8F0] =	vst v60  }
0x6c: {  	v10 =	vld [tilespmem:$0x530];
	[tilespmem:$0x700] =	vst v62;
	v9 =	vshrl.u32 v57, $0x1  }
0x6d: {  	v12 =	vld [tilespmem:$0x340];
	v11 =	vshrl.u32 v59, $0x1;
	[tilespmem:$0x710] =	vst v9  }
0x6e: {  	v14 =	vld [tilespmem:$0x540];
	v13 =	vshrl.u32 v61, $0x1;
	[tilespmem:$0x910] =	vst v11  }
0x6f: {  	v16 =	vld [tilespmem:$0x350];
	v15 =	vshrl.u32 v63, $0x1;
	[tilespmem:$0x720] =	vst v13  }
0x70: {  	v18 =	vld [tilespmem:$0x550];
	[tilespmem:$0x920] =	vst v15;
	v17 =	vshrl.u32 v8, $0x1  }
0x71: {  	v20 =	vld [tilespmem:$0x360];
	v19 =	vshrl.u32 v10, $0x1;
	[tilespmem:$0x730] =	vst v17  }
0x72: {  	v22 =	vld [tilespmem:$0x560];
	v21 =	vshrl.u32 v12, $0x1;
	[tilespmem:$0x930] =	vst v19  }
0x73: {  	v24 =	vld [tilespmem:$0x370];
	v23 =	vshrl.u32 v14, $0x1;
	[tilespmem:$0x740] =	vst v21  }
0x74: {  	v26 =	vld [tilespmem:$0x570];
	v25 =	vshrl.u32 v16, $0x1;
	[tilespmem:$0x940] =	vst v23  }
0x75: {  	v28 =	vld [tilespmem:$0x380];
	v27 =	vshrl.u32 v18, $0x1;
	[tilespmem:$0x750] =	vst v25  }
0x76: {  	v30 =	vld [tilespmem:$0x580];
	v29 =	vshrl.u32 v20, $0x1;
	[tilespmem:$0x950] =	vst v27  }
0x77: {  	v32 =	vld [tilespmem:$0x390];
	v31 =	vshrl.u32 v22, $0x1;
	[tilespmem:$0x760] =	vst v29  }
0x78: {  	v34 =	vld [tilespmem:$0x590];
	v33 =	vshrl.u32 v24, $0x1;
	[tilespmem:$0x960] =	vst v31  }
0x79: {  	v36 =	vld [tilespmem:$0x3A0];
	v35 =	vshrl.u32 v26, $0x1;
	[tilespmem:$0x770] =	vst v33  }
0x7a: {  	v38 =	vld [tilespmem:$0x5A0];
	v37 =	vshrl.u32 v28, $0x1;
	[tilespmem:$0x970] =	vst v35  }
0x7b: {  	v40 =	vld [tilespmem:$0x3B0];
	v39 =	vshrl.u32 v30, $0x1;
	[tilespmem:$0x780] =	vst v37  }
0x7c: {  	v42 =	vld [tilespmem:$0x5B0];
	v41 =	vshrl.u32 v32, $0x1;
	[tilespmem:$0x980] =	vst v39  }
0x7d: {  	v44 =	vld [tilespmem:$0x3C0];
	v43 =	vshrl.u32 v34, $0x1;
	[tilespmem:$0x790] =	vst v41  }
0x7e: {  	v46 =	vld [tilespmem:$0x5C0];
	v45 =	vshrl.u32 v36, $0x1;
	[tilespmem:$0x990] =	vst v43  }
0x7f: {  	v48 =	vld [tilespmem:$0x3D0];
	v47 =	vshrl.u32 v38, $0x1;
	[tilespmem:$0x7A0] =	vst v45  }
0x80: {  	v50 =	vld [tilespmem:$0x5D0];
	v49 =	vshrl.u32 v40, $0x1;
	[tilespmem:$0x9A0] =	vst v47  }
0x81: {  	v52 =	vld [tilespmem:$0x3E0];
	v51 =	vshrl.u32 v42, $0x1;
	[tilespmem:$0x7B0] =	vst v49  }
0x82: {  	v54 =	vld [tilespmem:$0x5E0];
	v53 =	vshrl.u32 v44, $0x1;
	[tilespmem:$0x9B0] =	vst v51  }
0x83: {  	v56 =	vld [tilespmem:$0x3F0];
	v55 =	vshrl.u32 v46, $0x1;
	[tilespmem:$0x7C0] =	vst v53  }
0x84: {  	v58 =	vld [tilespmem:$0x5F0];
	v57 =	vshrl.u32 v48, $0x1;
	[tilespmem:$0x9C0] =	vst v55  }
0x85: {  	v59 =	vshrl.u32 v50, $0x1;
	[tilespmem:$0x7D0] =	vst v57  }
0x86: {  	v60 =	vshrl.u32 v52, $0x1;
	[tilespmem:$0x9D0] =	vst v59  }
0x87: {  	v61 =	vshrl.u32 v54, $0x1;
	[tilespmem:$0x7E0] =	vst v60  }
0x88: {  	[tilespmem:$0x9E0] =	vst v61;
	v62 =	vshrl.u32 v56, $0x1  }
0x89: {  	v63 =	vshrl.u32 v58, $0x1;
	[tilespmem:$0x7F0] =	vst v62  }
0x8a: {  	s13 =	rddreg [dreg:$0x6];
	[tilespmem:$0x9F0] =	vst v63  }
0x8b: {  	[hbm4b:s13+s4] =	stream.linear.scatter [tilespmem:s10], [sflag:$0x3], $0x200, $0x38;
	[tilespmem:$0x10A00] =	vst v63  }
0x8c: {  	_ =	swait.ge [sflag:s8], $0x200  }
0x8d: {  	[sflag:s8] =	ssyncset.done $0x0  }
0x8e: {  	s13 =	rddreg [dreg:$0x7];
	[sflag:s8] =	ssyncadd.s32 $0xFFFFFE00  }
0x8f: {  	[hbm4b:s13+s4] =	stream.linear.scatter [tilespmem:s11], [sflag:$0x3], $0x200, $0x38;
	[tilespmem:$0x10A00] =	vst v63  }
0x90: {  	_ =	swait.ge [sflag:s8], $0x200  }
0x91: {  	[sflag:s8] =	ssyncset.done $0x0  }
0x92: {  	[sflag:s8] =	ssyncadd.s32 $0xFFFFFE00  }
0x93: {  	[tilespmem:s20], [sflag:$0x2] =	stream.indirect.gather [hbm4b:s5+s9], $0x80, s19, s9, $0xb8;
	[tilespmem:$0x10A00] =	vst v63  }
0x94: {  	_ = 	snop  }
0x95: {  	[tilespmem:s22], [sflag:$0x2] =	stream.indirect.gather [hbm4b:s6+s9], $0x80, s21, s9, $0xb8;
	[tilespmem:$0x10A00] =	vst v63  }
0x96: {  	_ = 	snop  }
0x97: {  	[tilespmem:s24], [sflag:$0x2] =	stream.indirect.gather [hbm4b:s5+s9], $0x80, s23, s9, $0xb8;
	[tilespmem:$0x10A00] =	vst v63  }
0x98: {  	_ = 	snop  }
0x99: {  	[tilespmem:s26], [sflag:$0x2] =	stream.indirect.gather [hbm4b:s6+s9], $0x80, s25, s9, $0xb8;
	[tilespmem:$0x10A00] =	vst v63  }
0x9a: {  	_ =	swait.ge [sflag:s28], $0x4000  }
0x9b: {  	[sflag:s28] =	ssyncset.done $0x0  }
0x9c: {  	[sflag:s28] =	ssyncadd.s32 $0xFFFFC000  }
0x9d: {  	_ =	swait.ge [sflag:s28], $0x4000  }
0x9e: {  	[sflag:s28] =	ssyncset.done $0x0  }
0x9f: {  	[sflag:s28] =	ssyncadd.s32 $0xFFFFC000  }
0xa0: {  	_ =	swait.ge [sflag:s28], $0x4000  }
0xa1: {  	[sflag:s28] =	ssyncset.done $0x0  }
0xa2: {  	[sflag:s28] =	ssyncadd.s32 $0xFFFFC000  }
0xa3: {  	_ =	swait.ge [sflag:s28], $0x4000  }
0xa4: {  	[sflag:s28] =	ssyncset.done $0x0  }
0xa5: {  	s13 =	rddreg [dreg:$0x8];
	[sflag:s28] =	ssyncadd.s32 $0xFFFFC000  }
0xa6: {  	[hbm4b:s13+s4] =	stream.linear.scatter [tilespmem:s20], [sflag:$0x3], $0x8000, $0x38;
	[tilespmem:$0x10A00] =	vst v63  }
0xa7: {  	_ =	swait.ge [sflag:s8], $0x8000  }
0xa8: {  	[sflag:s8] =	ssyncset.done $0x0  }
0xa9: {  	s13 =	rddreg [dreg:$0x9];
	[sflag:s8] =	ssyncadd.s32 $0xFFFF8000  }
0xaa: {  	[hbm4b:s13+s4] =	stream.linear.scatter [tilespmem:s22], [sflag:$0x3], $0x8000, $0x38;
	[tilespmem:$0x10A00] =	vst v63  }
0xab: {  	_ =	swait.ge [sflag:s8], $0x8000  }
0xac: {  	[sflag:s8] =	ssyncset.done $0x0  }
0xad: {  	[sflag:s8] =	ssyncadd.s32 $0xFFFF8000  }
0xae: {  	[tilespmem:s20], [sflag:$0x2] =	stream.indirect.gather [hbm4b:s5+s9], $0x80, s29, s9, $0xb8;
	[tilespmem:$0x10A00] =	vst v63  }
0xaf: {  	_ = 	snop  }
0xb0: {  	[tilespmem:s22], [sflag:$0x2] =	stream.indirect.gather [hbm4b:s6+s9], $0x80, s30, s9, $0xb8;
	[tilespmem:$0x10A00] =	vst v63  }
0xb1: {  	_ = 	snop  }
0xb2: {  	[tilespmem:s24], [sflag:$0x2] =	stream.indirect.gather [hbm4b:s5+s9], $0x80, s31, s9, $0xb8;
	[tilespmem:$0x10A00] =	vst v63  }
0xb3: {  	_ = 	snop  }
0xb4: {  	[tilespmem:s26], [sflag:$0x2] =	stream.indirect.gather [hbm4b:s6+s9], $0x80, s0, s9, $0xb8;
	[tilespmem:$0x10A00] =	vst v63  }
0xb5: {  	_ =	swait.ge [sflag:s28], $0x4000  }
0xb6: {  	[sflag:s28] =	ssyncset.done $0x0  }
0xb7: {  	[sflag:s28] =	ssyncadd.s32 $0xFFFFC000  }
0xb8: {  	_ =	swait.ge [sflag:s28], $0x4000  }
0xb9: {  	[sflag:s28] =	ssyncset.done $0x0  }
0xba: {  	[sflag:s28] =	ssyncadd.s32 $0xFFFFC000  }
0xbb: {  	_ =	swait.ge [sflag:s28], $0x4000  }
0xbc: {  	[sflag:s28] =	ssyncset.done $0x0  }
0xbd: {  	[sflag:s28] =	ssyncadd.s32 $0xFFFFC000  }
0xbe: {  	_ =	swait.ge [sflag:s28], $0x4000  }
0xbf: {  	[sflag:s28] =	ssyncset.done $0x0  }
0xc0: {  	s13 =	rddreg [dreg:$0xa];
	[sflag:s28] =	ssyncadd.s32 $0xFFFFC000  }
0xc1: {  	[hbm4b:s13+s4] =	stream.linear.scatter [tilespmem:s20], [sflag:$0x3], $0x8000, $0x38;
	[tilespmem:$0x10A00] =	vst v63  }
0xc2: {  	_ =	swait.ge [sflag:s8], $0x8000  }
0xc3: {  	p0 =	sne.s32 s7, $0x1;
	[sflag:s8] =	ssyncset.done $0x0  }
.Ltmp0:
0xc4: {  	s13 =	rddreg [dreg:$0xb];
	[sflag:s8] =	ssyncadd.s32 $0xFFFF8000;
	(pc) =	sbr.rel @p0 .LBB2_1-.Ltmp0, $4  }
0xc5: {  	[hbm4b:s13+s4] =	stream.linear.scatter [tilespmem:s22], [sflag:$0x3], $0x8000, $0x38;
	[tilespmem:$0x10A00] =	vst v63  }
0xc6: {  	_ =	swait.ge [sflag:s8], $0x8000  }
0xc7: {  	[sflag:s8] =	ssyncset.done $0x0  }
0xc8: {  	s7 =	sadd.s32 $0xFFFFFFFF, s7;
	[sflag:s8] =	ssyncadd.s32 $0xFFFF8000  }
0xc9: {  	_ =	sfence.sel $0x180000  }
0xca: {  	[bflag:$0x0] =	sbarrier.arrive $0xFFFF  }
0xcb: {  	_ =	strace $0x90000047  }
0xcc: {  	s0 =	stileid.u32;
	[bflag:$0x2] =	sbarrier.arrive $0xFFFF  }
0xcd: {  	p0 =	sne.s32 s0, $0x0;
	s0 =	rddreg [dreg:$0x4]  }
0xce: {  	s0 =	sadd.s32 @!p0 $0x100000, s0  }
0xcf: {  	[sflag:s0] =	ssyncadd.tile.s32 @!p0 $0x1;
	_ =	shalt  }
.Lfunc_end2:
_tile_overlayer_lowered:
.L_overlay_start_2:
0xd0: {  	(tag) =	ssettag $0x2  }
0xd1: {  	s0 =	rddreg [dreg:$0x0];
	s2 =	stileid.u32  }
0xd2: {  	s1 =	rddreg [dreg:$0x1];
	p0 =	sne.s32 s2, $0x0  }
0xd3: {  	s3 =	rddreg [dreg:$0x2];
	[bflag:$0x3] =	sbarrier.arrive $0xFFFF;
	s2 =	simm.s32 @!p0 $0x1C03  }
0xd4: {  	[timem:s3], [sflag:s2] =	dma.local @!p0 [hbm:s0], s1  }
0xd5: {  	s0 =	simm.s32 @!p0 $0x3  }
0xd6: {  	_ =	swait.ge @!p0 [sflag:s0], s1  }
0xd7: {  	s1 =	ssub.s32 @!p0 $0x0, s1;
	[sflag:s0] =	ssyncset.done @!p0 $0x0  }
0xd8: {  	[sflag:s0] =	ssyncadd.s32 @!p0 s1  }
0xd9: {  	[bflag:$0x3] =	sbarrier.arrive $0xFFFF  }
0xda: {  	_ =	shalt  }

// kernel: kernel.9.cloned.1.call-start
scs
__scs_entry_jumppad:
0x0: {  	(pc) =	sbr.rel $0x88, $3  }
0x1: {  	(tag) =	ssettag $0x0;
	lr =	simm.s32 $0x1  }
0x2: {  	[smem:$0x3F99] =	sst lr;
	_ =	strace $0xD0000000  }
0x3: {  	_ = 	snop  }
0x4: {  	_ = 	snop  }
0x5: {  	_ = 	snop  }
0x6: {  	_ = 	snop  }
0x7: {  	_ = 	snop  }
__scs_overlays_trampoline_lowered:
0x8: {  	[smem:$0x3FA8] =	sst s0  }
0x9: {  	[smem:$0x3FA9] =	sst s1  }
0xa: {  	[smem:$0x3FAA] =	sst s2  }
0xb: {  	[smem:$0x3FAB] =	sst s3  }
0xc: {  	[smem:$0x3FAC] =	sst s4  }
0xd: {  	[smem:$0x3FAD] =	sst s5  }
0xe: {  	[smem:$0x3FAE] =	sst s6  }
0xf: {  	[smem:$0x3FAF] =	sst s7  }
0x10: {  	[smem:$0x3FB0] =	sst s8  }
0x11: {  	[smem:$0x3FB1] =	sst s9;
	s0 =	simm.s32 @!p0 $0x0  }
0x12: {  	s1 =	sld [smem:$0x3F97];
	s0 =	simm.s32 @p0 $0x1  }
0x13: {  	[smem:$0x3FB2] =	sst s0;
	s0 =	simm.s32 @!p1 $0x0  }
0x14: {  	s2 =	sld [smem:$0x3F96];
	s0 =	simm.s32 @p1 $0x1  }
0x15: {  	[smem:$0x3FB3] =	sst s0;
	s0 =	simm.s32 @!p2 $0x0  }
0x16: {  	s3 =	sld [smem:$0x3FDB];
	s0 =	simm.s32 @p2 $0x1  }
0x17: {  	s4 =	simm.s32 $0x1BF5;
	[smem:$0x3FB5] =	sst s0  }
0x18: {  	s0 =	sld [smem:$0x3F98];
	_ =	swait.ge [sflag:s4], $0x0  }
0x19: {  	s7 =	sld [smem:$0x3F99]  }
0x1a: {  	s8 =	sadd.s32 $0xFFFFE003, lr  }
0x1b: {  	s9 =	sadd.s32 $0xFFFFFEF7, lr;
	s5 =	simm.s32 $0xFFFFFFFF;
	p2 =	slt.u32 s8, $0xFFFFF086  }
0x1c: {  	p1 =	slt.u32 s9, $0xF7A;
	s5 =	simm.s32 @!p2 $0x0  }
0x1d: {  	s5 =	simm.s32 @p1 $0x1;
	p0 =	seq.s32 s7, s2  }
0x1e: {  	s7 =	smul.u32 @!p0 $0xF7A, s2;
	p2 =	seq.s32 @!p0 s5, $0x0  }
0x1f: {  	s9 =	smul.u32 $0xF7A, s1;
	s8 =	simm.s32 @!p0 $0x1BF5;
	p2 =	por !p2, p0  }
0x20: {  	[sflag:s8] =	ssyncset.s32 @!p0 $0xFFFFF086;
	s6 =	sadd.s32 @!p0 s3, s7;
	s7 =	simm.s32 @!p0 $0x108  }
0x21: {  	s3 =	sadd.s32 s3, s9;
	s6 =	sadd.s32 @!p0 $0x88, s6;
	s7 =	simm.s32 @p2 $0x1082  }
0x22: {  	[simem:s7], [sflag:s8] =	dma.local @!p0 [hbm:s6], $0xF7A  }
0x23: {  	s9 =	sor.u32 $0xD0000000, s2;
	s6 =	simm.s32 $0x108;
	_ =	swait.ge @!p0 [sflag:s8], $0x0  }
0x24: {  	s3 =	sadd.s32 $0x88, s3;
	s6 =	simm.s32 @!p1 $0x1082;
	[sflag:s4] =	ssyncset.s32 $0xFFFFF086  }
0x25: {  	[simem:s6], [sflag:s4] =	dma.local [hbm:s3], $0xF7A  }
0x26: {  	[smem:$0x3F99] =	sst s1;
	(tag) =	ssettag s2;
	_ =	strace s9  }
0x27: {  	s1 =	sld [smem:$0x3FA9]  }
0x28: {  	s2 =	sld [smem:$0x3FAA]  }
0x29: {  	s4 =	sld [smem:$0x3FAC]  }
0x2a: {  	p0 =	seq.s32 s5, $0x0;
	s5 =	sld [smem:$0x3FAD]  }
0x2b: {  	s6 =	sld [smem:$0x3FAE]  }
0x2c: {  	s7 =	sld [smem:$0x3FAF]  }
0x2d: {  	s3 =	simm.s32 $0x108;
	s8 =	sld [smem:$0x3FB0]  }
0x2e: {  	s3 =	simm.s32 @!p0 $0x1082;
	s9 =	sld [smem:$0x3FB1]  }
0x2f: {  	lr =	sadd.s32 s0, s3;
	s0 =	sld [smem:$0x3FA8]  }
0x30: {  	s3 =	sld [smem:$0x3FAB]  }
0x31: {  	[smem:$0x3FB4] =	sst s10  }
0x32: {  	s10 =	sld [smem:$0x3FB2];
	_ =	sdelay $0x3  }
0x33: {  	p0 =	seq.s32 s10, $0x1;
	s10 =	sld [smem:$0x3FB4];
	_ =	sdelay $0x3  }
0x34: {  	[smem:$0x3FB4] =	sst s10  }
0x35: {  	s10 =	sld [smem:$0x3FB3];
	_ =	sdelay $0x3  }
0x36: {  	p1 =	seq.s32 s10, $0x1;
	s10 =	sld [smem:$0x3FB4];
	_ =	sdelay $0x3  }
0x37: {  	[smem:$0x3FB4] =	sst s10  }
0x38: {  	s10 =	sld [smem:$0x3FB5]  }
0x39: {  	_ = 	snop;
	(pc) =	sbr.ind lr, $3  }
0x3a: {  	_ = 	snop  }
0x3b: {  	_ = 	snop  }
0x3c: {  	p2 =	seq.s32 s10, $0x1;
	s10 =	sld [smem:$0x3FB4]  }
0x3d: {  	_ =	shalt  }
0x3e: {  	_ =	shalt  }
0x3f: {  	_ =	shalt  }
0x40: {  	_ =	shalt  }
0x41: {  	_ =	shalt  }
0x42: {  	_ =	shalt  }
0x43: {  	_ =	shalt  }
0x44: {  	_ =	shalt  }
0x45: {  	_ =	shalt  }
0x46: {  	_ =	shalt  }
0x47: {  	_ =	shalt  }
0x48: {  	_ =	shalt  }
0x49: {  	_ =	shalt  }
0x4a: {  	_ =	shalt  }
0x4b: {  	_ =	shalt  }
0x4c: {  	_ =	shalt  }
0x4d: {  	_ =	shalt  }
0x4e: {  	_ =	shalt  }
0x4f: {  	_ =	shalt  }
0x50: {  	_ =	shalt  }
0x51: {  	_ =	shalt  }
0x52: {  	_ =	shalt  }
0x53: {  	_ =	shalt  }
0x54: {  	_ =	shalt  }
0x55: {  	_ =	shalt  }
0x56: {  	_ =	shalt  }
0x57: {  	_ =	shalt  }
0x58: {  	_ =	shalt  }
0x59: {  	_ =	shalt  }
0x5a: {  	_ =	shalt  }
0x5b: {  	_ =	shalt  }
0x5c: {  	_ =	shalt  }
0x5d: {  	_ =	shalt  }
0x5e: {  	_ =	shalt  }
0x5f: {  	_ =	shalt  }
0x60: {  	_ =	shalt  }
0x61: {  	_ =	shalt  }
0x62: {  	_ =	shalt  }
0x63: {  	_ =	shalt  }
0x64: {  	_ =	shalt  }
0x65: {  	_ =	shalt  }
0x66: {  	_ =	shalt  }
0x67: {  	_ =	shalt  }
0x68: {  	_ =	shalt  }
0x69: {  	_ =	shalt  }
0x6a: {  	_ =	shalt  }
0x6b: {  	_ =	shalt  }
0x6c: {  	_ =	shalt  }
0x6d: {  	_ =	shalt  }
0x6e: {  	_ =	shalt  }
0x6f: {  	_ =	shalt  }
0x70: {  	_ =	shalt  }
0x71: {  	_ =	shalt  }
0x72: {  	_ =	shalt  }
0x73: {  	_ =	shalt  }
0x74: {  	_ =	shalt  }
0x75: {  	_ =	shalt  }
0x76: {  	_ =	shalt  }
0x77: {  	_ =	shalt  }
0x78: {  	_ =	shalt  }
0x79: {  	_ =	shalt  }
0x7a: {  	_ =	shalt  }
0x7b: {  	_ =	shalt  }
0x7c: {  	_ =	shalt  }
0x7d: {  	_ =	shalt  }
0x7e: {  	_ =	shalt  }
0x7f: {  	_ =	shalt  }
0x80: {  	_ =	shalt  }
0x81: {  	_ =	shalt  }
0x82: {  	_ =	shalt  }
0x83: {  	_ =	shalt  }
0x84: {  	_ =	shalt  }
0x85: {  	_ =	shalt  }
0x86: {  	_ =	shalt  }
0x87: {  	_ =	shalt  }
.Lfunc_end0:
.L_simem_size_0:
called_computation.1_lowered:
.L_overlay_start_0:
0x88: {  	s2 =	sld [smem:$0x3FD9]  }
0x89: {  	s3 =	sld [smem:$0x3FFE];
	_ =	sdelay $0x1  }
0x8a: {  	s1 =	srdreg.scid  }
0x8b: {  	s0 =	sand.u32 $0x1, s1  }
0x8c: {  	s17 =	sshll.u32 s0, $0xA;
	s2 =	sadd.s32 s3, s2  }
0x8d: {  	s2 =	sadd.s32 s2, s17  }
0x8e: {  	[smem:$0x3FC0] =	sst s2  }
0x8f: {  	_ = 	snop  }
0x90: {  	s18 =	sld [smem:$0x3FD0];
	(tm) =	ssettm $0x1  }
0x91: {  	s19 =	sld [smem:$0x3FFB];
	_ =	sdelay $0x3  }
0x92: {  	_ =	strace s19  }
0x93: {  	s2 =	sld [smem:$0x3FFC];
	_ =	sdelay $0x3  }
0x94: {  	_ =	strace s2  }
0x95: {  	s2 =	sld [smem:$0x3FFD];
	_ =	sdelay $0x3  }
0x96: {  	_ =	strace s2  }
0x97: {  	_ =	strace $0x8FFFFFFF  }
0x98: {  	s20 =	sld [smem:$0x3FDB];
	_ =	sdelay $0x1  }
0x99: {  	s4 =	simm.s32 $_scs_section_size  }
0x9a: {  	s5 =	simm.s32 $_size__tile_overlayer_lowered;
	s6 =	simm.s32 $_tile_overlayer_lowered  }
0x9b: {  	s7 =	simm.s32 $0x1BFF;
	s21 =	sshll.u32 s6, $0x1;
	s4 =	sadd.s32 s4, s20  }
0x9c: {  	s22 =	simm.s32 $0x0;
	s5 =	sshll.u32 s5, $0x1;
	s6 =	sadd.s32 s21, s4  }
0x9d: {  	[timem:s22], [sflag:s7] =	dma.local [hbm:s6], s5  }
0x9e: {  	_ =	swait.ge [sflag:s7], s5  }
0x9f: {  	s5 =	ssub.s32 $0x0, s5;
	[sflag:s7] =	ssyncset.done $0x0  }
0xa0: {  	[sflag:s7] =	ssyncadd.s32 s5;
	_ =	sdelay $0x1  }
0xa1: {  	s23 =	simm.s32 $0x1B8B  }
0xa2: {  	_ =	swait.ge [sflag:s23], $0x1  }
0xa3: {  	[sflag:s23] =	ssyncset.done $0x0  }
0xa4: {  	[sflag:s23] =	ssyncadd.s32 $0xFFFFFFFF  }
0xa5: {  	s5 =	sld [smem:$0x0]  }
0xa6: {  	s6 =	sand.u32 $0xFFFFFFFE, s1  }
0xa7: {  	p0 =	sne.s32 s1, s6  }
0xa8: {  	s6 =	sshll.u32 @p0 s6, $0xE  }
0xa9: {  	s6 =	sadd.s32 @p0 $0x11B8D, s6;
	s7 =	sshll.u32 @p0 s5, $0x11  }
0xaa: {  	s6 =	sor.u32 @p0 s7, s6  }
0xab: {  	[sflag:s6] =	ssyncadd.remote.s32 @p0 $0x1;
	_ =	sdelay $0x1  }
0xac: {  	s6 =	simm.s32 @p0 $0x1B8D  }
0xad: {  	_ =	swait.eq @p0 [sflag:s6], $0x1  }
0xae: {  	[sflag:s6] =	ssyncadd.s32 @p0 $0xFFFFFFFF  }
0xaf: {  	s7 =	sshll.u32 @!p0 s1, $0xE  }
0xb0: {  	s7 =	sor.u32 @!p0 $0x4000, s7;
	s6 =	simm.s32 @!p0 $0x1B8D  }
0xb1: {  	s5 =	sshll.u32 @!p0 s5, $0x11;
	s7 =	sadd.s32 @!p0 $0x11B8D, s7;
	_ =	swait.eq @!p0 [sflag:s6], $0x1  }
0xb2: {  	s5 =	sor.u32 @!p0 s5, s7;
	[sflag:s6] =	ssyncadd.s32 @!p0 $0xFFFFFFFF  }
0xb3: {  	s25 =	simm.s32 $0x1B8E;
	s24 =	sld [smem:$0x3FFE];
	[sflag:s5] =	ssyncadd.remote.s32 @!p0 $0x1  }
0xb4: {  	s26 =	simm.s32 $execute0_lowered;
	[smem:$0x3FD2] =	sst s25  }
0xb5: {  	s6 =	sshll.u32 s26, $0x1;
	_ =	strace $0x80000049;
	[dreg:$0x1] =	wrdreg $0xFFFFFFFF  }
0xb6: {  	s28 =	simm.s32 $_size_execute0_lowered;
	s4 =	sadd.s32 s4, s6;
	[dreg:$0x0] =	wrdreg $0x0  }
0xb7: {  	s6 =	sshll.u32 s28, $0x1;
	[dreg:$0x2] =	wrdreg s4  }
0xb8: {  	[dreg:$0x3] =	wrdreg s6  }
0xb9: {  	[dreg:$0x4] =	wrdreg $0xC0  }
0xba: {  	_ =	task [dreg:s22], $0x5FFFF  }
0xbb: {  	[dreg:$0x1] =	wrdreg $0xFFFFFFFF  }
0xbc: {  	[dreg:$0x0] =	wrdreg $0x60  }
0xbd: {  	[dreg:$0x2] =	wrdreg s18  }
0xbe: {  	[dreg:$0x3] =	wrdreg s24  }
0xbf: {  	[dreg:$0x4] =	wrdreg $0xA  }
0xc0: {  	_ =	task.clear_ibuf [dreg:s22], $0x5FFFF;
	_ =	strace $0x90000049  }
0xc1: {  	s29 =	simm.s32 $0xA;
	_ =	strace $0x8000004B  }
0xc2: {  	_ =	swait.ge [sflag:s29], $0x1  }
0xc3: {  	[sflag:s29] =	ssyncadd.s32 $0xFFFFFFFF  }
0xc4: {  	_ =	strace $0x9000004B  }
0xc5: {  	_ =	sfence  }
0xc6: {  	s30 =	sld [smem:$0x0];
	_ =	sdelay $0x2  }
0xc7: {  	s31 =	sshll.u32 s1, $0xD;
	s1 =	sshrl.u32 s1, $0x2  }
0xc8: {  	s4 =	sand.u32 $0x4000, s31;
	s1 =	sadd.s32 s1, s30  }
0xc9: {  	s0 =	sor.u32 s4, s0;
	s1 =	sshll.u32 s1, $0x11  }
0xca: {  	s0 =	sor.u32 s1, s0  }
0xcb: {  	s0 =	sadd.s32 $0x8F2B, s0  }
0xcc: {  	[sflag:s0] =	ssyncadd.remote.s32 $0x1  }
0xcd: {  	_ =	sfence.sel $0xFFFF  }
0xce: {  	[dreg:$0x0] =	wrdreg $0xFFFFFFFF;
	(pc) =	sbr.abs _section_cstart, $3  }
0xcf: {  	[dreg:$0x1] =	wrdreg $0xFFFFFFFF  }
0xd0: {  	_ =	task.clear_ibuf [dreg:s22], $0x2FFFF;
	_ =	strace $0x9FFFFFFF  }
0xd1: {  	(tm) =	ssettm $0x7FFFFFFF  }
tec
execute0_lowered:
.L_overlay_start_1:
0x0: {  	(tag) =	ssettag $0x1  }
0x1: {  	s1 =	srdreg.scid  }
0x2: {  	s3 =	rddreg [dreg:$0x0];
	s0 =	stileid.u32;
	s14 =	sand.u32 $0x1, s1  }
0x3: {  	s15 =	rddreg [dreg:$0x1];
	s4 =	sshll.u32 s0, $0xA;
	s5 =	sshll.u32 s14, $0x9  }
0x4: {  	s2 =	simm.s32 $0x0;
	s1 =	rddreg [dreg:$0x2];
	s16 =	sor.u32 s5, s4  }
0x5: {  	[smem:$0x7FF] =	sst s2;
	s4 =	sshrl.u32 s16, $0x3  }
0x6: {  	_ =	strace $0x8000004A;
	s4 =	sadd.s32 s3, s4;
	s3 =	simm.s32 $0x2  }
0x7: {  	[tilespmem:s2], [sflag:$0x2] =	stream.linear.gather [hbm4b:s4+s2], $0x200, $0x38;
	[tilespmem:$0x10200] =	vst v63  }
0x8: {  	_ =	swait.ge [sflag:s3], $0x200  }
0x9: {  	s6 =	simm.s32 $0x80;
	[sflag:s3] =	ssyncset.done $0x0  }
0xa: {  	s7 =	simm.s32 $0x200;
	s5 =	sadd.s32 $0x310C00, s15;
	[sflag:s3] =	ssyncadd.s32 $0xFFFFFE00  }
0xb: {  	[tilespmem:s7], [sflag:$0x1] =	stream.indirect.gather [hbm4b:s5+s6], $0x80, s2, s6, $0xb8;
	[tilespmem:$0x10200] =	vst v63  }
0xc: {  	s8 =	simm.s32 $0x4200  }
0xd: {  	[tilespmem:s8], [sflag:$0x1] =	stream.indirect.gather [hbm4b:s5+s6], $0x80, s6, s6, $0xb8;
	[tilespmem:$0x10200] =	vst v63  }
0xe: {  	s9 =	simm.s32 $0x100;
	s10 =	simm.s32 $0x8200  }
0xf: {  	[tilespmem:s10], [sflag:$0x1] =	stream.indirect.gather [hbm4b:s5+s6], $0x80, s9, s6, $0xb8;
	[tilespmem:$0x10200] =	vst v63  }
0x10: {  	s11 =	simm.s32 $0x180;
	s12 =	simm.s32 $0xC200;
	s13 =	simm.s32 $0x1  }
0x11: {  	[tilespmem:s12], [sflag:$0x1] =	stream.indirect.gather [hbm4b:s5+s6], $0x80, s11, s6, $0xb8;
	[tilespmem:$0x10200] =	vst v63  }
0x12: {  	_ =	swait.ge [sflag:s13], $0x4000  }
0x13: {  	[sflag:s13] =	ssyncset.done $0x0  }
0x14: {  	[sflag:s13] =	ssyncadd.s32 $0xFFFFC000  }
0x15: {  	_ =	swait.ge [sflag:s13], $0x4000  }
0x16: {  	[sflag:s13] =	ssyncset.done $0x0  }
0x17: {  	s14 =	ssub.s32 $0x2, s14;
	[sflag:s13] =	ssyncadd.s32 $0xFFFFC000  }
0x18: {  	s17 =	sshrl.u32 s14, $0x1;
	_ =	swait.ge [sflag:s13], $0x4000  }
0x19: {  	s30 =	ssub.s32 s14, s17;
	[sflag:s13] =	ssyncset.done $0x0  }
0x1a: {  	s31 =	smax.u32 s30, $0x1;
	[sflag:s13] =	ssyncadd.s32 $0xFFFFC000  }
0x1b: {  	s16 =	sshll.u32 s16, $0x4;
	p0 =	sne.s32 s31, $0x1;
	_ =	swait.ge [sflag:s13], $0x4000  }
.Ltmp0:
0x1c: {  	s15 =	sadd.s32 s16, s15;
	[sflag:s13] =	ssyncset.done $0x0;
	(pc) =	sbr.rel @!p0 .LBB2_2-.Ltmp0, $4  }
0x1d: {  	s14 =	sadd.s32 $0x84A00, s15;
	[sflag:s13] =	ssyncadd.s32 $0xFFFFC000  }
0x1e: {  	[hbm4b:s14+s2] =	stream.linear.scatter [tilespmem:s7], [sflag:$0x2], $0x10000, $0x38;
	[tilespmem:$0x10200] =	vst v63  }
0x1f: {  	_ =	swait.ge [sflag:s3], $0x10000  }
0x20: {  	s15 =	sadd.s32 $0xFFFFFFFF, s31;
	[sflag:s3] =	ssyncset.done $0x0  }
.LBB2_1:
0x21: {  	p0 =	sne.s32 s15, $0x1;
	s15 =	sadd.s32 $0xFFFFFFFF, s15;
	[sflag:s3] =	ssyncadd.s32 $0xFFFF0000  }
0x22: {  	[tilespmem:s2], [sflag:$0x2] =	stream.linear.gather [hbm4b:s4+s2], $0x200, $0x38;
	[tilespmem:$0x10200] =	vst v63  }
0x23: {  	_ =	swait.ge [sflag:s3], $0x200  }
0x24: {  	[sflag:s3] =	ssyncset.done $0x0  }
0x25: {  	[sflag:s3] =	ssyncadd.s32 $0xFFFFFE00  }
0x26: {  	[tilespmem:s7], [sflag:$0x1] =	stream.indirect.gather [hbm4b:s5+s6], $0x80, s2, s6, $0xb8;
	[tilespmem:$0x10200] =	vst v63  }
0x27: {  	_ = 	snop  }
0x28: {  	[tilespmem:s8], [sflag:$0x1] =	stream.indirect.gather [hbm4b:s5+s6], $0x80, s6, s6, $0xb8;
	[tilespmem:$0x10200] =	vst v63  }
0x29: {  	_ = 	snop  }
0x2a: {  	[tilespmem:s10], [sflag:$0x1] =	stream.indirect.gather [hbm4b:s5+s6], $0x80, s9, s6, $0xb8;
	[tilespmem:$0x10200] =	vst v63  }
0x2b: {  	_ = 	snop  }
0x2c: {  	[tilespmem:s12], [sflag:$0x1] =	stream.indirect.gather [hbm4b:s5+s6], $0x80, s11, s6, $0xb8;
	[tilespmem:$0x10200] =	vst v63  }
0x2d: {  	_ =	swait.ge [sflag:s13], $0x4000  }
0x2e: {  	[sflag:s13] =	ssyncset.done $0x0  }
0x2f: {  	[sflag:s13] =	ssyncadd.s32 $0xFFFFC000  }
0x30: {  	_ =	swait.ge [sflag:s13], $0x4000  }
0x31: {  	[sflag:s13] =	ssyncset.done $0x0  }
0x32: {  	[sflag:s13] =	ssyncadd.s32 $0xFFFFC000  }
0x33: {  	_ =	swait.ge [sflag:s13], $0x4000  }
0x34: {  	[sflag:s13] =	ssyncset.done $0x0  }
0x35: {  	[sflag:s13] =	ssyncadd.s32 $0xFFFFC000  }
0x36: {  	_ =	swait.ge [sflag:s13], $0x4000  }
.Ltmp1:
0x37: {  	[sflag:s13] =	ssyncset.done $0x0;
	(pc) =	sbr.rel @p0 .LBB2_1-.Ltmp1, $4  }
0x38: {  	[sflag:s13] =	ssyncadd.s32 $0xFFFFC000  }
0x39: {  	[hbm4b:s14+s2] =	stream.linear.scatter [tilespmem:s7], [sflag:$0x2], $0x10000, $0x38;
	[tilespmem:$0x10200] =	vst v63  }
0x3a: {  	_ =	swait.ge [sflag:s3], $0x10000  }
0x3b: {  	[sflag:s3] =	ssyncset.done $0x0  }
.LBB2_2:
0x3c: {  	[sflag:s3] =	ssyncadd.s32 $0xFFFF0000  }
0x3d: {  	_ =	sfence.sel $0x180000  }
0x3e: {  	[bflag:$0x0] =	sbarrier.arrive $0xFFFF  }
0x3f: {  	p0 =	sne.s32 s0, $0x0;
	_ =	strace $0x9000004A  }
0x40: {  	s0 =	sadd.s32 @!p0 $0x100000, s1;
	[bflag:$0x2] =	sbarrier.arrive $0xFFFF  }
0x41: {  	[sflag:s0] =	ssyncadd.tile.s32 @!p0 $0x1;
	_ =	shalt  }
.Lfunc_end2:
_tile_overlayer_lowered:
.L_overlay_start_2:
0x42: {  	(tag) =	ssettag $0x2  }
0x43: {  	s0 =	rddreg [dreg:$0x0];
	s2 =	stileid.u32  }
0x44: {  	s1 =	rddreg [dreg:$0x1];
	p0 =	sne.s32 s2, $0x0  }
0x45: {  	s3 =	rddreg [dreg:$0x2];
	[bflag:$0x3] =	sbarrier.arrive $0xFFFF;
	s2 =	simm.s32 @!p0 $0x1C02  }
0x46: {  	[timem:s3], [sflag:s2] =	dma.local @!p0 [hbm:s0], s1  }
0x47: {  	s0 =	simm.s32 @!p0 $0x2  }
0x48: {  	_ =	swait.ge @!p0 [sflag:s0], s1  }
0x49: {  	s1 =	ssub.s32 @!p0 $0x0, s1;
	[sflag:s0] =	ssyncset.done @!p0 $0x0  }
0x4a: {  	[sflag:s0] =	ssyncadd.s32 @!p0 s1  }
0x4b: {  	[bflag:$0x3] =	sbarrier.arrive $0xFFFF  }
0x4c: {  	_ =	shalt  }

</sc_bundles>
